<compile_context>
chip_gen: v7x
topology: tpu7x:2x2x1
jax: 0.10.2.dev20260603
libtpu: 0.0.44.dev20260713+nightly
codegen_flags: <defaults>
</compile_context>

<pallas_src>
import functools

import jax
import jax.numpy as jnp
from jax import lax
from jax.experimental import pallas as pl
from jax.experimental.pallas import tpu as pltpu
from jax.experimental.pallas import tpu_sc as plsc

N = 10000
E = 320000
G = 64
K = 30
NPAD = 10240
TRASH = N
DEGW = 16
CHUNK = 128
NCHUNKS = E // CHUNK
NC = 2
NS = 16
NW = NC * NS
RPT = NPAD // NS

@functools.lru_cache(maxsize=None)
def _mesh():
    return plsc.VectorSubcoreMesh(
        core_axis_name="c", subcore_axis_name="s",
        num_cores=NC, num_subcores=NS)


def _worker_ids():
    cid = lax.axis_index("c")
    sid = lax.axis_index("s")
    return cid, sid, sid * NC + cid


def _zero_tile_rows(zbuf, shared, sid, width):
    def zrow(i, _):
        for c0 in range(0, width, 16):
            zbuf[i, pl.ds(c0, 16)] = jnp.zeros((16,), jnp.float32)
        return 0
    lax.fori_loop(0, RPT, zrow, 0)
    pltpu.sync_copy(zbuf, shared.at[pl.ds(sid * RPT, RPT)])


def _edge_loop(wid, body):
    n_my = (NCHUNKS - wid + NW - 1) // NW

    def step(t, _):
        body(wid + t * NW)
        return 0
    lax.fori_loop(0, n_my, step, 0)



@functools.lru_cache(maxsize=None)
def _build_sc_prep():
    return functools.partial(
        pl.kernel,
        out_type=(jax.ShapeDtypeStruct((E,), jnp.int32),
                  jax.ShapeDtypeStruct((NC, NPAD, DEGW), jnp.float32)),
        mesh=_mesh(),
        scratch_types=[
            pltpu.VMEM((CHUNK,), jnp.int32),
            pltpu.VMEM((CHUNK,), jnp.int32),
            pltpu.VMEM((CHUNK,), jnp.int32),
            pltpu.VMEM((CHUNK, DEGW), jnp.float32),
            pltpu.VMEM((RPT, DEGW), jnp.float32),
            pltpu.VMEM_SHARED((NPAD, DEGW), jnp.float32),
        ],
        compiler_params=pltpu.CompilerParams(use_tc_tiling_on_sc=False),
    )(_sc_prep_body)


def _sc_prep_body(row_hbm, col_hbm, colp_hbm, degp_hbm,
                  r_v, c_v, cp_v, ones_v, zbuf, deg_sh):
    cid, sid, wid = _worker_ids()

    def fill_ones(i, _):
        ones_v[i, :] = jnp.ones((16,), jnp.float32)
        return 0
    lax.fori_loop(0, CHUNK, fill_ones, 0)
    _zero_tile_rows(zbuf, deg_sh, sid, DEGW)
    plsc.subcore_barrier()

    def do_chunk(j):
        base = j * CHUNK
        pltpu.sync_copy(row_hbm.at[pl.ds(base, CHUNK)], r_v)
        pltpu.sync_copy(col_hbm.at[pl.ds(base, CHUNK)], c_v)
        for i in range(0, CHUNK, 16):
            r16 = r_v[pl.ds(i, 16)]
            c16 = c_v[pl.ds(i, 16)]
            cp_v[pl.ds(i, 16)] = jnp.where(
                r16 != c16, c16, jnp.full((16,), TRASH, jnp.int32))
        pltpu.sync_copy(cp_v, colp_hbm.at[pl.ds(base, CHUNK)])
        pltpu.sync_copy(ones_v, deg_sh.at[cp_v], add=True)

    _edge_loop(wid, do_chunk)
    plsc.subcore_barrier()
    pltpu.sync_copy(deg_sh.at[pl.ds(sid * RPT, RPT)],
                    degp_hbm.at[cid, pl.ds(sid * RPT, RPT)])



@functools.lru_cache(maxsize=None)
def _make_sc_scatter(fw):
    @functools.partial(
        pl.kernel,
        out_type=jax.ShapeDtypeStruct((NC, NPAD, fw), jnp.float32),
        mesh=_mesh(),
        scratch_types=[
            pltpu.VMEM((CHUNK,), jnp.int32),
            pltpu.VMEM((CHUNK,), jnp.int32),
            pltpu.VMEM((CHUNK, fw), jnp.float32),
            pltpu.VMEM((RPT, fw), jnp.float32),
            pltpu.VMEM_SHARED((NPAD, fw), jnp.float32),
            pltpu.SemaphoreType.DMA,
        ],
        compiler_params=pltpu.CompilerParams(use_tc_tiling_on_sc=False),
    )
    def sc_scatter(g_hbm, row_hbm, colp_hbm, sp_hbm,
                   ridx_v, cidx_v, rows_v, zbuf, acc_sh, sem):
        cid, sid, wid = _worker_ids()
        _zero_tile_rows(zbuf, acc_sh, sid, fw)
        plsc.subcore_barrier()

        def do_chunk(j):
            base = j * CHUNK
            pltpu.sync_copy(row_hbm.at[pl.ds(base, CHUNK)], ridx_v)
            pltpu.sync_copy(colp_hbm.at[pl.ds(base, CHUNK)], cidx_v)
            pltpu.async_copy(g_hbm.at[ridx_v], rows_v, sem).wait()
            pltpu.sync_copy(rows_v, acc_sh.at[cidx_v], add=True)

        _edge_loop(wid, do_chunk)
        plsc.subcore_barrier()
        pltpu.sync_copy(acc_sh.at[pl.ds(sid * RPT, RPT)],
                        sp_hbm.at[cid, pl.ds(sid * RPT, RPT)])

    return sc_scatter



NPOOL = G * 32
PPW = NPOOL // NW


@functools.lru_cache(maxsize=None)
def _build_sc_pool_gather():
    return functools.partial(
        pl.kernel,
        out_type=jax.ShapeDtypeStruct((NPOOL, 128), jnp.float32),
        mesh=_mesh(),
        scratch_types=[
            pltpu.VMEM((PPW,), jnp.int32),
            pltpu.VMEM((PPW, 128), jnp.float32),
            pltpu.SemaphoreType.DMA,
        ],
        compiler_params=pltpu.CompilerParams(use_tc_tiling_on_sc=False),
    )(_sc_pool_gather_body)


def _sc_pool_gather_body(xc_hbm, idx_hbm, pooled_hbm, idx_v, rows_v, sem):
    _, _, wid = _worker_ids()
    base = wid * PPW
    pltpu.sync_copy(idx_hbm.at[pl.ds(base, PPW)], idx_v)
    pltpu.async_copy(xc_hbm.at[idx_v], rows_v, sem).wait()
    pltpu.sync_copy(rows_v, pooled_hbm.at[pl.ds(base, PPW)])


def _sc_prep(row, col):
    return _build_sc_prep()(row, col)


def _sc_scatter(fw, g, row, colp):
    return _make_sc_scatter(fw)(g, row, colp)


def _sc_pool_gather(xc, idx):
    return _build_sc_pool_gather()(xc, idx)



def _tc_first(x_ref, w1_ref, degp_ref, dinv_ref, g1_ref):
    deg = degp_ref[0, :, 0:1] + degp_ref[1, :, 0:1]
    dinv = lax.rsqrt(deg[0:N] + 1.0)
    dinv_ref[...] = dinv
    h = jnp.dot(x_ref[...], w1_ref[...], preferred_element_type=jnp.float32)
    g1_ref[0:N, :] = h * dinv
    g1_ref[N:NPAD, :] = jnp.zeros((NPAD - N, 32), jnp.float32)


def _tc_combine(sp_ref, g_ref, dinv_ref, b_ref, wn_ref, xl_ref, gn_ref):
    s = sp_ref[0, 0:N, :] + sp_ref[1, 0:N, :]
    dinv = dinv_ref[...]
    xl = jnp.tanh(dinv * (s + g_ref[0:N, :]) + b_ref[...])
    xl_ref[...] = xl
    h = jnp.dot(xl, wn_ref[...], preferred_element_type=jnp.float32)
    fw = gn_ref.shape[1]
    gn_ref[0:N, :] = h * dinv
    gn_ref[N:NPAD, :] = jnp.zeros((NPAD - N, fw), jnp.float32)


def _tc_last(sp_ref, g_ref, dinv_ref, b_ref, x1_ref, x2_ref, x3_ref,
             xc_ref):
    s = sp_ref[0, 0:N, :] + sp_ref[1, 0:N, :]
    x4 = jnp.tanh(dinv_ref[...] * (s + g_ref[0:N, :]) + b_ref[...])
    xc_ref[0:N, 0:32] = x1_ref[...]
    xc_ref[0:N, 32:64] = x2_ref[...]
    xc_ref[0:N, 64:96] = x3_ref[...]
    xc_ref[0:N, 96:112] = x4
    xc_ref[0:N, 112:128] = jnp.zeros((N, 16), jnp.float32)
    xc_ref[N:NPAD, :] = jnp.zeros((NPAD - N, 128), jnp.float32)


def _tc_topk(key_ref, batch_ref, idx_ref):
    key0 = key_ref[...]
    batch2d = batch_ref[...]
    gids = lax.broadcasted_iota(jnp.int32, (G, 1, 1), 0)
    gmask = batch2d[None, :, :] == gids
    iota_n = (lax.broadcasted_iota(jnp.int32, (NPAD // 128, 128), 0) * 128
              + lax.broadcasted_iota(jnp.int32, (NPAD // 128, 128), 1))
    lane32 = lax.broadcasted_iota(jnp.int32, (G, 32), 1)
    big = jnp.int32(2**30)

    def step(j, carry):
        key, idxmat = carry
        kv = jnp.where(gmask, key[None, :, :], -2.0)
        maxv = jnp.max(kv, axis=(1, 2))
        eq = kv == maxv[:, None, None]
        idxv = jnp.min(jnp.where(eq, iota_n[None, :, :], big), axis=(1, 2))
        idxv = jnp.where(maxv < -1.5, TRASH, idxv)
        idxmat = jnp.where(lane32 == j, idxv[:, None], idxmat)
        sel = jnp.any(iota_n[None, :, :] == idxv[:, None, None], axis=0)
        key = jnp.where(sel, -2.0, key)
        return key, idxmat

    idx0 = jnp.full((G, 32), TRASH, jnp.int32)
    _, idxmat = lax.fori_loop(0, K, step, (key0, idx0))
    idx_ref[...] = idxmat


def _tc_head(pooled_ref, wp_ref, fc1w_ref, fc1b_ref, fc2w_ref, fc2b_ref,
             out_ref):
    P = jnp.dot(pooled_ref[...], wp_ref[...],
                preferred_element_type=jnp.float32)
    bd = (lax.broadcasted_iota(jnp.int32, (512, 16), 0) // 32
          == lax.broadcasted_iota(jnp.int32, (512, 16), 1)
          ).astype(jnp.float32)
    n1 = jnp.dot(P * P, bd, preferred_element_type=jnp.float32)
    slot_ok = (lax.broadcasted_iota(jnp.int32, (NPOOL, 16), 0) % 32) < K
    out = jnp.sum(P.reshape(G, 32, 512), axis=1) * (1.0 / K)

    for _ in range(3):
        orows = jnp.broadcast_to(
            out.reshape(G, 1, 512), (G, 32, 512)).reshape(NPOOL, 512)
        dot = jnp.dot(P * orows, bd, preferred_element_type=jnp.float32)
        n2 = jnp.dot(out * out, bd, preferred_element_type=jnp.float32)
        n2r = jnp.broadcast_to(
            n2.reshape(G, 1, 16), (G, 32, 16)).reshape(NPOOL, 16)
        logits = dot / jnp.maximum(n1 + n2r - dot, 1e-8)
        logits = jnp.where(slot_ok, logits, -1e30)
        l3 = logits.reshape(G, 32, 16)
        m = jnp.max(l3, axis=1, keepdims=True)
        e = jnp.exp(l3 - m)
        coef = (e / jnp.sum(e, axis=1, keepdims=True)).reshape(NPOOL, 16)
        cexp = jnp.broadcast_to(
            coef.reshape(NPOOL, 16, 1), (NPOOL, 16, 32)).reshape(NPOOL, 512)
        out = jnp.sum((cexp * P).reshape(G, 32, 512), axis=1)

    n2f = jnp.dot(out * out, bd, preferred_element_type=jnp.float32)
    scale = (n2f / (1.0 + n2f)) / jnp.sqrt(n2f + 1e-8)
    sexp = jnp.broadcast_to(
        scale.reshape(G, 16, 1), (G, 16, 32)).reshape(G, 512)
    caps = out * sexp
    h = jnp.maximum(
        jnp.dot(caps, fc1w_ref[...], preferred_element_type=jnp.float32)
        + fc1b_ref[...], 0.0)
    z = (jnp.dot(h, fc2w_ref[...], preferred_element_type=jnp.float32)
         + fc2b_ref[...])
    m = jnp.max(z, axis=1, keepdims=True)
    lse = m + jnp.log(jnp.sum(jnp.exp(z - m), axis=1, keepdims=True))
    out_ref[...] = z - lse


def _tc_call(body, out_shapes):
    return pl.pallas_call(body, out_shape=out_shapes)



def kernel(x, edge_index, batch, W1, b1, W2, b2, W3, b3, W4, b4,
           caps_W, fc1_W, fc1_b, fc2_W, fc2_b):
    f32 = jnp.float32
    row = edge_index[0]
    col = edge_index[1]

    colp, degp = _sc_prep(row, col)

    dinv, g1 = _tc_call(_tc_first, (
        jax.ShapeDtypeStruct((N, 1), f32),
        jax.ShapeDtypeStruct((NPAD, 32), f32),
    ))(x, W1, degp)

    sp1 = _sc_scatter(32, g1, row, colp)
    x1, g2 = _tc_call(_tc_combine, (
        jax.ShapeDtypeStruct((N, 32), f32),
        jax.ShapeDtypeStruct((NPAD, 32), f32),
    ))(sp1, g1, dinv, b1.reshape(1, 32), W2)

    sp2 = _sc_scatter(32, g2, row, colp)
    x2, g3 = _tc_call(_tc_combine, (
        jax.ShapeDtypeStruct((N, 32), f32),
        jax.ShapeDtypeStruct((NPAD, 32), f32),
    ))(sp2, g2, dinv, b2.reshape(1, 32), W3)

    sp3 = _sc_scatter(32, g3, row, colp)
    W4p = jnp.pad(W4, ((0, 0), (0, 15)))
    x3, g4 = _tc_call(_tc_combine, (
        jax.ShapeDtypeStruct((N, 32), f32),
        jax.ShapeDtypeStruct((NPAD, 16), f32),
    ))(sp3, g3, dinv, b3.reshape(1, 32), W4p)

    sp4 = _sc_scatter(16, g4, row, colp)
    b4p = jnp.pad(b4, (0, 15)).reshape(1, 16)
    xc = _tc_call(_tc_last, jax.ShapeDtypeStruct((NPAD, 128), f32))(
        sp4, g4, dinv, b4p, x1, x2, x3)

    key2d = xc[:, 96].reshape(NPAD // 128, 128)
    batch2d = jnp.pad(batch, (0, NPAD - N), constant_values=G)\
        .reshape(NPAD // 128, 128)
    idxmat = _tc_call(_tc_topk, jax.ShapeDtypeStruct((G, 32), jnp.int32))(
        key2d, batch2d)

    pooled = _sc_pool_gather(xc, idxmat.reshape(NPOOL))

    wp = jnp.pad(
        caps_W.transpose(2, 0, 1).reshape(caps_W.shape[2], 512),
        ((0, 128 - caps_W.shape[2]), (0, 0)))
    out = _tc_call(_tc_head, jax.ShapeDtypeStruct((G, 10), f32))(
        pooled, wp, fc1_W, fc1_b.reshape(1, 128), fc2_W,
        fc2_b.reshape(1, 10))
    return out

# --- scband reference (transcript-rebuilt; emitter-appended) ---
"""Pipeline reference for scband-model-51934744543861 (READ-ONLY COPY).

The authoritative reference and input builder live on the scoring server;
editing this copy changes nothing except your own understanding.
"""

import jax, jax.numpy as jnp
import numpy as np

N_NODES = 10000
N_EDGES = 320000
NUM_GRAPHS = 64
SORT_K = 30
NUM_FEATURES = 128
NUM_CLASSES = 10
NUM_ITERS = 3


def gcn_conv(x, edge_index, W, b, n_nodes, edge_mask):
    loops = jnp.arange(n_nodes, dtype=edge_index.dtype)
    ei = jnp.concatenate([edge_index, jnp.stack([loops, loops])], axis=1)
    w = jnp.concatenate([edge_mask.astype(jnp.float32), jnp.ones((n_nodes,), jnp.float32)])
    row, col = ei[0], ei[1]
    deg = jnp.zeros((n_nodes,), jnp.float32).at[col].add(w)
    dinv = jnp.where(deg > 0, deg ** -0.5, 0.0)
    norm = dinv[row] * dinv[col]
    h = x @ W
    msg = h[row] * norm[:, None] * w[:, None]
    out = jnp.zeros((n_nodes, h.shape[1]), h.dtype).at[col].add(msg)
    return out + b


def global_sort_pool(x, batch, k, num_graphs):
    n = x.shape[0]
    order = jnp.lexsort((-x[:, -1], batch))
    xs = x[order]
    bs = batch[order]
    counts = jnp.bincount(bs, length=num_graphs)
    starts = jnp.concatenate([jnp.zeros((1,), counts.dtype), jnp.cumsum(counts)[:-1]])
    pos = jnp.arange(n) - starts[bs]
    valid = pos < k
    tb = jnp.where(valid, bs, num_graphs)
    tp = jnp.clip(pos, 0, k - 1)
    out = jnp.zeros((num_graphs + 1, k, x.shape[1]), x.dtype)
    out = out.at[tb, tp].set(xs)
    return out[:num_graphs]


def squash(s, eps=1e-8):
    n2 = jnp.sum(s * s, axis=-1, keepdims=True)
    return (n2 / (1.0 + n2)) * s / jnp.sqrt(n2 + eps)


def tonimoto_similarity(x1, x2, eps=1e-8):
    dot = jnp.sum(x1 * x2, axis=-1, keepdims=True)
    n1 = jnp.sum(x1 * x1, axis=-1, keepdims=True)
    n2 = jnp.sum(x2 * x2, axis=-1, keepdims=True)
    return dot / jnp.maximum(n1 + n2 - dot, eps)


def capsule_linear(u, W, num_iterations):
    # u: [B, n_in, in_length], W (shared): [out_caps, out_length, in_length]
    priors = jnp.einsum('bni,oji->bonj', u, W)
    output = jnp.mean(priors, axis=-2, keepdims=True)
    for _ in range(num_iterations):
        logits = tonimoto_similarity(priors, output)
        coef = jax.nn.softmax(logits, axis=-2)
        output = jnp.sum(coef * priors, axis=-2, keepdims=True)
    return squash(jnp.squeeze(output, axis=-2))


def setup_inputs(seed: int = 0):
    key = jax.random.key(seed)
    ks = jax.random.split(key, 12)

    def p(k, shape, scale=0.1):
        return jax.random.normal(k, shape, dtype=jnp.float32) * scale

    inp = {}
    inp['x'] = jax.random.normal(ks[0], (N_NODES, NUM_FEATURES), dtype=jnp.float32)
    inp['edge_index'] = jax.random.randint(ks[1], (2, N_EDGES), 0, N_NODES, dtype=jnp.int32)
    inp['batch'] = jnp.sort(jax.random.randint(ks[2], (N_NODES,), 0, NUM_GRAPHS, dtype=jnp.int32))
    inp['W1'] = p(ks[3], (NUM_FEATURES, 32)); inp['b1'] = jnp.zeros((32,), jnp.float32)
    inp['W2'] = p(ks[4], (32, 32)); inp['b2'] = jnp.zeros((32,), jnp.float32)
    inp['W3'] = p(ks[5], (32, 32)); inp['b3'] = jnp.zeros((32,), jnp.float32)
    inp['W4'] = p(ks[6], (32, 1)); inp['b4'] = jnp.zeros((1,), jnp.float32)
    inp['caps_W'] = p(ks[7], (16, 32, 97))
    inp['fc1_W'] = p(ks[8], (512, 128)); inp['fc1_b'] = jnp.zeros((128,), jnp.float32)
    inp['fc2_W'] = p(ks[9], (128, NUM_CLASSES)); inp['fc2_b'] = jnp.zeros((NUM_CLASSES,), jnp.float32)
    return inp


def reference(x, edge_index, batch, W1, b1, W2, b2, W3, b3, W4, b4, caps_W, fc1_W, fc1_b, fc2_W, fc2_b):
    mask = edge_index[0] != edge_index[1]
    x1 = jnp.tanh(gcn_conv(x, edge_index, W1, b1, N_NODES, mask))
    x2 = jnp.tanh(gcn_conv(x1, edge_index, W2, b2, N_NODES, mask))
    x3 = jnp.tanh(gcn_conv(x2, edge_index, W3, b3, N_NODES, mask))
    x4 = jnp.tanh(gcn_conv(x3, edge_index, W4, b4, N_NODES, mask))
    xc = jnp.concatenate([x1, x2, x3, x4], axis=-1)
    pooled = global_sort_pool(xc, batch, SORT_K, NUM_GRAPHS)
    caps = capsule_linear(pooled, caps_W, NUM_ITERS)
    out = caps.reshape(caps.shape[0], -1)
    out = jax.nn.relu(out @ fc1_W + fc1_b)
    return jax.nn.log_softmax(out @ fc2_W + fc2_b, axis=-1)

if __name__ == "__main__":
    import jax
    _d = setup_inputs()
    print(jax.jit(kernel)(*tuple(_d.values())))

</pallas_src>

<mosaic_0001>
#map = affine_map<(d0, d1) -> (0)>
#map1 = affine_map<(d0, d1) -> (0, 0, 0)>
module attributes {stable_mosaic.version = 14 : i64} {
  func.func @_sc_prep_body(%arg0: i32, %arg1: i32, %arg2: memref<320000xi32, #tpu.memory_space<hbm>>, %arg3: memref<320000xi32, #tpu.memory_space<hbm>>, %arg4: memref<320000xi32, #tpu.memory_space<hbm>>, %arg5: memref<2x10240x16xf32, #tpu.memory_space<hbm>>, %arg6: memref<128xi32, #tpu.memory_space<vmem>>, %arg7: memref<128xi32, #tpu.memory_space<vmem>>, %arg8: memref<128xi32, #tpu.memory_space<vmem>>, %arg9: memref<128x16xf32, #tpu.memory_space<vmem>>, %arg10: memref<640x16xf32, #tpu.memory_space<vmem>>, %arg11: memref<10240x16xf32, #tpu.memory_space<vmem_shared>>) attributes {dimension_semantics = [#tpu.dimension_semantics<core_parallel>, #tpu.dimension_semantics<subcore_parallel>], iteration_bounds = array<i64: 2, 16>, scalar_prefetch = 0 : i64, scratch_operands = 6 : i64, tpu.core_type = #tpu.core_type<sc_vector_subcore>, window_params = [{transform_indices = #map}, {transform_indices = #map}, {transform_indices = #map}, {transform_indices = #map1}]} {
    %mul3A = arith.constant 2 : i32
    %mul3A_0 = arith.muli %arg1, %mul3A : i32
    %add3A = arith.addi %mul3A_0, %arg0 : i32
    %scan3A = arith.constant 0 : i32
    %scan3A_1 = arith.constant 0 : i32
    %scan3A_2 = arith.constant 128 : i32
    %scan3A_3 = arith.addi %scan3A_1, %scan3A_2 : i32
    %scan3A_4 = arith.constant 1 : i32
    %scan3A_5 = scf.for %scan3A_54 = %scan3A_1 to %scan3A_3 step %scan3A_4 iter_args(%scan3A_55 = %scan3A) -> (i32)  : i32 {
      %broadcast_in_dim3A = arith.constant 1.000000e+00 : f32
      %broadcast_in_dim3A_56 = vector.broadcast %broadcast_in_dim3A : f32 to vector<16xf32>
      %swap3A = arith.index_cast %scan3A_54 : i32 to index
      %swap3A_57 = arith.constant 0 : index
      %swap3A_58 = tpu.vector_load %arg9[%swap3A, %swap3A_57] {strides = array<i32>} : memref<128x16xf32, #tpu.memory_space<vmem>>, vector<1x16xf32>,
      %swap3A_59 = vector.shape_cast %swap3A_58 : vector<1x16xf32> to vector<16xf32>
      %swap3A_60 = vector.shape_cast %broadcast_in_dim3A_56 : vector<16xf32> to vector<1x16xf32>
      tpu.vector_store %arg9[%swap3A, %swap3A_57], %swap3A_60 {strides = array<i32>} : memref<128x16xf32, #tpu.memory_space<vmem>>, vector<1x16xf32>,
      %scan3A_61 = arith.constant 0 : i32
      scf.yield %scan3A_61 : i32
    }
    %scan3A_6 = arith.constant 128 : i32
    %scan3A_7 = arith.constant 0 : i32
    %scan3A_8 = arith.constant 0 : i32
    %scan3A_9 = arith.constant 640 : i32
    %scan3A_10 = arith.addi %scan3A_8, %scan3A_9 : i32
    %scan3A_11 = arith.constant 1 : i32
    %scan3A_12 = scf.for %scan3A_54 = %scan3A_8 to %scan3A_10 step %scan3A_11 iter_args(%scan3A_55 = %scan3A_7) -> (i32)  : i32 {
      %broadcast_in_dim3A = arith.constant 0.000000e+00 : f32
      %broadcast_in_dim3A_56 = vector.broadcast %broadcast_in_dim3A : f32 to vector<16xf32>
      %swap3A = arith.index_cast %scan3A_54 : i32 to index
      %swap3A_57 = arith.constant 0 : index
      %swap3A_58 = tpu.vector_load %arg10[%swap3A, %swap3A_57] {strides = array<i32>} : memref<640x16xf32, #tpu.memory_space<vmem>>, vector<1x16xf32>,
      %swap3A_59 = vector.shape_cast %swap3A_58 : vector<1x16xf32> to vector<16xf32>
      %swap3A_60 = vector.shape_cast %broadcast_in_dim3A_56 : vector<16xf32> to vector<1x16xf32>
      tpu.vector_store %arg10[%swap3A, %swap3A_57], %swap3A_60 {strides = array<i32>} : memref<640x16xf32, #tpu.memory_space<vmem>>, vector<1x16xf32>,
      %scan3A_61 = arith.constant 0 : i32
      scf.yield %scan3A_61 : i32
    }
    %scan3A_13 = arith.constant 640 : i32
    %mul3A_14 = arith.constant 640 : i32
    %mul3A_15 = arith.muli %arg1, %mul3A_14 : i32
    "tpu.region"() ({
      %run_scoped3A = tpu.sem_alloc : memref<!tpu.dma_semaphore, #tpu.memory_space<semaphore_mem>>
      %dma_start3A = arith.constant 0 : i32
      %dma_start3A_54 = tpu.memref_slice %arg11[%mul3A_15, %dma_start3A] : memref<10240x16xf32, #tpu.memory_space<vmem_shared>> -> memref<640x16xf32, #tpu.memory_space<vmem_shared>>
      %dma_start3A_55 = arith.constant 0 : i32
      %dma_start3A_56 = tpu.memref_slice %arg11[%mul3A_15, %dma_start3A_55] : memref<10240x16xf32, #tpu.memory_space<vmem_shared>> -> memref<640x16xf32, #tpu.memory_space<vmem_shared>>
      tpu.enqueue_dma source(%arg10 : memref<640x16xf32, #tpu.memory_space<vmem>>) target(%dma_start3A_56 : memref<640x16xf32, #tpu.memory_space<vmem_shared>>) target_semaphore(%run_scoped3A : memref<!tpu.dma_semaphore, #tpu.memory_space<semaphore_mem>>)
      %dma_wait3A = arith.constant 0 : i32
      %dma_wait3A_57 = tpu.memref_slice %arg11[%mul3A_15, %dma_wait3A] : memref<10240x16xf32, #tpu.memory_space<vmem_shared>> -> memref<640x16xf32, #tpu.memory_space<vmem_shared>>
      %dma_wait3A_58 = arith.constant 0 : i32
      %dma_wait3A_59 = tpu.memref_slice %arg11[%mul3A_15, %dma_wait3A_58] : memref<10240x16xf32, #tpu.memory_space<vmem_shared>> -> memref<640x16xf32, #tpu.memory_space<vmem_shared>>
      tpu.wait_dma2 semaphore(%run_scoped3A : memref<!tpu.dma_semaphore, #tpu.memory_space<semaphore_mem>>) src(%arg10 : memref<640x16xf32, #tpu.memory_space<vmem>>) dst(%dma_wait3A_59 : memref<640x16xf32, #tpu.memory_space<vmem_shared>>)
      tpu.yield
    }) : () -> ()
    %barrier3A = arith.constant 0 : index
    tpu.barrier barrier_id(%barrier3A)
    %sub3A = arith.constant 2500 : i32
    %sub3A_16 = arith.subi %sub3A, %add3A : i32
    %add3A_17 = arith.constant 32 : i32
    %add3A_18 = arith.addi %sub3A_16, %add3A_17 : i32
    %sub3A_19 = arith.constant 1 : i32
    %sub3A_20 = arith.subi %add3A_18, %sub3A_19 : i32
    %jit3A = arith.constant 32 : i32
    %div3A = arith.divsi %sub3A_20, %jit3A : i32
    %sign3A = arith.constant 0 : i32
    %sign3A_21 = arith.cmpi sgt, %sub3A_20, %sign3A : i32
    %sign3A_22 = arith.extui %sign3A_21 : i1 to i32
    %sign3A_23 = arith.constant 0 : i32
    %sign3A_24 = arith.cmpi slt, %sub3A_20, %sign3A_23 : i32
    %sign3A_25 = arith.extui %sign3A_24 : i1 to i32
    %sign3A_26 = arith.subi %sign3A_22, %sign3A_25 : i32
    %sign3A_27 = arith.constant 0 : i32
    %sign3A_28 = arith.cmpi sgt, %jit3A, %sign3A_27 : i32
    %sign3A_29 = arith.extui %sign3A_28 : i1 to i32
    %sign3A_30 = arith.constant 0 : i32
    %sign3A_31 = arith.cmpi slt, %jit3A, %sign3A_30 : i32
    %sign3A_32 = arith.extui %sign3A_31 : i1 to i32
    %sign3A_33 = arith.subi %sign3A_29, %sign3A_32 : i32
    %ne3A = arith.cmpi ne, %sign3A_26, %sign3A_33 : i32
    %rem3A = arith.remsi %sub3A_20, %jit3A : i32
    %ne3A_34 = arith.constant 0 : i32
    %ne3A_35 = arith.cmpi ne, %rem3A, %ne3A_34 : i32
    %and3A = arith.andi %ne3A, %ne3A_35 : i1
    %sub3A_36 = arith.constant 1 : i32
    %sub3A_37 = arith.subi %div3A, %sub3A_36 : i32
    %select_n3A = arith.select %and3A, %sub3A_37, %div3A : i32
    %while3A = arith.constant 0 : i32
    %while3A_38 = arith.constant 0 : i32
    %while3A_39 = arith.subi %select_n3A, %while3A : i32
    %while3A_40 = arith.addi %while3A, %while3A_39 : i32
    %while3A_41 = arith.constant 1 : i32
    %while3A_42 = arith.divsi %while3A_39, %while3A_41 : i32
    %while3A_43 = arith.muli %while3A_42, %while3A_41 : i32
    %while3A_44 = arith.addi %while3A, %while3A_43 : i32
    %while3A_45 = arith.constant 1 : i32
    %while3A_46 = scf.for %while3A_54 = %while3A to %while3A_44 step %while3A_45 iter_args(%while3A_55 = %while3A_38) -> (i32)  : i32 {
      %mul3A_56 = arith.constant 32 : i32
      %mul3A_57 = arith.muli %while3A_54, %mul3A_56 : i32
      %add3A_58 = arith.addi %add3A, %mul3A_57 : i32
      %mul3A_59 = arith.constant 128 : i32
      %mul3A_60 = arith.muli %add3A_58, %mul3A_59 : i32
      "tpu.region"() ({
        %run_scoped3A = tpu.sem_alloc : memref<!tpu.dma_semaphore, #tpu.memory_space<semaphore_mem>>
        %dma_start3A = tpu.memref_slice %arg2[%mul3A_60] : memref<320000xi32, #tpu.memory_space<hbm>> -> memref<128xi32, #tpu.memory_space<hbm>>
        %dma_start3A_171 = tpu.memref_slice %arg2[%mul3A_60] : memref<320000xi32, #tpu.memory_space<hbm>> -> memref<128xi32, #tpu.memory_space<hbm>>
        tpu.enqueue_dma source(%dma_start3A_171 : memref<128xi32, #tpu.memory_space<hbm>>) target(%arg6 : memref<128xi32, #tpu.memory_space<vmem>>) target_semaphore(%run_scoped3A : memref<!tpu.dma_semaphore, #tpu.memory_space<semaphore_mem>>)
        %dma_wait3A = tpu.memref_slice %arg2[%mul3A_60] : memref<320000xi32, #tpu.memory_space<hbm>> -> memref<128xi32, #tpu.memory_space<hbm>>
        %dma_wait3A_172 = tpu.memref_slice %arg2[%mul3A_60] : memref<320000xi32, #tpu.memory_space<hbm>> -> memref<128xi32, #tpu.memory_space<hbm>>
        tpu.wait_dma2 semaphore(%run_scoped3A : memref<!tpu.dma_semaphore, #tpu.memory_space<semaphore_mem>>) src(%dma_wait3A_172 : memref<128xi32, #tpu.memory_space<hbm>>) dst(%arg6 : memref<128xi32, #tpu.memory_space<vmem>>)
        tpu.yield
      }) : () -> ()
      "tpu.region"() ({
        %run_scoped3A = tpu.sem_alloc : memref<!tpu.dma_semaphore, #tpu.memory_space<semaphore_mem>>
        %dma_start3A = tpu.memref_slice %arg3[%mul3A_60] : memref<320000xi32, #tpu.memory_space<hbm>> -> memref<128xi32, #tpu.memory_space<hbm>>
        %dma_start3A_171 = tpu.memref_slice %arg3[%mul3A_60] : memref<320000xi32, #tpu.memory_space<hbm>> -> memref<128xi32, #tpu.memory_space<hbm>>
        tpu.enqueue_dma source(%dma_start3A_171 : memref<128xi32, #tpu.memory_space<hbm>>) target(%arg7 : memref<128xi32, #tpu.memory_space<vmem>>) target_semaphore(%run_scoped3A : memref<!tpu.dma_semaphore, #tpu.memory_space<semaphore_mem>>)
        %dma_wait3A = tpu.memref_slice %arg3[%mul3A_60] : memref<320000xi32, #tpu.memory_space<hbm>> -> memref<128xi32, #tpu.memory_space<hbm>>
        %dma_wait3A_172 = tpu.memref_slice %arg3[%mul3A_60] : memref<320000xi32, #tpu.memory_space<hbm>> -> memref<128xi32, #tpu.memory_space<hbm>>
        tpu.wait_dma2 semaphore(%run_scoped3A : memref<!tpu.dma_semaphore, #tpu.memory_space<semaphore_mem>>) src(%dma_wait3A_172 : memref<128xi32, #tpu.memory_space<hbm>>) dst(%arg7 : memref<128xi32, #tpu.memory_space<vmem>>)
        tpu.yield
      }) : () -> ()
      %get3A = arith.constant 0 : index
      %get3A_61 = tpu.vector_load %arg6[%get3A] {strides = array<i32>} : memref<128xi32, #tpu.memory_space<vmem>>, vector<16xi32>,
      %get3A_62 = vector.shape_cast %get3A_61 : vector<16xi32> to vector<16xi32>
      %get3A_63 = arith.constant 0 : index
      %get3A_64 = tpu.vector_load %arg7[%get3A_63] {strides = array<i32>} : memref<128xi32, #tpu.memory_space<vmem>>, vector<16xi32>,
      %get3A_65 = vector.shape_cast %get3A_64 : vector<16xi32> to vector<16xi32>
      %ne3A_66 = arith.cmpi ne, %get3A_62, %get3A_65 : vector<16xi32>
      %broadcast_in_dim3A = arith.constant 10000 : i32
      %broadcast_in_dim3A_67 = vector.broadcast %broadcast_in_dim3A : i32 to vector<16xi32>
      %select_n3A_68 = arith.select %ne3A_66, %get3A_65, %broadcast_in_dim3A_67 : vector<16xi1>, vector<16xi32>
      %swap3A = arith.constant 0 : index
      %swap3A_69 = tpu.vector_load %arg8[%swap3A] {strides = array<i32>} : memref<128xi32, #tpu.memory_space<vmem>>, vector<16xi32>,
      %swap3A_70 = vector.shape_cast %swap3A_69 : vector<16xi32> to vector<16xi32>
      %swap3A_71 = vector.shape_cast %select_n3A_68 : vector<16xi32> to vector<16xi32>
      tpu.vector_store %arg8[%swap3A], %swap3A_71 {strides = array<i32>} : memref<128xi32, #tpu.memory_space<vmem>>, vector<16xi32>,
      %get3A_72 = arith.constant 16 : index
      %get3A_73 = tpu.vector_load %arg6[%get3A_72] {strides = array<i32>} : memref<128xi32, #tpu.memory_space<vmem>>, vector<16xi32>,
      %get3A_74 = vector.shape_cast %get3A_73 : vector<16xi32> to vector<16xi32>
      %get3A_75 = arith.constant 16 : index
      %get3A_76 = tpu.vector_load %arg7[%get3A_75] {strides = array<i32>} : memref<128xi32, #tpu.memory_space<vmem>>, vector<16xi32>,
      %get3A_77 = vector.shape_cast %get3A_76 : vector<16xi32> to vector<16xi32>
      %ne3A_78 = arith.cmpi ne, %get3A_74, %get3A_77 : vector<16xi32>
      %broadcast_in_dim3A_79 = arith.constant 10000 : i32
      %broadcast_in_dim3A_80 = vector.broadcast %broadcast_in_dim3A_79 : i32 to vector<16xi32>
      %select_n3A_81 = arith.select %ne3A_78, %get3A_77, %broadcast_in_dim3A_80 : vector<16xi1>, vector<16xi32>
      %swap3A_82 = arith.constant 16 : index
      %swap3A_83 = tpu.vector_load %arg8[%swap3A_82] {strides = array<i32>} : memref<128xi32, #tpu.memory_space<vmem>>, vector<16xi32>,
      %swap3A_84 = vector.shape_cast %swap3A_83 : vector<16xi32> to vector<16xi32>
      %swap3A_85 = vector.shape_cast %select_n3A_81 : vector<16xi32> to vector<16xi32>
      tpu.vector_store %arg8[%swap3A_82], %swap3A_85 {strides = array<i32>} : memref<128xi32, #tpu.memory_space<vmem>>, vector<16xi32>,
      %get3A_86 = arith.constant 32 : index
      %get3A_87 = tpu.vector_load %arg6[%get3A_86] {strides = array<i32>} : memref<128xi32, #tpu.memory_space<vmem>>, vector<16xi32>,
      %get3A_88 = vector.shape_cast %get3A_87 : vector<16xi32> to vector<16xi32>
      %get3A_89 = arith.constant 32 : index
      %get3A_90 = tpu.vector_load %arg7[%get3A_89] {strides = array<i32>} : memref<128xi32, #tpu.memory_space<vmem>>, vector<16xi32>,
      %get3A_91 = vector.shape_cast %get3A_90 : vector<16xi32> to vector<16xi32>
      %ne3A_92 = arith.cmpi ne, %get3A_88, %get3A_91 : vector<16xi32>
      %broadcast_in_dim3A_93 = arith.constant 10000 : i32
      %broadcast_in_dim3A_94 = vector.broadcast %broadcast_in_dim3A_93 : i32 to vector<16xi32>
      %select_n3A_95 = arith.select %ne3A_92, %get3A_91, %broadcast_in_dim3A_94 : vector<16xi1>, vector<16xi32>
      %swap3A_96 = arith.constant 32 : index
      %swap3A_97 = tpu.vector_load %arg8[%swap3A_96] {strides = array<i32>} : memref<128xi32, #tpu.memory_space<vmem>>, vector<16xi32>,
      %swap3A_98 = vector.shape_cast %swap3A_97 : vector<16xi32> to vector<16xi32>
      %swap3A_99 = vector.shape_cast %select_n3A_95 : vector<16xi32> to vector<16xi32>
      tpu.vector_store %arg8[%swap3A_96], %swap3A_99 {strides = array<i32>} : memref<128xi32, #tpu.memory_space<vmem>>, vector<16xi32>,
      %get3A_100 = arith.constant 48 : index
      %get3A_101 = tpu.vector_load %arg6[%get3A_100] {strides = array<i32>} : memref<128xi32, #tpu.memory_space<vmem>>, vector<16xi32>,
      %get3A_102 = vector.shape_cast %get3A_101 : vector<16xi32> to vector<16xi32>
      %get3A_103 = arith.constant 48 : index
      %get3A_104 = tpu.vector_load %arg7[%get3A_103] {strides = array<i32>} : memref<128xi32, #tpu.memory_space<vmem>>, vector<16xi32>,
      %get3A_105 = vector.shape_cast %get3A_104 : vector<16xi32> to vector<16xi32>
      %ne3A_106 = arith.cmpi ne, %get3A_102, %get3A_105 : vector<16xi32>
      %broadcast_in_dim3A_107 = arith.constant 10000 : i32
      %broadcast_in_dim3A_108 = vector.broadcast %broadcast_in_dim3A_107 : i32 to vector<16xi32>
      %select_n3A_109 = arith.select %ne3A_106, %get3A_105, %broadcast_in_dim3A_108 : vector<16xi1>, vector<16xi32>
      %swap3A_110 = arith.constant 48 : index
      %swap3A_111 = tpu.vector_load %arg8[%swap3A_110] {strides = array<i32>} : memref<128xi32, #tpu.memory_space<vmem>>, vector<16xi32>,
      %swap3A_112 = vector.shape_cast %swap3A_111 : vector<16xi32> to vector<16xi32>
      %swap3A_113 = vector.shape_cast %select_n3A_109 : vector<16xi32> to vector<16xi32>
      tpu.vector_store %arg8[%swap3A_110], %swap3A_113 {strides = array<i32>} : memref<128xi32, #tpu.memory_space<vmem>>, vector<16xi32>,
      %get3A_114 = arith.constant 64 : index
      %get3A_115 = tpu.vector_load %arg6[%get3A_114] {strides = array<i32>} : memref<128xi32, #tpu.memory_space<vmem>>, vector<16xi32>,
      %get3A_116 = vector.shape_cast %get3A_115 : vector<16xi32> to vector<16xi32>
      %get3A_117 = arith.constant 64 : index
      %get3A_118 = tpu.vector_load %arg7[%get3A_117] {strides = array<i32>} : memref<128xi32, #tpu.memory_space<vmem>>, vector<16xi32>,
      %get3A_119 = vector.shape_cast %get3A_118 : vector<16xi32> to vector<16xi32>
      %ne3A_120 = arith.cmpi ne, %get3A_116, %get3A_119 : vector<16xi32>
      %broadcast_in_dim3A_121 = arith.constant 10000 : i32
      %broadcast_in_dim3A_122 = vector.broadcast %broadcast_in_dim3A_121 : i32 to vector<16xi32>
      %select_n3A_123 = arith.select %ne3A_120, %get3A_119, %broadcast_in_dim3A_122 : vector<16xi1>, vector<16xi32>
      %swap3A_124 = arith.constant 64 : index
      %swap3A_125 = tpu.vector_load %arg8[%swap3A_124] {strides = array<i32>} : memref<128xi32, #tpu.memory_space<vmem>>, vector<16xi32>,
      %swap3A_126 = vector.shape_cast %swap3A_125 : vector<16xi32> to vector<16xi32>
      %swap3A_127 = vector.shape_cast %select_n3A_123 : vector<16xi32> to vector<16xi32>
      tpu.vector_store %arg8[%swap3A_124], %swap3A_127 {strides = array<i32>} : memref<128xi32, #tpu.memory_space<vmem>>, vector<16xi32>,
      %get3A_128 = arith.constant 80 : index
      %get3A_129 = tpu.vector_load %arg6[%get3A_128] {strides = array<i32>} : memref<128xi32, #tpu.memory_space<vmem>>, vector<16xi32>,
      %get3A_130 = vector.shape_cast %get3A_129 : vector<16xi32> to vector<16xi32>
      %get3A_131 = arith.constant 80 : index
      %get3A_132 = tpu.vector_load %arg7[%get3A_131] {strides = array<i32>} : memref<128xi32, #tpu.memory_space<vmem>>, vector<16xi32>,
      %get3A_133 = vector.shape_cast %get3A_132 : vector<16xi32> to vector<16xi32>
      %ne3A_134 = arith.cmpi ne, %get3A_130, %get3A_133 : vector<16xi32>
      %broadcast_in_dim3A_135 = arith.constant 10000 : i32
      %broadcast_in_dim3A_136 = vector.broadcast %broadcast_in_dim3A_135 : i32 to vector<16xi32>
      %select_n3A_137 = arith.select %ne3A_134, %get3A_133, %broadcast_in_dim3A_136 : vector<16xi1>, vector<16xi32>
      %swap3A_138 = arith.constant 80 : index
      %swap3A_139 = tpu.vector_load %arg8[%swap3A_138] {strides = array<i32>} : memref<128xi32, #tpu.memory_space<vmem>>, vector<16xi32>,
      %swap3A_140 = vector.shape_cast %swap3A_139 : vector<16xi32> to vector<16xi32>
      %swap3A_141 = vector.shape_cast %select_n3A_137 : vector<16xi32> to vector<16xi32>
      tpu.vector_store %arg8[%swap3A_138], %swap3A_141 {strides = array<i32>} : memref<128xi32, #tpu.memory_space<vmem>>, vector<16xi32>,
      %get3A_142 = arith.constant 96 : index
      %get3A_143 = tpu.vector_load %arg6[%get3A_142] {strides = array<i32>} : memref<128xi32, #tpu.memory_space<vmem>>, vector<16xi32>,
      %get3A_144 = vector.shape_cast %get3A_143 : vector<16xi32> to vector<16xi32>
      %get3A_145 = arith.constant 96 : index
      %get3A_146 = tpu.vector_load %arg7[%get3A_145] {strides = array<i32>} : memref<128xi32, #tpu.memory_space<vmem>>, vector<16xi32>,
      %get3A_147 = vector.shape_cast %get3A_146 : vector<16xi32> to vector<16xi32>
      %ne3A_148 = arith.cmpi ne, %get3A_144, %get3A_147 : vector<16xi32>
      %broadcast_in_dim3A_149 = arith.constant 10000 : i32
      %broadcast_in_dim3A_150 = vector.broadcast %broadcast_in_dim3A_149 : i32 to vector<16xi32>
      %select_n3A_151 = arith.select %ne3A_148, %get3A_147, %broadcast_in_dim3A_150 : vector<16xi1>, vector<16xi32>
      %swap3A_152 = arith.constant 96 : index
      %swap3A_153 = tpu.vector_load %arg8[%swap3A_152] {strides = array<i32>} : memref<128xi32, #tpu.memory_space<vmem>>, vector<16xi32>,
      %swap3A_154 = vector.shape_cast %swap3A_153 : vector<16xi32> to vector<16xi32>
      %swap3A_155 = vector.shape_cast %select_n3A_151 : vector<16xi32> to vector<16xi32>
      tpu.vector_store %arg8[%swap3A_152], %swap3A_155 {strides = array<i32>} : memref<128xi32, #tpu.memory_space<vmem>>, vector<16xi32>,
      %get3A_156 = arith.constant 112 : index
      %get3A_157 = tpu.vector_load %arg6[%get3A_156] {strides = array<i32>} : memref<128xi32, #tpu.memory_space<vmem>>, vector<16xi32>,
      %get3A_158 = vector.shape_cast %get3A_157 : vector<16xi32> to vector<16xi32>
      %get3A_159 = arith.constant 112 : index
      %get3A_160 = tpu.vector_load %arg7[%get3A_159] {strides = array<i32>} : memref<128xi32, #tpu.memory_space<vmem>>, vector<16xi32>,
      %get3A_161 = vector.shape_cast %get3A_160 : vector<16xi32> to vector<16xi32>
      %ne3A_162 = arith.cmpi ne, %get3A_158, %get3A_161 : vector<16xi32>
      %broadcast_in_dim3A_163 = arith.constant 10000 : i32
      %broadcast_in_dim3A_164 = vector.broadcast %broadcast_in_dim3A_163 : i32 to vector<16xi32>
      %select_n3A_165 = arith.select %ne3A_162, %get3A_161, %broadcast_in_dim3A_164 : vector<16xi1>, vector<16xi32>
      %swap3A_166 = arith.constant 112 : index
      %swap3A_167 = tpu.vector_load %arg8[%swap3A_166] {strides = array<i32>} : memref<128xi32, #tpu.memory_space<vmem>>, vector<16xi32>,
      %swap3A_168 = vector.shape_cast %swap3A_167 : vector<16xi32> to vector<16xi32>
      %swap3A_169 = vector.shape_cast %select_n3A_165 : vector<16xi32> to vector<16xi32>
      tpu.vector_store %arg8[%swap3A_166], %swap3A_169 {strides = array<i32>} : memref<128xi32, #tpu.memory_space<vmem>>, vector<16xi32>,
      "tpu.region"() ({
        %run_scoped3A = tpu.sem_alloc : memref<!tpu.dma_semaphore, #tpu.memory_space<semaphore_mem>>
        %dma_start3A = tpu.memref_slice %arg4[%mul3A_60] : memref<320000xi32, #tpu.memory_space<hbm>> -> memref<128xi32, #tpu.memory_space<hbm>>
        %dma_start3A_171 = tpu.memref_slice %arg4[%mul3A_60] : memref<320000xi32, #tpu.memory_space<hbm>> -> memref<128xi32, #tpu.memory_space<hbm>>
        tpu.enqueue_dma source(%arg8 : memref<128xi32, #tpu.memory_space<vmem>>) target(%dma_start3A_171 : memref<128xi32, #tpu.memory_space<hbm>>) target_semaphore(%run_scoped3A : memref<!tpu.dma_semaphore, #tpu.memory_space<semaphore_mem>>)
        %dma_wait3A = tpu.memref_slice %arg4[%mul3A_60] : memref<320000xi32, #tpu.memory_space<hbm>> -> memref<128xi32, #tpu.memory_space<hbm>>
        %dma_wait3A_172 = tpu.memref_slice %arg4[%mul3A_60] : memref<320000xi32, #tpu.memory_space<hbm>> -> memref<128xi32, #tpu.memory_space<hbm>>
        tpu.wait_dma2 semaphore(%run_scoped3A : memref<!tpu.dma_semaphore, #tpu.memory_space<semaphore_mem>>) src(%arg8 : memref<128xi32, #tpu.memory_space<vmem>>) dst(%dma_wait3A_172 : memref<128xi32, #tpu.memory_space<hbm>>)
        tpu.yield
      }) : () -> ()
      "tpu.region"() ({
        %run_scoped3A = tpu.sem_alloc : memref<!tpu.dma_semaphore, #tpu.memory_space<semaphore_mem>>
        %dma_start3A = arith.constant 0 : i32
        %dma_start3A_171 = arith.constant 0 : i32
        %dma_start3A_172 = tpu.memref_slice %arg11[%dma_start3A, %dma_start3A_171] : memref<10240x16xf32, #tpu.memory_space<vmem_shared>> -> memref<10240x16xf32, #tpu.memory_space<vmem_shared>>
        tpu.enqueue_indirect_dma source(%arg9 : memref<128x16xf32, #tpu.memory_space<vmem>>) target(%dma_start3A_172 : memref<10240x16xf32, #tpu.memory_space<vmem_shared>>) offsets(%arg8 : memref<128xi32, #tpu.memory_space<vmem>>) semaphore(%run_scoped3A : memref<!tpu.dma_semaphore, #tpu.memory_space<semaphore_mem>>) {add = true}
        %dma_wait3A = arith.constant 0 : i32
        %dma_wait3A_173 = arith.constant 0 : i32
        %dma_wait3A_174 = tpu.memref_slice %arg11[%dma_wait3A, %dma_wait3A_173] : memref<10240x16xf32, #tpu.memory_space<vmem_shared>> -> memref<10240x16xf32, #tpu.memory_space<vmem_shared>>
        tpu.wait_indirect_dma semaphore(%run_scoped3A : memref<!tpu.dma_semaphore, #tpu.memory_space<semaphore_mem>>) src(%arg9 : memref<128x16xf32, #tpu.memory_space<vmem>>) dst(%dma_wait3A_174 : memref<10240x16xf32, #tpu.memory_space<vmem_shared>>)
        tpu.yield
      }) : () -> ()
      %while3A_170 = arith.constant 0 : i32
      scf.yield %while3A_170 : i32
    }
    %while3A_47 = arith.constant 1 : i32
    %while3A_48 = scf.for %while3A_54 = %while3A_44 to %while3A_40 step %while3A_47 iter_args(%while3A_55 = %while3A_46) -> (i32)  : i32 {
      %mul3A_56 = arith.constant 32 : i32
      %mul3A_57 = arith.muli %while3A_54, %mul3A_56 : i32
      %add3A_58 = arith.addi %add3A, %mul3A_57 : i32
      %mul3A_59 = arith.constant 128 : i32
      %mul3A_60 = arith.muli %add3A_58, %mul3A_59 : i32
      "tpu.region"() ({
        %run_scoped3A = tpu.sem_alloc : memref<!tpu.dma_semaphore, #tpu.memory_space<semaphore_mem>>
        %dma_start3A = tpu.memref_slice %arg2[%mul3A_60] : memref<320000xi32, #tpu.memory_space<hbm>> -> memref<128xi32, #tpu.memory_space<hbm>>
        %dma_start3A_171 = tpu.memref_slice %arg2[%mul3A_60] : memref<320000xi32, #tpu.memory_space<hbm>> -> memref<128xi32, #tpu.memory_space<hbm>>
        tpu.enqueue_dma source(%dma_start3A_171 : memref<128xi32, #tpu.memory_space<hbm>>) target(%arg6 : memref<128xi32, #tpu.memory_space<vmem>>) target_semaphore(%run_scoped3A : memref<!tpu.dma_semaphore, #tpu.memory_space<semaphore_mem>>)
        %dma_wait3A = tpu.memref_slice %arg2[%mul3A_60] : memref<320000xi32, #tpu.memory_space<hbm>> -> memref<128xi32, #tpu.memory_space<hbm>>
        %dma_wait3A_172 = tpu.memref_slice %arg2[%mul3A_60] : memref<320000xi32, #tpu.memory_space<hbm>> -> memref<128xi32, #tpu.memory_space<hbm>>
        tpu.wait_dma2 semaphore(%run_scoped3A : memref<!tpu.dma_semaphore, #tpu.memory_space<semaphore_mem>>) src(%dma_wait3A_172 : memref<128xi32, #tpu.memory_space<hbm>>) dst(%arg6 : memref<128xi32, #tpu.memory_space<vmem>>)
        tpu.yield
      }) : () -> ()
      "tpu.region"() ({
        %run_scoped3A = tpu.sem_alloc : memref<!tpu.dma_semaphore, #tpu.memory_space<semaphore_mem>>
        %dma_start3A = tpu.memref_slice %arg3[%mul3A_60] : memref<320000xi32, #tpu.memory_space<hbm>> -> memref<128xi32, #tpu.memory_space<hbm>>
        %dma_start3A_171 = tpu.memref_slice %arg3[%mul3A_60] : memref<320000xi32, #tpu.memory_space<hbm>> -> memref<128xi32, #tpu.memory_space<hbm>>
        tpu.enqueue_dma source(%dma_start3A_171 : memref<128xi32, #tpu.memory_space<hbm>>) target(%arg7 : memref<128xi32, #tpu.memory_space<vmem>>) target_semaphore(%run_scoped3A : memref<!tpu.dma_semaphore, #tpu.memory_space<semaphore_mem>>)
        %dma_wait3A = tpu.memref_slice %arg3[%mul3A_60] : memref<320000xi32, #tpu.memory_space<hbm>> -> memref<128xi32, #tpu.memory_space<hbm>>
        %dma_wait3A_172 = tpu.memref_slice %arg3[%mul3A_60] : memref<320000xi32, #tpu.memory_space<hbm>> -> memref<128xi32, #tpu.memory_space<hbm>>
        tpu.wait_dma2 semaphore(%run_scoped3A : memref<!tpu.dma_semaphore, #tpu.memory_space<semaphore_mem>>) src(%dma_wait3A_172 : memref<128xi32, #tpu.memory_space<hbm>>) dst(%arg7 : memref<128xi32, #tpu.memory_space<vmem>>)
        tpu.yield
      }) : () -> ()
      %get3A = arith.constant 0 : index
      %get3A_61 = tpu.vector_load %arg6[%get3A] {strides = array<i32>} : memref<128xi32, #tpu.memory_space<vmem>>, vector<16xi32>,
      %get3A_62 = vector.shape_cast %get3A_61 : vector<16xi32> to vector<16xi32>
      %get3A_63 = arith.constant 0 : index
      %get3A_64 = tpu.vector_load %arg7[%get3A_63] {strides = array<i32>} : memref<128xi32, #tpu.memory_space<vmem>>, vector<16xi32>,
      %get3A_65 = vector.shape_cast %get3A_64 : vector<16xi32> to vector<16xi32>
      %ne3A_66 = arith.cmpi ne, %get3A_62, %get3A_65 : vector<16xi32>
      %broadcast_in_dim3A = arith.constant 10000 : i32
      %broadcast_in_dim3A_67 = vector.broadcast %broadcast_in_dim3A : i32 to vector<16xi32>
      %select_n3A_68 = arith.select %ne3A_66, %get3A_65, %broadcast_in_dim3A_67 : vector<16xi1>, vector<16xi32>
      %swap3A = arith.constant 0 : index
      %swap3A_69 = tpu.vector_load %arg8[%swap3A] {strides = array<i32>} : memref<128xi32, #tpu.memory_space<vmem>>, vector<16xi32>,
      %swap3A_70 = vector.shape_cast %swap3A_69 : vector<16xi32> to vector<16xi32>
      %swap3A_71 = vector.shape_cast %select_n3A_68 : vector<16xi32> to vector<16xi32>
      tpu.vector_store %arg8[%swap3A], %swap3A_71 {strides = array<i32>} : memref<128xi32, #tpu.memory_space<vmem>>, vector<16xi32>,
      %get3A_72 = arith.constant 16 : index
      %get3A_73 = tpu.vector_load %arg6[%get3A_72] {strides = array<i32>} : memref<128xi32, #tpu.memory_space<vmem>>, vector<16xi32>,
      %get3A_74 = vector.shape_cast %get3A_73 : vector<16xi32> to vector<16xi32>
      %get3A_75 = arith.constant 16 : index
      %get3A_76 = tpu.vector_load %arg7[%get3A_75] {strides = array<i32>} : memref<128xi32, #tpu.memory_space<vmem>>, vector<16xi32>,
      %get3A_77 = vector.shape_cast %get3A_76 : vector<16xi32> to vector<16xi32>
      %ne3A_78 = arith.cmpi ne, %get3A_74, %get3A_77 : vector<16xi32>
      %broadcast_in_dim3A_79 = arith.constant 10000 : i32
      %broadcast_in_dim3A_80 = vector.broadcast %broadcast_in_dim3A_79 : i32 to vector<16xi32>
      %select_n3A_81 = arith.select %ne3A_78, %get3A_77, %broadcast_in_dim3A_80 : vector<16xi1>, vector<16xi32>
      %swap3A_82 = arith.constant 16 : index
      %swap3A_83 = tpu.vector_load %arg8[%swap3A_82] {strides = array<i32>} : memref<128xi32, #tpu.memory_space<vmem>>, vector<16xi32>,
      %swap3A_84 = vector.shape_cast %swap3A_83 : vector<16xi32> to vector<16xi32>
      %swap3A_85 = vector.shape_cast %select_n3A_81 : vector<16xi32> to vector<16xi32>
      tpu.vector_store %arg8[%swap3A_82], %swap3A_85 {strides = array<i32>} : memref<128xi32, #tpu.memory_space<vmem>>, vector<16xi32>,
      %get3A_86 = arith.constant 32 : index
      %get3A_87 = tpu.vector_load %arg6[%get3A_86] {strides = array<i32>} : memref<128xi32, #tpu.memory_space<vmem>>, vector<16xi32>,
      %get3A_88 = vector.shape_cast %get3A_87 : vector<16xi32> to vector<16xi32>
      %get3A_89 = arith.constant 32 : index
      %get3A_90 = tpu.vector_load %arg7[%get3A_89] {strides = array<i32>} : memref<128xi32, #tpu.memory_space<vmem>>, vector<16xi32>,
      %get3A_91 = vector.shape_cast %get3A_90 : vector<16xi32> to vector<16xi32>
      %ne3A_92 = arith.cmpi ne, %get3A_88, %get3A_91 : vector<16xi32>
      %broadcast_in_dim3A_93 = arith.constant 10000 : i32
      %broadcast_in_dim3A_94 = vector.broadcast %broadcast_in_dim3A_93 : i32 to vector<16xi32>
      %select_n3A_95 = arith.select %ne3A_92, %get3A_91, %broadcast_in_dim3A_94 : vector<16xi1>, vector<16xi32>
      %swap3A_96 = arith.constant 32 : index
      %swap3A_97 = tpu.vector_load %arg8[%swap3A_96] {strides = array<i32>} : memref<128xi32, #tpu.memory_space<vmem>>, vector<16xi32>,
      %swap3A_98 = vector.shape_cast %swap3A_97 : vector<16xi32> to vector<16xi32>
      %swap3A_99 = vector.shape_cast %select_n3A_95 : vector<16xi32> to vector<16xi32>
      tpu.vector_store %arg8[%swap3A_96], %swap3A_99 {strides = array<i32>} : memref<128xi32, #tpu.memory_space<vmem>>, vector<16xi32>,
      %get3A_100 = arith.constant 48 : index
      %get3A_101 = tpu.vector_load %arg6[%get3A_100] {strides = array<i32>} : memref<128xi32, #tpu.memory_space<vmem>>, vector<16xi32>,
      %get3A_102 = vector.shape_cast %get3A_101 : vector<16xi32> to vector<16xi32>
      %get3A_103 = arith.constant 48 : index
      %get3A_104 = tpu.vector_load %arg7[%get3A_103] {strides = array<i32>} : memref<128xi32, #tpu.memory_space<vmem>>, vector<16xi32>,
      %get3A_105 = vector.shape_cast %get3A_104 : vector<16xi32> to vector<16xi32>
      %ne3A_106 = arith.cmpi ne, %get3A_102, %get3A_105 : vector<16xi32>
      %broadcast_in_dim3A_107 = arith.constant 10000 : i32
      %broadcast_in_dim3A_108 = vector.broadcast %broadcast_in_dim3A_107 : i32 to vector<16xi32>
      %select_n3A_109 = arith.select %ne3A_106, %get3A_105, %broadcast_in_dim3A_108 : vector<16xi1>, vector<16xi32>
      %swap3A_110 = arith.constant 48 : index
      %swap3A_111 = tpu.vector_load %arg8[%swap3A_110] {strides = array<i32>} : memref<128xi32, #tpu.memory_space<vmem>>, vector<16xi32>,
      %swap3A_112 = vector.shape_cast %swap3A_111 : vector<16xi32> to vector<16xi32>
      %swap3A_113 = vector.shape_cast %select_n3A_109 : vector<16xi32> to vector<16xi32>
      tpu.vector_store %arg8[%swap3A_110], %swap3A_113 {strides = array<i32>} : memref<128xi32, #tpu.memory_space<vmem>>, vector<16xi32>,
      %get3A_114 = arith.constant 64 : index
      %get3A_115 = tpu.vector_load %arg6[%get3A_114] {strides = array<i32>} : memref<128xi32, #tpu.memory_space<vmem>>, vector<16xi32>,
      %get3A_116 = vector.shape_cast %get3A_115 : vector<16xi32> to vector<16xi32>
      %get3A_117 = arith.constant 64 : index
      %get3A_118 = tpu.vector_load %arg7[%get3A_117] {strides = array<i32>} : memref<128xi32, #tpu.memory_space<vmem>>, vector<16xi32>,
      %get3A_119 = vector.shape_cast %get3A_118 : vector<16xi32> to vector<16xi32>
      %ne3A_120 = arith.cmpi ne, %get3A_116, %get3A_119 : vector<16xi32>
      %broadcast_in_dim3A_121 = arith.constant 10000 : i32
      %broadcast_in_dim3A_122 = vector.broadcast %broadcast_in_dim3A_121 : i32 to vector<16xi32>
      %select_n3A_123 = arith.select %ne3A_120, %get3A_119, %broadcast_in_dim3A_122 : vector<16xi1>, vector<16xi32>
      %swap3A_124 = arith.constant 64 : index
      %swap3A_125 = tpu.vector_load %arg8[%swap3A_124] {strides = array<i32>} : memref<128xi32, #tpu.memory_space<vmem>>, vector<16xi32>,
      %swap3A_126 = vector.shape_cast %swap3A_125 : vector<16xi32> to vector<16xi32>
      %swap3A_127 = vector.shape_cast %select_n3A_123 : vector<16xi32> to vector<16xi32>
      tpu.vector_store %arg8[%swap3A_124], %swap3A_127 {strides = array<i32>} : memref<128xi32, #tpu.memory_space<vmem>>, vector<16xi32>,
      %get3A_128 = arith.constant 80 : index
      %get3A_129 = tpu.vector_load %arg6[%get3A_128] {strides = array<i32>} : memref<128xi32, #tpu.memory_space<vmem>>, vector<16xi32>,
      %get3A_130 = vector.shape_cast %get3A_129 : vector<16xi32> to vector<16xi32>
      %get3A_131 = arith.constant 80 : index
      %get3A_132 = tpu.vector_load %arg7[%get3A_131] {strides = array<i32>} : memref<128xi32, #tpu.memory_space<vmem>>, vector<16xi32>,
      %get3A_133 = vector.shape_cast %get3A_132 : vector<16xi32> to vector<16xi32>
      %ne3A_134 = arith.cmpi ne, %get3A_130, %get3A_133 : vector<16xi32>
      %broadcast_in_dim3A_135 = arith.constant 10000 : i32
      %broadcast_in_dim3A_136 = vector.broadcast %broadcast_in_dim3A_135 : i32 to vector<16xi32>
      %select_n3A_137 = arith.select %ne3A_134, %get3A_133, %broadcast_in_dim3A_136 : vector<16xi1>, vector<16xi32>
      %swap3A_138 = arith.constant 80 : index
      %swap3A_139 = tpu.vector_load %arg8[%swap3A_138] {strides = array<i32>} : memref<128xi32, #tpu.memory_space<vmem>>, vector<16xi32>,
      %swap3A_140 = vector.shape_cast %swap3A_139 : vector<16xi32> to vector<16xi32>
      %swap3A_141 = vector.shape_cast %select_n3A_137 : vector<16xi32> to vector<16xi32>
      tpu.vector_store %arg8[%swap3A_138], %swap3A_141 {strides = array<i32>} : memref<128xi32, #tpu.memory_space<vmem>>, vector<16xi32>,
      %get3A_142 = arith.constant 96 : index
      %get3A_143 = tpu.vector_load %arg6[%get3A_142] {strides = array<i32>} : memref<128xi32, #tpu.memory_space<vmem>>, vector<16xi32>,
      %get3A_144 = vector.shape_cast %get3A_143 : vector<16xi32> to vector<16xi32>
      %get3A_145 = arith.constant 96 : index
      %get3A_146 = tpu.vector_load %arg7[%get3A_145] {strides = array<i32>} : memref<128xi32, #tpu.memory_space<vmem>>, vector<16xi32>,
      %get3A_147 = vector.shape_cast %get3A_146 : vector<16xi32> to vector<16xi32>
      %ne3A_148 = arith.cmpi ne, %get3A_144, %get3A_147 : vector<16xi32>
      %broadcast_in_dim3A_149 = arith.constant 10000 : i32
      %broadcast_in_dim3A_150 = vector.broadcast %broadcast_in_dim3A_149 : i32 to vector<16xi32>
      %select_n3A_151 = arith.select %ne3A_148, %get3A_147, %broadcast_in_dim3A_150 : vector<16xi1>, vector<16xi32>
      %swap3A_152 = arith.constant 96 : index
      %swap3A_153 = tpu.vector_load %arg8[%swap3A_152] {strides = array<i32>} : memref<128xi32, #tpu.memory_space<vmem>>, vector<16xi32>,
      %swap3A_154 = vector.shape_cast %swap3A_153 : vector<16xi32> to vector<16xi32>
      %swap3A_155 = vector.shape_cast %select_n3A_151 : vector<16xi32> to vector<16xi32>
      tpu.vector_store %arg8[%swap3A_152], %swap3A_155 {strides = array<i32>} : memref<128xi32, #tpu.memory_space<vmem>>, vector<16xi32>,
      %get3A_156 = arith.constant 112 : index
      %get3A_157 = tpu.vector_load %arg6[%get3A_156] {strides = array<i32>} : memref<128xi32, #tpu.memory_space<vmem>>, vector<16xi32>,
      %get3A_158 = vector.shape_cast %get3A_157 : vector<16xi32> to vector<16xi32>
      %get3A_159 = arith.constant 112 : index
      %get3A_160 = tpu.vector_load %arg7[%get3A_159] {strides = array<i32>} : memref<128xi32, #tpu.memory_space<vmem>>, vector<16xi32>,
      %get3A_161 = vector.shape_cast %get3A_160 : vector<16xi32> to vector<16xi32>
      %ne3A_162 = arith.cmpi ne, %get3A_158, %get3A_161 : vector<16xi32>
      %broadcast_in_dim3A_163 = arith.constant 10000 : i32
      %broadcast_in_dim3A_164 = vector.broadcast %broadcast_in_dim3A_163 : i32 to vector<16xi32>
      %select_n3A_165 = arith.select %ne3A_162, %get3A_161, %broadcast_in_dim3A_164 : vector<16xi1>, vector<16xi32>
      %swap3A_166 = arith.constant 112 : index
      %swap3A_167 = tpu.vector_load %arg8[%swap3A_166] {strides = array<i32>} : memref<128xi32, #tpu.memory_space<vmem>>, vector<16xi32>,
      %swap3A_168 = vector.shape_cast %swap3A_167 : vector<16xi32> to vector<16xi32>
      %swap3A_169 = vector.shape_cast %select_n3A_165 : vector<16xi32> to vector<16xi32>
      tpu.vector_store %arg8[%swap3A_166], %swap3A_169 {strides = array<i32>} : memref<128xi32, #tpu.memory_space<vmem>>, vector<16xi32>,
      "tpu.region"() ({
        %run_scoped3A = tpu.sem_alloc : memref<!tpu.dma_semaphore, #tpu.memory_space<semaphore_mem>>
        %dma_start3A = tpu.memref_slice %arg4[%mul3A_60] : memref<320000xi32, #tpu.memory_space<hbm>> -> memref<128xi32, #tpu.memory_space<hbm>>
        %dma_start3A_171 = tpu.memref_slice %arg4[%mul3A_60] : memref<320000xi32, #tpu.memory_space<hbm>> -> memref<128xi32, #tpu.memory_space<hbm>>
        tpu.enqueue_dma source(%arg8 : memref<128xi32, #tpu.memory_space<vmem>>) target(%dma_start3A_171 : memref<128xi32, #tpu.memory_space<hbm>>) target_semaphore(%run_scoped3A : memref<!tpu.dma_semaphore, #tpu.memory_space<semaphore_mem>>)
        %dma_wait3A = tpu.memref_slice %arg4[%mul3A_60] : memref<320000xi32, #tpu.memory_space<hbm>> -> memref<128xi32, #tpu.memory_space<hbm>>
        %dma_wait3A_172 = tpu.memref_slice %arg4[%mul3A_60] : memref<320000xi32, #tpu.memory_space<hbm>> -> memref<128xi32, #tpu.memory_space<hbm>>
        tpu.wait_dma2 semaphore(%run_scoped3A : memref<!tpu.dma_semaphore, #tpu.memory_space<semaphore_mem>>) src(%arg8 : memref<128xi32, #tpu.memory_space<vmem>>) dst(%dma_wait3A_172 : memref<128xi32, #tpu.memory_space<hbm>>)
        tpu.yield
      }) : () -> ()
      "tpu.region"() ({
        %run_scoped3A = tpu.sem_alloc : memref<!tpu.dma_semaphore, #tpu.memory_space<semaphore_mem>>
        %dma_start3A = arith.constant 0 : i32
        %dma_start3A_171 = arith.constant 0 : i32
        %dma_start3A_172 = tpu.memref_slice %arg11[%dma_start3A, %dma_start3A_171] : memref<10240x16xf32, #tpu.memory_space<vmem_shared>> -> memref<10240x16xf32, #tpu.memory_space<vmem_shared>>
        tpu.enqueue_indirect_dma source(%arg9 : memref<128x16xf32, #tpu.memory_space<vmem>>) target(%dma_start3A_172 : memref<10240x16xf32, #tpu.memory_space<vmem_shared>>) offsets(%arg8 : memref<128xi32, #tpu.memory_space<vmem>>) semaphore(%run_scoped3A : memref<!tpu.dma_semaphore, #tpu.memory_space<semaphore_mem>>) {add = true}
        %dma_wait3A = arith.constant 0 : i32
        %dma_wait3A_173 = arith.constant 0 : i32
        %dma_wait3A_174 = tpu.memref_slice %arg11[%dma_wait3A, %dma_wait3A_173] : memref<10240x16xf32, #tpu.memory_space<vmem_shared>> -> memref<10240x16xf32, #tpu.memory_space<vmem_shared>>
        tpu.wait_indirect_dma semaphore(%run_scoped3A : memref<!tpu.dma_semaphore, #tpu.memory_space<semaphore_mem>>) src(%arg9 : memref<128x16xf32, #tpu.memory_space<vmem>>) dst(%dma_wait3A_174 : memref<10240x16xf32, #tpu.memory_space<vmem_shared>>)
        tpu.yield
      }) : () -> ()
      %while3A_170 = arith.constant 0 : i32
      scf.yield %while3A_170 : i32
    }
    %barrier3A_49 = arith.constant 0 : index
    tpu.barrier barrier_id(%barrier3A_49)
    %mul3A_50 = arith.constant 640 : i32
    %mul3A_51 = arith.muli %arg1, %mul3A_50 : i32
    %mul3A_52 = arith.constant 640 : i32
    %mul3A_53 = arith.muli %arg1, %mul3A_52 : i32
    "tpu.region"() ({
      %run_scoped3A = tpu.sem_alloc : memref<!tpu.dma_semaphore, #tpu.memory_space<semaphore_mem>>
      %dma_start3A = arith.constant 0 : i32
      %dma_start3A_54 = tpu.memref_slice %arg5[%arg0, %mul3A_53, %dma_start3A] : memref<2x10240x16xf32, #tpu.memory_space<hbm>> -> memref<1x640x16xf32, #tpu.memory_space<hbm>>
      %dma_start3A_55 = tpu.memref_squeeze %dma_start3A_54 : memref<1x640x16xf32, #tpu.memory_space<hbm>> -> memref<640x16xf32, #tpu.memory_space<hbm>>
      %dma_start3A_56 = arith.constant 0 : i32
      %dma_start3A_57 = tpu.memref_slice %arg11[%mul3A_51, %dma_start3A_56] : memref<10240x16xf32, #tpu.memory_space<vmem_shared>> -> memref<640x16xf32, #tpu.memory_space<vmem_shared>>
      tpu.enqueue_dma source(%dma_start3A_57 : memref<640x16xf32, #tpu.memory_space<vmem_shared>>) target(%dma_start3A_55 : memref<640x16xf32, #tpu.memory_space<hbm>>) target_semaphore(%run_scoped3A : memref<!tpu.dma_semaphore, #tpu.memory_space<semaphore_mem>>)
      %dma_wait3A = arith.constant 0 : i32
      %dma_wait3A_58 = tpu.memref_slice %arg5[%arg0, %mul3A_53, %dma_wait3A] : memref<2x10240x16xf32, #tpu.memory_space<hbm>> -> memref<1x640x16xf32, #tpu.memory_space<hbm>>
      %dma_wait3A_59 = tpu.memref_squeeze %dma_wait3A_58 : memref<1x640x16xf32, #tpu.memory_space<hbm>> -> memref<640x16xf32, #tpu.memory_space<hbm>>
      %dma_wait3A_60 = arith.constant 0 : i32
      %dma_wait3A_61 = tpu.memref_slice %arg11[%mul3A_51, %dma_wait3A_60] : memref<10240x16xf32, #tpu.memory_space<vmem_shared>> -> memref<640x16xf32, #tpu.memory_space<vmem_shared>>
      tpu.wait_dma2 semaphore(%run_scoped3A : memref<!tpu.dma_semaphore, #tpu.memory_space<semaphore_mem>>) src(%dma_wait3A_61 : memref<640x16xf32, #tpu.memory_space<vmem_shared>>) dst(%dma_wait3A_59 : memref<640x16xf32, #tpu.memory_space<hbm>>)
      tpu.yield
    }) : () -> ()
    return
  }
}

#map = affine_map<(d0, d1) -> (0, 0)>
#map1 = affine_map<(d0, d1) -> (0)>
#map2 = affine_map<(d0, d1) -> (0, 0, 0)>
module attributes {stable_mosaic.version = 14 : i64} {
  func.func @sc_scatter(%arg0: i32, %arg1: i32, %arg2: memref<10240x32xf32, #tpu.memory_space<hbm>>, %arg3: memref<320000xi32, #tpu.memory_space<hbm>>, %arg4: memref<320000xi32, #tpu.memory_space<hbm>>, %arg5: memref<2x10240x32xf32, #tpu.memory_space<hbm>>, %arg6: memref<128xi32, #tpu.memory_space<vmem>>, %arg7: memref<128xi32, #tpu.memory_space<vmem>>, %arg8: memref<128x32xf32, #tpu.memory_space<vmem>>, %arg9: memref<640x32xf32, #tpu.memory_space<vmem>>, %arg10: memref<10240x32xf32, #tpu.memory_space<vmem_shared>>, %arg11: memref<!tpu.dma_semaphore, #tpu.memory_space<semaphore_mem>>) attributes {dimension_semantics = [#tpu.dimension_semantics<core_parallel>, #tpu.dimension_semantics<subcore_parallel>], iteration_bounds = array<i64: 2, 16>, scalar_prefetch = 0 : i64, scratch_operands = 6 : i64, tpu.core_type = #tpu.core_type<sc_vector_subcore>, window_params = [{transform_indices = #map}, {transform_indices = #map1}, {transform_indices = #map1}, {transform_indices = #map2}]} {
    %mul3A = arith.constant 2 : i32
    %mul3A_0 = arith.muli %arg1, %mul3A : i32
    %add3A = arith.addi %mul3A_0, %arg0 : i32
    %scan3A = arith.constant 0 : i32
    %scan3A_1 = arith.constant 0 : i32
    %scan3A_2 = arith.constant 640 : i32
    %scan3A_3 = arith.addi %scan3A_1, %scan3A_2 : i32
    %scan3A_4 = arith.constant 1 : i32
    %scan3A_5 = scf.for %scan3A_47 = %scan3A_1 to %scan3A_3 step %scan3A_4 iter_args(%scan3A_48 = %scan3A) -> (i32)  : i32 {
      %broadcast_in_dim3A = arith.constant 0.000000e+00 : f32
      %broadcast_in_dim3A_49 = vector.broadcast %broadcast_in_dim3A : f32 to vector<16xf32>
      %swap3A = arith.index_cast %scan3A_47 : i32 to index
      %swap3A_50 = arith.constant 0 : index
      %swap3A_51 = tpu.vector_load %arg9[%swap3A, %swap3A_50] {strides = array<i32>} : memref<640x32xf32, #tpu.memory_space<vmem>>, vector<1x16xf32>,
      %swap3A_52 = vector.shape_cast %swap3A_51 : vector<1x16xf32> to vector<16xf32>
      %swap3A_53 = vector.shape_cast %broadcast_in_dim3A_49 : vector<16xf32> to vector<1x16xf32>
      tpu.vector_store %arg9[%swap3A, %swap3A_50], %swap3A_53 {strides = array<i32>} : memref<640x32xf32, #tpu.memory_space<vmem>>, vector<1x16xf32>,
      %broadcast_in_dim3A_54 = arith.constant 0.000000e+00 : f32
      %broadcast_in_dim3A_55 = vector.broadcast %broadcast_in_dim3A_54 : f32 to vector<16xf32>
      %swap3A_56 = arith.index_cast %scan3A_47 : i32 to index
      %swap3A_57 = arith.constant 16 : index
      %swap3A_58 = tpu.vector_load %arg9[%swap3A_56, %swap3A_57] {strides = array<i32>} : memref<640x32xf32, #tpu.memory_space<vmem>>, vector<1x16xf32>,
      %swap3A_59 = vector.shape_cast %swap3A_58 : vector<1x16xf32> to vector<16xf32>
      %swap3A_60 = vector.shape_cast %broadcast_in_dim3A_55 : vector<16xf32> to vector<1x16xf32>
      tpu.vector_store %arg9[%swap3A_56, %swap3A_57], %swap3A_60 {strides = array<i32>} : memref<640x32xf32, #tpu.memory_space<vmem>>, vector<1x16xf32>,
      %scan3A_61 = arith.constant 0 : i32
      scf.yield %scan3A_61 : i32
    }
    %scan3A_6 = arith.constant 640 : i32
    %mul3A_7 = arith.constant 640 : i32
    %mul3A_8 = arith.muli %arg1, %mul3A_7 : i32
    "tpu.region"() ({
      %run_scoped3A = tpu.sem_alloc : memref<!tpu.dma_semaphore, #tpu.memory_space<semaphore_mem>>
      %dma_start3A = arith.constant 0 : i32
      %dma_start3A_47 = tpu.memref_slice %arg10[%mul3A_8, %dma_start3A] : memref<10240x32xf32, #tpu.memory_space<vmem_shared>> -> memref<640x32xf32, #tpu.memory_space<vmem_shared>>
      %dma_start3A_48 = arith.constant 0 : i32
      %dma_start3A_49 = tpu.memref_slice %arg10[%mul3A_8, %dma_start3A_48] : memref<10240x32xf32, #tpu.memory_space<vmem_shared>> -> memref<640x32xf32, #tpu.memory_space<vmem_shared>>
      tpu.enqueue_dma source(%arg9 : memref<640x32xf32, #tpu.memory_space<vmem>>) target(%dma_start3A_49 : memref<640x32xf32, #tpu.memory_space<vmem_shared>>) target_semaphore(%run_scoped3A : memref<!tpu.dma_semaphore, #tpu.memory_space<semaphore_mem>>)
      %dma_wait3A = arith.constant 0 : i32
      %dma_wait3A_50 = tpu.memref_slice %arg10[%mul3A_8, %dma_wait3A] : memref<10240x32xf32, #tpu.memory_space<vmem_shared>> -> memref<640x32xf32, #tpu.memory_space<vmem_shared>>
      %dma_wait3A_51 = arith.constant 0 : i32
      %dma_wait3A_52 = tpu.memref_slice %arg10[%mul3A_8, %dma_wait3A_51] : memref<10240x32xf32, #tpu.memory_space<vmem_shared>> -> memref<640x32xf32, #tpu.memory_space<vmem_shared>>
      tpu.wait_dma2 semaphore(%run_scoped3A : memref<!tpu.dma_semaphore, #tpu.memory_space<semaphore_mem>>) src(%arg9 : memref<640x32xf32, #tpu.memory_space<vmem>>) dst(%dma_wait3A_52 : memref<640x32xf32, #tpu.memory_space<vmem_shared>>)
      tpu.yield
    }) : () -> ()
    %barrier3A = arith.constant 0 : index
    tpu.barrier barrier_id(%barrier3A)
    %sub3A = arith.constant 2500 : i32
    %sub3A_9 = arith.subi %sub3A, %add3A : i32
    %add3A_10 = arith.constant 32 : i32
    %add3A_11 = arith.addi %sub3A_9, %add3A_10 : i32
    %sub3A_12 = arith.constant 1 : i32
    %sub3A_13 = arith.subi %add3A_11, %sub3A_12 : i32
    %jit3A = arith.constant 32 : i32
    %div3A = arith.divsi %sub3A_13, %jit3A : i32
    %sign3A = arith.constant 0 : i32
    %sign3A_14 = arith.cmpi sgt, %sub3A_13, %sign3A : i32
    %sign3A_15 = arith.extui %sign3A_14 : i1 to i32
    %sign3A_16 = arith.constant 0 : i32
    %sign3A_17 = arith.cmpi slt, %sub3A_13, %sign3A_16 : i32
    %sign3A_18 = arith.extui %sign3A_17 : i1 to i32
    %sign3A_19 = arith.subi %sign3A_15, %sign3A_18 : i32
    %sign3A_20 = arith.constant 0 : i32
    %sign3A_21 = arith.cmpi sgt, %jit3A, %sign3A_20 : i32
    %sign3A_22 = arith.extui %sign3A_21 : i1 to i32
    %sign3A_23 = arith.constant 0 : i32
    %sign3A_24 = arith.cmpi slt, %jit3A, %sign3A_23 : i32
    %sign3A_25 = arith.extui %sign3A_24 : i1 to i32
    %sign3A_26 = arith.subi %sign3A_22, %sign3A_25 : i32
    %ne3A = arith.cmpi ne, %sign3A_19, %sign3A_26 : i32
    %rem3A = arith.remsi %sub3A_13, %jit3A : i32
    %ne3A_27 = arith.constant 0 : i32
    %ne3A_28 = arith.cmpi ne, %rem3A, %ne3A_27 : i32
    %and3A = arith.andi %ne3A, %ne3A_28 : i1
    %sub3A_29 = arith.constant 1 : i32
    %sub3A_30 = arith.subi %div3A, %sub3A_29 : i32
    %select_n3A = arith.select %and3A, %sub3A_30, %div3A : i32
    %while3A = arith.constant 0 : i32
    %while3A_31 = arith.constant 0 : i32
    %while3A_32 = arith.subi %select_n3A, %while3A : i32
    %while3A_33 = arith.addi %while3A, %while3A_32 : i32
    %while3A_34 = arith.constant 1 : i32
    %while3A_35 = arith.divsi %while3A_32, %while3A_34 : i32
    %while3A_36 = arith.muli %while3A_35, %while3A_34 : i32
    %while3A_37 = arith.addi %while3A, %while3A_36 : i32
    %while3A_38 = arith.constant 1 : i32
    %while3A_39 = scf.for %while3A_47 = %while3A to %while3A_37 step %while3A_38 iter_args(%while3A_48 = %while3A_31) -> (i32)  : i32 {
      %mul3A_49 = arith.constant 32 : i32
      %mul3A_50 = arith.muli %while3A_47, %mul3A_49 : i32
      %add3A_51 = arith.addi %add3A, %mul3A_50 : i32
      %mul3A_52 = arith.constant 128 : i32
      %mul3A_53 = arith.muli %add3A_51, %mul3A_52 : i32
      "tpu.region"() ({
        %run_scoped3A = tpu.sem_alloc : memref<!tpu.dma_semaphore, #tpu.memory_space<semaphore_mem>>
        %dma_start3A_59 = tpu.memref_slice %arg3[%mul3A_53] : memref<320000xi32, #tpu.memory_space<hbm>> -> memref<128xi32, #tpu.memory_space<hbm>>
        %dma_start3A_60 = tpu.memref_slice %arg3[%mul3A_53] : memref<320000xi32, #tpu.memory_space<hbm>> -> memref<128xi32, #tpu.memory_space<hbm>>
        tpu.enqueue_dma source(%dma_start3A_60 : memref<128xi32, #tpu.memory_space<hbm>>) target(%arg6 : memref<128xi32, #tpu.memory_space<vmem>>) target_semaphore(%run_scoped3A : memref<!tpu.dma_semaphore, #tpu.memory_space<semaphore_mem>>)
        %dma_wait3A_61 = tpu.memref_slice %arg3[%mul3A_53] : memref<320000xi32, #tpu.memory_space<hbm>> -> memref<128xi32, #tpu.memory_space<hbm>>
        %dma_wait3A_62 = tpu.memref_slice %arg3[%mul3A_53] : memref<320000xi32, #tpu.memory_space<hbm>> -> memref<128xi32, #tpu.memory_space<hbm>>
        tpu.wait_dma2 semaphore(%run_scoped3A : memref<!tpu.dma_semaphore, #tpu.memory_space<semaphore_mem>>) src(%dma_wait3A_62 : memref<128xi32, #tpu.memory_space<hbm>>) dst(%arg6 : memref<128xi32, #tpu.memory_space<vmem>>)
        tpu.yield
      }) : () -> ()
      "tpu.region"() ({
        %run_scoped3A = tpu.sem_alloc : memref<!tpu.dma_semaphore, #tpu.memory_space<semaphore_mem>>
        %dma_start3A_59 = tpu.memref_slice %arg4[%mul3A_53] : memref<320000xi32, #tpu.memory_space<hbm>> -> memref<128xi32, #tpu.memory_space<hbm>>
        %dma_start3A_60 = tpu.memref_slice %arg4[%mul3A_53] : memref<320000xi32, #tpu.memory_space<hbm>> -> memref<128xi32, #tpu.memory_space<hbm>>
        tpu.enqueue_dma source(%dma_start3A_60 : memref<128xi32, #tpu.memory_space<hbm>>) target(%arg7 : memref<128xi32, #tpu.memory_space<vmem>>) target_semaphore(%run_scoped3A : memref<!tpu.dma_semaphore, #tpu.memory_space<semaphore_mem>>)
        %dma_wait3A_61 = tpu.memref_slice %arg4[%mul3A_53] : memref<320000xi32, #tpu.memory_space<hbm>> -> memref<128xi32, #tpu.memory_space<hbm>>
        %dma_wait3A_62 = tpu.memref_slice %arg4[%mul3A_53] : memref<320000xi32, #tpu.memory_space<hbm>> -> memref<128xi32, #tpu.memory_space<hbm>>
        tpu.wait_dma2 semaphore(%run_scoped3A : memref<!tpu.dma_semaphore, #tpu.memory_space<semaphore_mem>>) src(%dma_wait3A_62 : memref<128xi32, #tpu.memory_space<hbm>>) dst(%arg7 : memref<128xi32, #tpu.memory_space<vmem>>)
        tpu.yield
      }) : () -> ()
      %dma_start3A = arith.constant 0 : i32
      %dma_start3A_54 = arith.constant 0 : i32
      %dma_start3A_55 = tpu.memref_slice %arg2[%dma_start3A, %dma_start3A_54] : memref<10240x32xf32, #tpu.memory_space<hbm>> -> memref<10240x32xf32, #tpu.memory_space<hbm>>
      tpu.enqueue_indirect_dma source(%dma_start3A_55 : memref<10240x32xf32, #tpu.memory_space<hbm>>) target(%arg8 : memref<128x32xf32, #tpu.memory_space<vmem>>) offsets(%arg6 : memref<128xi32, #tpu.memory_space<vmem>>) semaphore(%arg11 : memref<!tpu.dma_semaphore, #tpu.memory_space<semaphore_mem>>)
      %dma_wait3A = arith.constant 0 : i32
      %dma_wait3A_56 = arith.constant 0 : i32
      %dma_wait3A_57 = tpu.memref_slice %arg2[%dma_wait3A, %dma_wait3A_56] : memref<10240x32xf32, #tpu.memory_space<hbm>> -> memref<10240x32xf32, #tpu.memory_space<hbm>>
      tpu.wait_indirect_dma semaphore(%arg11 : memref<!tpu.dma_semaphore, #tpu.memory_space<semaphore_mem>>) src(%dma_wait3A_57 : memref<10240x32xf32, #tpu.memory_space<hbm>>) dst(%arg8 : memref<128x32xf32, #tpu.memory_space<vmem>>)
      "tpu.region"() ({
        %run_scoped3A = tpu.sem_alloc : memref<!tpu.dma_semaphore, #tpu.memory_space<semaphore_mem>>
        %dma_start3A_59 = arith.constant 0 : i32
        %dma_start3A_60 = arith.constant 0 : i32
        %dma_start3A_61 = tpu.memref_slice %arg10[%dma_start3A_59, %dma_start3A_60] : memref<10240x32xf32, #tpu.memory_space<vmem_shared>> -> memref<10240x32xf32, #tpu.memory_space<vmem_shared>>
        tpu.enqueue_indirect_dma source(%arg8 : memref<128x32xf32, #tpu.memory_space<vmem>>) target(%dma_start3A_61 : memref<10240x32xf32, #tpu.memory_space<vmem_shared>>) offsets(%arg7 : memref<128xi32, #tpu.memory_space<vmem>>) semaphore(%run_scoped3A : memref<!tpu.dma_semaphore, #tpu.memory_space<semaphore_mem>>) {add = true}
        %dma_wait3A_62 = arith.constant 0 : i32
        %dma_wait3A_63 = arith.constant 0 : i32
        %dma_wait3A_64 = tpu.memref_slice %arg10[%dma_wait3A_62, %dma_wait3A_63] : memref<10240x32xf32, #tpu.memory_space<vmem_shared>> -> memref<10240x32xf32, #tpu.memory_space<vmem_shared>>
        tpu.wait_indirect_dma semaphore(%run_scoped3A : memref<!tpu.dma_semaphore, #tpu.memory_space<semaphore_mem>>) src(%arg8 : memref<128x32xf32, #tpu.memory_space<vmem>>) dst(%dma_wait3A_64 : memref<10240x32xf32, #tpu.memory_space<vmem_shared>>)
        tpu.yield
      }) : () -> ()
      %while3A_58 = arith.constant 0 : i32
      scf.yield %while3A_58 : i32
    }
    %while3A_40 = arith.constant 1 : i32
    %while3A_41 = scf.for %while3A_47 = %while3A_37 to %while3A_33 step %while3A_40 iter_args(%while3A_48 = %while3A_39) -> (i32)  : i32 {
      %mul3A_49 = arith.constant 32 : i32
      %mul3A_50 = arith.muli %while3A_47, %mul3A_49 : i32
      %add3A_51 = arith.addi %add3A, %mul3A_50 : i32
      %mul3A_52 = arith.constant 128 : i32
      %mul3A_53 = arith.muli %add3A_51, %mul3A_52 : i32
      "tpu.region"() ({
        %run_scoped3A = tpu.sem_alloc : memref<!tpu.dma_semaphore, #tpu.memory_space<semaphore_mem>>
        %dma_start3A_59 = tpu.memref_slice %arg3[%mul3A_53] : memref<320000xi32, #tpu.memory_space<hbm>> -> memref<128xi32, #tpu.memory_space<hbm>>
        %dma_start3A_60 = tpu.memref_slice %arg3[%mul3A_53] : memref<320000xi32, #tpu.memory_space<hbm>> -> memref<128xi32, #tpu.memory_space<hbm>>
        tpu.enqueue_dma source(%dma_start3A_60 : memref<128xi32, #tpu.memory_space<hbm>>) target(%arg6 : memref<128xi32, #tpu.memory_space<vmem>>) target_semaphore(%run_scoped3A : memref<!tpu.dma_semaphore, #tpu.memory_space<semaphore_mem>>)
        %dma_wait3A_61 = tpu.memref_slice %arg3[%mul3A_53] : memref<320000xi32, #tpu.memory_space<hbm>> -> memref<128xi32, #tpu.memory_space<hbm>>
        %dma_wait3A_62 = tpu.memref_slice %arg3[%mul3A_53] : memref<320000xi32, #tpu.memory_space<hbm>> -> memref<128xi32, #tpu.memory_space<hbm>>
        tpu.wait_dma2 semaphore(%run_scoped3A : memref<!tpu.dma_semaphore, #tpu.memory_space<semaphore_mem>>) src(%dma_wait3A_62 : memref<128xi32, #tpu.memory_space<hbm>>) dst(%arg6 : memref<128xi32, #tpu.memory_space<vmem>>)
        tpu.yield
      }) : () -> ()
      "tpu.region"() ({
        %run_scoped3A = tpu.sem_alloc : memref<!tpu.dma_semaphore, #tpu.memory_space<semaphore_mem>>
        %dma_start3A_59 = tpu.memref_slice %arg4[%mul3A_53] : memref<320000xi32, #tpu.memory_space<hbm>> -> memref<128xi32, #tpu.memory_space<hbm>>
        %dma_start3A_60 = tpu.memref_slice %arg4[%mul3A_53] : memref<320000xi32, #tpu.memory_space<hbm>> -> memref<128xi32, #tpu.memory_space<hbm>>
        tpu.enqueue_dma source(%dma_start3A_60 : memref<128xi32, #tpu.memory_space<hbm>>) target(%arg7 : memref<128xi32, #tpu.memory_space<vmem>>) target_semaphore(%run_scoped3A : memref<!tpu.dma_semaphore, #tpu.memory_space<semaphore_mem>>)
        %dma_wait3A_61 = tpu.memref_slice %arg4[%mul3A_53] : memref<320000xi32, #tpu.memory_space<hbm>> -> memref<128xi32, #tpu.memory_space<hbm>>
        %dma_wait3A_62 = tpu.memref_slice %arg4[%mul3A_53] : memref<320000xi32, #tpu.memory_space<hbm>> -> memref<128xi32, #tpu.memory_space<hbm>>
        tpu.wait_dma2 semaphore(%run_scoped3A : memref<!tpu.dma_semaphore, #tpu.memory_space<semaphore_mem>>) src(%dma_wait3A_62 : memref<128xi32, #tpu.memory_space<hbm>>) dst(%arg7 : memref<128xi32, #tpu.memory_space<vmem>>)
        tpu.yield
      }) : () -> ()
      %dma_start3A = arith.constant 0 : i32
      %dma_start3A_54 = arith.constant 0 : i32
      %dma_start3A_55 = tpu.memref_slice %arg2[%dma_start3A, %dma_start3A_54] : memref<10240x32xf32, #tpu.memory_space<hbm>> -> memref<10240x32xf32, #tpu.memory_space<hbm>>
      tpu.enqueue_indirect_dma source(%dma_start3A_55 : memref<10240x32xf32, #tpu.memory_space<hbm>>) target(%arg8 : memref<128x32xf32, #tpu.memory_space<vmem>>) offsets(%arg6 : memref<128xi32, #tpu.memory_space<vmem>>) semaphore(%arg11 : memref<!tpu.dma_semaphore, #tpu.memory_space<semaphore_mem>>)
      %dma_wait3A = arith.constant 0 : i32
      %dma_wait3A_56 = arith.constant 0 : i32
      %dma_wait3A_57 = tpu.memref_slice %arg2[%dma_wait3A, %dma_wait3A_56] : memref<10240x32xf32, #tpu.memory_space<hbm>> -> memref<10240x32xf32, #tpu.memory_space<hbm>>
      tpu.wait_indirect_dma semaphore(%arg11 : memref<!tpu.dma_semaphore, #tpu.memory_space<semaphore_mem>>) src(%dma_wait3A_57 : memref<10240x32xf32, #tpu.memory_space<hbm>>) dst(%arg8 : memref<128x32xf32, #tpu.memory_space<vmem>>)
      "tpu.region"() ({
        %run_scoped3A = tpu.sem_alloc : memref<!tpu.dma_semaphore, #tpu.memory_space<semaphore_mem>>
        %dma_start3A_59 = arith.constant 0 : i32
        %dma_start3A_60 = arith.constant 0 : i32
        %dma_start3A_61 = tpu.memref_slice %arg10[%dma_start3A_59, %dma_start3A_60] : memref<10240x32xf32, #tpu.memory_space<vmem_shared>> -> memref<10240x32xf32, #tpu.memory_space<vmem_shared>>
        tpu.enqueue_indirect_dma source(%arg8 : memref<128x32xf32, #tpu.memory_space<vmem>>) target(%dma_start3A_61 : memref<10240x32xf32, #tpu.memory_space<vmem_shared>>) offsets(%arg7 : memref<128xi32, #tpu.memory_space<vmem>>) semaphore(%run_scoped3A : memref<!tpu.dma_semaphore, #tpu.memory_space<semaphore_mem>>) {add = true}
        %dma_wait3A_62 = arith.constant 0 : i32
        %dma_wait3A_63 = arith.constant 0 : i32
        %dma_wait3A_64 = tpu.memref_slice %arg10[%dma_wait3A_62, %dma_wait3A_63] : memref<10240x32xf32, #tpu.memory_space<vmem_shared>> -> memref<10240x32xf32, #tpu.memory_space<vmem_shared>>
        tpu.wait_indirect_dma semaphore(%run_scoped3A : memref<!tpu.dma_semaphore, #tpu.memory_space<semaphore_mem>>) src(%arg8 : memref<128x32xf32, #tpu.memory_space<vmem>>) dst(%dma_wait3A_64 : memref<10240x32xf32, #tpu.memory_space<vmem_shared>>)
        tpu.yield
      }) : () -> ()
      %while3A_58 = arith.constant 0 : i32
      scf.yield %while3A_58 : i32
    }
    %barrier3A_42 = arith.constant 0 : index
    tpu.barrier barrier_id(%barrier3A_42)
    %mul3A_43 = arith.constant 640 : i32
    %mul3A_44 = arith.muli %arg1, %mul3A_43 : i32
    %mul3A_45 = arith.constant 640 : i32
    %mul3A_46 = arith.muli %arg1, %mul3A_45 : i32
    "tpu.region"() ({
      %run_scoped3A = tpu.sem_alloc : memref<!tpu.dma_semaphore, #tpu.memory_space<semaphore_mem>>
      %dma_start3A = arith.constant 0 : i32
      %dma_start3A_47 = tpu.memref_slice %arg5[%arg0, %mul3A_46, %dma_start3A] : memref<2x10240x32xf32, #tpu.memory_space<hbm>> -> memref<1x640x32xf32, #tpu.memory_space<hbm>>
      %dma_start3A_48 = tpu.memref_squeeze %dma_start3A_47 : memref<1x640x32xf32, #tpu.memory_space<hbm>> -> memref<640x32xf32, #tpu.memory_space<hbm>>
      %dma_start3A_49 = arith.constant 0 : i32
      %dma_start3A_50 = tpu.memref_slice %arg10[%mul3A_44, %dma_start3A_49] : memref<10240x32xf32, #tpu.memory_space<vmem_shared>> -> memref<640x32xf32, #tpu.memory_space<vmem_shared>>
      tpu.enqueue_dma source(%dma_start3A_50 : memref<640x32xf32, #tpu.memory_space<vmem_shared>>) target(%dma_start3A_48 : memref<640x32xf32, #tpu.memory_space<hbm>>) target_semaphore(%run_scoped3A : memref<!tpu.dma_semaphore, #tpu.memory_space<semaphore_mem>>)
      %dma_wait3A = arith.constant 0 : i32
      %dma_wait3A_51 = tpu.memref_slice %arg5[%arg0, %mul3A_46, %dma_wait3A] : memref<2x10240x32xf32, #tpu.memory_space<hbm>> -> memref<1x640x32xf32, #tpu.memory_space<hbm>>
      %dma_wait3A_52 = tpu.memref_squeeze %dma_wait3A_51 : memref<1x640x32xf32, #tpu.memory_space<hbm>> -> memref<640x32xf32, #tpu.memory_space<hbm>>
      %dma_wait3A_53 = arith.constant 0 : i32
      %dma_wait3A_54 = tpu.memref_slice %arg10[%mul3A_44, %dma_wait3A_53] : memref<10240x32xf32, #tpu.memory_space<vmem_shared>> -> memref<640x32xf32, #tpu.memory_space<vmem_shared>>
      tpu.wait_dma2 semaphore(%run_scoped3A : memref<!tpu.dma_semaphore, #tpu.memory_space<semaphore_mem>>) src(%dma_wait3A_54 : memref<640x32xf32, #tpu.memory_space<vmem_shared>>) dst(%dma_wait3A_52 : memref<640x32xf32, #tpu.memory_space<hbm>>)
      tpu.yield
    }) : () -> ()
    return
  }
}

#map = affine_map<(d0, d1) -> (0, 0)>
#map1 = affine_map<(d0, d1) -> (0)>
#map2 = affine_map<(d0, d1) -> (0, 0, 0)>
module attributes {stable_mosaic.version = 14 : i64} {
  func.func @sc_scatter(%arg0: i32, %arg1: i32, %arg2: memref<10240x32xf32, #tpu.memory_space<hbm>>, %arg3: memref<320000xi32, #tpu.memory_space<hbm>>, %arg4: memref<320000xi32, #tpu.memory_space<hbm>>, %arg5: memref<2x10240x32xf32, #tpu.memory_space<hbm>>, %arg6: memref<128xi32, #tpu.memory_space<vmem>>, %arg7: memref<128xi32, #tpu.memory_space<vmem>>, %arg8: memref<128x32xf32, #tpu.memory_space<vmem>>, %arg9: memref<640x32xf32, #tpu.memory_space<vmem>>, %arg10: memref<10240x32xf32, #tpu.memory_space<vmem_shared>>, %arg11: memref<!tpu.dma_semaphore, #tpu.memory_space<semaphore_mem>>) attributes {dimension_semantics = [#tpu.dimension_semantics<core_parallel>, #tpu.dimension_semantics<subcore_parallel>], iteration_bounds = array<i64: 2, 16>, scalar_prefetch = 0 : i64, scratch_operands = 6 : i64, tpu.core_type = #tpu.core_type<sc_vector_subcore>, window_params = [{transform_indices = #map}, {transform_indices = #map1}, {transform_indices = #map1}, {transform_indices = #map2}]} {
    %mul3A = arith.constant 2 : i32
    %mul3A_0 = arith.muli %arg1, %mul3A : i32
    %add3A = arith.addi %mul3A_0, %arg0 : i32
    %scan3A = arith.constant 0 : i32
    %scan3A_1 = arith.constant 0 : i32
    %scan3A_2 = arith.constant 640 : i32
    %scan3A_3 = arith.addi %scan3A_1, %scan3A_2 : i32
    %scan3A_4 = arith.constant 1 : i32
    %scan3A_5 = scf.for %scan3A_47 = %scan3A_1 to %scan3A_3 step %scan3A_4 iter_args(%scan3A_48 = %scan3A) -> (i32)  : i32 {
      %broadcast_in_dim3A = arith.constant 0.000000e+00 : f32
      %broadcast_in_dim3A_49 = vector.broadcast %broadcast_in_dim3A : f32 to vector<16xf32>
      %swap3A = arith.index_cast %scan3A_47 : i32 to index
      %swap3A_50 = arith.constant 0 : index
      %swap3A_51 = tpu.vector_load %arg9[%swap3A, %swap3A_50] {strides = array<i32>} : memref<640x32xf32, #tpu.memory_space<vmem>>, vector<1x16xf32>,
      %swap3A_52 = vector.shape_cast %swap3A_51 : vector<1x16xf32> to vector<16xf32>
      %swap3A_53 = vector.shape_cast %broadcast_in_dim3A_49 : vector<16xf32> to vector<1x16xf32>
      tpu.vector_store %arg9[%swap3A, %swap3A_50], %swap3A_53 {strides = array<i32>} : memref<640x32xf32, #tpu.memory_space<vmem>>, vector<1x16xf32>,
      %broadcast_in_dim3A_54 = arith.constant 0.000000e+00 : f32
      %broadcast_in_dim3A_55 = vector.broadcast %broadcast_in_dim3A_54 : f32 to vector<16xf32>
      %swap3A_56 = arith.index_cast %scan3A_47 : i32 to index
      %swap3A_57 = arith.constant 16 : index
      %swap3A_58 = tpu.vector_load %arg9[%swap3A_56, %swap3A_57] {strides = array<i32>} : memref<640x32xf32, #tpu.memory_space<vmem>>, vector<1x16xf32>,
      %swap3A_59 = vector.shape_cast %swap3A_58 : vector<1x16xf32> to vector<16xf32>
      %swap3A_60 = vector.shape_cast %broadcast_in_dim3A_55 : vector<16xf32> to vector<1x16xf32>
      tpu.vector_store %arg9[%swap3A_56, %swap3A_57], %swap3A_60 {strides = array<i32>} : memref<640x32xf32, #tpu.memory_space<vmem>>, vector<1x16xf32>,
      %scan3A_61 = arith.constant 0 : i32
      scf.yield %scan3A_61 : i32
    }
    %scan3A_6 = arith.constant 640 : i32
    %mul3A_7 = arith.constant 640 : i32
    %mul3A_8 = arith.muli %arg1, %mul3A_7 : i32
    "tpu.region"() ({
      %run_scoped3A = tpu.sem_alloc : memref<!tpu.dma_semaphore, #tpu.memory_space<semaphore_mem>>
      %dma_start3A = arith.constant 0 : i32
      %dma_start3A_47 = tpu.memref_slice %arg10[%mul3A_8, %dma_start3A] : memref<10240x32xf32, #tpu.memory_space<vmem_shared>> -> memref<640x32xf32, #tpu.memory_space<vmem_shared>>
      %dma_start3A_48 = arith.constant 0 : i32
      %dma_start3A_49 = tpu.memref_slice %arg10[%mul3A_8, %dma_start3A_48] : memref<10240x32xf32, #tpu.memory_space<vmem_shared>> -> memref<640x32xf32, #tpu.memory_space<vmem_shared>>
      tpu.enqueue_dma source(%arg9 : memref<640x32xf32, #tpu.memory_space<vmem>>) target(%dma_start3A_49 : memref<640x32xf32, #tpu.memory_space<vmem_shared>>) target_semaphore(%run_scoped3A : memref<!tpu.dma_semaphore, #tpu.memory_space<semaphore_mem>>)
      %dma_wait3A = arith.constant 0 : i32
      %dma_wait3A_50 = tpu.memref_slice %arg10[%mul3A_8, %dma_wait3A] : memref<10240x32xf32, #tpu.memory_space<vmem_shared>> -> memref<640x32xf32, #tpu.memory_space<vmem_shared>>
      %dma_wait3A_51 = arith.constant 0 : i32
      %dma_wait3A_52 = tpu.memref_slice %arg10[%mul3A_8, %dma_wait3A_51] : memref<10240x32xf32, #tpu.memory_space<vmem_shared>> -> memref<640x32xf32, #tpu.memory_space<vmem_shared>>
      tpu.wait_dma2 semaphore(%run_scoped3A : memref<!tpu.dma_semaphore, #tpu.memory_space<semaphore_mem>>) src(%arg9 : memref<640x32xf32, #tpu.memory_space<vmem>>) dst(%dma_wait3A_52 : memref<640x32xf32, #tpu.memory_space<vmem_shared>>)
      tpu.yield
    }) : () -> ()
    %barrier3A = arith.constant 0 : index
    tpu.barrier barrier_id(%barrier3A)
    %sub3A = arith.constant 2500 : i32
    %sub3A_9 = arith.subi %sub3A, %add3A : i32
    %add3A_10 = arith.constant 32 : i32
    %add3A_11 = arith.addi %sub3A_9, %add3A_10 : i32
    %sub3A_12 = arith.constant 1 : i32
    %sub3A_13 = arith.subi %add3A_11, %sub3A_12 : i32
    %jit3A = arith.constant 32 : i32
    %div3A = arith.divsi %sub3A_13, %jit3A : i32
    %sign3A = arith.constant 0 : i32
    %sign3A_14 = arith.cmpi sgt, %sub3A_13, %sign3A : i32
    %sign3A_15 = arith.extui %sign3A_14 : i1 to i32
    %sign3A_16 = arith.constant 0 : i32
    %sign3A_17 = arith.cmpi slt, %sub3A_13, %sign3A_16 : i32
    %sign3A_18 = arith.extui %sign3A_17 : i1 to i32
    %sign3A_19 = arith.subi %sign3A_15, %sign3A_18 : i32
    %sign3A_20 = arith.constant 0 : i32
    %sign3A_21 = arith.cmpi sgt, %jit3A, %sign3A_20 : i32
    %sign3A_22 = arith.extui %sign3A_21 : i1 to i32
    %sign3A_23 = arith.constant 0 : i32
    %sign3A_24 = arith.cmpi slt, %jit3A, %sign3A_23 : i32
    %sign3A_25 = arith.extui %sign3A_24 : i1 to i32
    %sign3A_26 = arith.subi %sign3A_22, %sign3A_25 : i32
    %ne3A = arith.cmpi ne, %sign3A_19, %sign3A_26 : i32
    %rem3A = arith.remsi %sub3A_13, %jit3A : i32
    %ne3A_27 = arith.constant 0 : i32
    %ne3A_28 = arith.cmpi ne, %rem3A, %ne3A_27 : i32
    %and3A = arith.andi %ne3A, %ne3A_28 : i1
    %sub3A_29 = arith.constant 1 : i32
    %sub3A_30 = arith.subi %div3A, %sub3A_29 : i32
    %select_n3A = arith.select %and3A, %sub3A_30, %div3A : i32
    %while3A = arith.constant 0 : i32
    %while3A_31 = arith.constant 0 : i32
    %while3A_32 = arith.subi %select_n3A, %while3A : i32
    %while3A_33 = arith.addi %while3A, %while3A_32 : i32
    %while3A_34 = arith.constant 1 : i32
    %while3A_35 = arith.divsi %while3A_32, %while3A_34 : i32
    %while3A_36 = arith.muli %while3A_35, %while3A_34 : i32
    %while3A_37 = arith.addi %while3A, %while3A_36 : i32
    %while3A_38 = arith.constant 1 : i32
    %while3A_39 = scf.for %while3A_47 = %while3A to %while3A_37 step %while3A_38 iter_args(%while3A_48 = %while3A_31) -> (i32)  : i32 {
      %mul3A_49 = arith.constant 32 : i32
      %mul3A_50 = arith.muli %while3A_47, %mul3A_49 : i32
      %add3A_51 = arith.addi %add3A, %mul3A_50 : i32
      %mul3A_52 = arith.constant 128 : i32
      %mul3A_53 = arith.muli %add3A_51, %mul3A_52 : i32
      "tpu.region"() ({
        %run_scoped3A = tpu.sem_alloc : memref<!tpu.dma_semaphore, #tpu.memory_space<semaphore_mem>>
        %dma_start3A_59 = tpu.memref_slice %arg3[%mul3A_53] : memref<320000xi32, #tpu.memory_space<hbm>> -> memref<128xi32, #tpu.memory_space<hbm>>
        %dma_start3A_60 = tpu.memref_slice %arg3[%mul3A_53] : memref<320000xi32, #tpu.memory_space<hbm>> -> memref<128xi32, #tpu.memory_space<hbm>>
        tpu.enqueue_dma source(%dma_start3A_60 : memref<128xi32, #tpu.memory_space<hbm>>) target(%arg6 : memref<128xi32, #tpu.memory_space<vmem>>) target_semaphore(%run_scoped3A : memref<!tpu.dma_semaphore, #tpu.memory_space<semaphore_mem>>)
        %dma_wait3A_61 = tpu.memref_slice %arg3[%mul3A_53] : memref<320000xi32, #tpu.memory_space<hbm>> -> memref<128xi32, #tpu.memory_space<hbm>>
        %dma_wait3A_62 = tpu.memref_slice %arg3[%mul3A_53] : memref<320000xi32, #tpu.memory_space<hbm>> -> memref<128xi32, #tpu.memory_space<hbm>>
        tpu.wait_dma2 semaphore(%run_scoped3A : memref<!tpu.dma_semaphore, #tpu.memory_space<semaphore_mem>>) src(%dma_wait3A_62 : memref<128xi32, #tpu.memory_space<hbm>>) dst(%arg6 : memref<128xi32, #tpu.memory_space<vmem>>)
        tpu.yield
      }) : () -> ()
      "tpu.region"() ({
        %run_scoped3A = tpu.sem_alloc : memref<!tpu.dma_semaphore, #tpu.memory_space<semaphore_mem>>
        %dma_start3A_59 = tpu.memref_slice %arg4[%mul3A_53] : memref<320000xi32, #tpu.memory_space<hbm>> -> memref<128xi32, #tpu.memory_space<hbm>>
        %dma_start3A_60 = tpu.memref_slice %arg4[%mul3A_53] : memref<320000xi32, #tpu.memory_space<hbm>> -> memref<128xi32, #tpu.memory_space<hbm>>
        tpu.enqueue_dma source(%dma_start3A_60 : memref<128xi32, #tpu.memory_space<hbm>>) target(%arg7 : memref<128xi32, #tpu.memory_space<vmem>>) target_semaphore(%run_scoped3A : memref<!tpu.dma_semaphore, #tpu.memory_space<semaphore_mem>>)
        %dma_wait3A_61 = tpu.memref_slice %arg4[%mul3A_53] : memref<320000xi32, #tpu.memory_space<hbm>> -> memref<128xi32, #tpu.memory_space<hbm>>
        %dma_wait3A_62 = tpu.memref_slice %arg4[%mul3A_53] : memref<320000xi32, #tpu.memory_space<hbm>> -> memref<128xi32, #tpu.memory_space<hbm>>
        tpu.wait_dma2 semaphore(%run_scoped3A : memref<!tpu.dma_semaphore, #tpu.memory_space<semaphore_mem>>) src(%dma_wait3A_62 : memref<128xi32, #tpu.memory_space<hbm>>) dst(%arg7 : memref<128xi32, #tpu.memory_space<vmem>>)
        tpu.yield
      }) : () -> ()
      %dma_start3A = arith.constant 0 : i32
      %dma_start3A_54 = arith.constant 0 : i32
      %dma_start3A_55 = tpu.memref_slice %arg2[%dma_start3A, %dma_start3A_54] : memref<10240x32xf32, #tpu.memory_space<hbm>> -> memref<10240x32xf32, #tpu.memory_space<hbm>>
      tpu.enqueue_indirect_dma source(%dma_start3A_55 : memref<10240x32xf32, #tpu.memory_space<hbm>>) target(%arg8 : memref<128x32xf32, #tpu.memory_space<vmem>>) offsets(%arg6 : memref<128xi32, #tpu.memory_space<vmem>>) semaphore(%arg11 : memref<!tpu.dma_semaphore, #tpu.memory_space<semaphore_mem>>)
      %dma_wait3A = arith.constant 0 : i32
      %dma_wait3A_56 = arith.constant 0 : i32
      %dma_wait3A_57 = tpu.memref_slice %arg2[%dma_wait3A, %dma_wait3A_56] : memref<10240x32xf32, #tpu.memory_space<hbm>> -> memref<10240x32xf32, #tpu.memory_space<hbm>>
      tpu.wait_indirect_dma semaphore(%arg11 : memref<!tpu.dma_semaphore, #tpu.memory_space<semaphore_mem>>) src(%dma_wait3A_57 : memref<10240x32xf32, #tpu.memory_space<hbm>>) dst(%arg8 : memref<128x32xf32, #tpu.memory_space<vmem>>)
      "tpu.region"() ({
        %run_scoped3A = tpu.sem_alloc : memref<!tpu.dma_semaphore, #tpu.memory_space<semaphore_mem>>
        %dma_start3A_59 = arith.constant 0 : i32
        %dma_start3A_60 = arith.constant 0 : i32
        %dma_start3A_61 = tpu.memref_slice %arg10[%dma_start3A_59, %dma_start3A_60] : memref<10240x32xf32, #tpu.memory_space<vmem_shared>> -> memref<10240x32xf32, #tpu.memory_space<vmem_shared>>
        tpu.enqueue_indirect_dma source(%arg8 : memref<128x32xf32, #tpu.memory_space<vmem>>) target(%dma_start3A_61 : memref<10240x32xf32, #tpu.memory_space<vmem_shared>>) offsets(%arg7 : memref<128xi32, #tpu.memory_space<vmem>>) semaphore(%run_scoped3A : memref<!tpu.dma_semaphore, #tpu.memory_space<semaphore_mem>>) {add = true}
        %dma_wait3A_62 = arith.constant 0 : i32
        %dma_wait3A_63 = arith.constant 0 : i32
        %dma_wait3A_64 = tpu.memref_slice %arg10[%dma_wait3A_62, %dma_wait3A_63] : memref<10240x32xf32, #tpu.memory_space<vmem_shared>> -> memref<10240x32xf32, #tpu.memory_space<vmem_shared>>
        tpu.wait_indirect_dma semaphore(%run_scoped3A : memref<!tpu.dma_semaphore, #tpu.memory_space<semaphore_mem>>) src(%arg8 : memref<128x32xf32, #tpu.memory_space<vmem>>) dst(%dma_wait3A_64 : memref<10240x32xf32, #tpu.memory_space<vmem_shared>>)
        tpu.yield
      }) : () -> ()
      %while3A_58 = arith.constant 0 : i32
      scf.yield %while3A_58 : i32
    }
    %while3A_40 = arith.constant 1 : i32
    %while3A_41 = scf.for %while3A_47 = %while3A_37 to %while3A_33 step %while3A_40 iter_args(%while3A_48 = %while3A_39) -> (i32)  : i32 {
      %mul3A_49 = arith.constant 32 : i32
      %mul3A_50 = arith.muli %while3A_47, %mul3A_49 : i32
      %add3A_51 = arith.addi %add3A, %mul3A_50 : i32
      %mul3A_52 = arith.constant 128 : i32
      %mul3A_53 = arith.muli %add3A_51, %mul3A_52 : i32
      "tpu.region"() ({
        %run_scoped3A = tpu.sem_alloc : memref<!tpu.dma_semaphore, #tpu.memory_space<semaphore_mem>>
        %dma_start3A_59 = tpu.memref_slice %arg3[%mul3A_53] : memref<320000xi32, #tpu.memory_space<hbm>> -> memref<128xi32, #tpu.memory_space<hbm>>
        %dma_start3A_60 = tpu.memref_slice %arg3[%mul3A_53] : memref<320000xi32, #tpu.memory_space<hbm>> -> memref<128xi32, #tpu.memory_space<hbm>>
        tpu.enqueue_dma source(%dma_start3A_60 : memref<128xi32, #tpu.memory_space<hbm>>) target(%arg6 : memref<128xi32, #tpu.memory_space<vmem>>) target_semaphore(%run_scoped3A : memref<!tpu.dma_semaphore, #tpu.memory_space<semaphore_mem>>)
        %dma_wait3A_61 = tpu.memref_slice %arg3[%mul3A_53] : memref<320000xi32, #tpu.memory_space<hbm>> -> memref<128xi32, #tpu.memory_space<hbm>>
        %dma_wait3A_62 = tpu.memref_slice %arg3[%mul3A_53] : memref<320000xi32, #tpu.memory_space<hbm>> -> memref<128xi32, #tpu.memory_space<hbm>>
        tpu.wait_dma2 semaphore(%run_scoped3A : memref<!tpu.dma_semaphore, #tpu.memory_space<semaphore_mem>>) src(%dma_wait3A_62 : memref<128xi32, #tpu.memory_space<hbm>>) dst(%arg6 : memref<128xi32, #tpu.memory_space<vmem>>)
        tpu.yield
      }) : () -> ()
      "tpu.region"() ({
        %run_scoped3A = tpu.sem_alloc : memref<!tpu.dma_semaphore, #tpu.memory_space<semaphore_mem>>
        %dma_start3A_59 = tpu.memref_slice %arg4[%mul3A_53] : memref<320000xi32, #tpu.memory_space<hbm>> -> memref<128xi32, #tpu.memory_space<hbm>>
        %dma_start3A_60 = tpu.memref_slice %arg4[%mul3A_53] : memref<320000xi32, #tpu.memory_space<hbm>> -> memref<128xi32, #tpu.memory_space<hbm>>
        tpu.enqueue_dma source(%dma_start3A_60 : memref<128xi32, #tpu.memory_space<hbm>>) target(%arg7 : memref<128xi32, #tpu.memory_space<vmem>>) target_semaphore(%run_scoped3A : memref<!tpu.dma_semaphore, #tpu.memory_space<semaphore_mem>>)
        %dma_wait3A_61 = tpu.memref_slice %arg4[%mul3A_53] : memref<320000xi32, #tpu.memory_space<hbm>> -> memref<128xi32, #tpu.memory_space<hbm>>
        %dma_wait3A_62 = tpu.memref_slice %arg4[%mul3A_53] : memref<320000xi32, #tpu.memory_space<hbm>> -> memref<128xi32, #tpu.memory_space<hbm>>
        tpu.wait_dma2 semaphore(%run_scoped3A : memref<!tpu.dma_semaphore, #tpu.memory_space<semaphore_mem>>) src(%dma_wait3A_62 : memref<128xi32, #tpu.memory_space<hbm>>) dst(%arg7 : memref<128xi32, #tpu.memory_space<vmem>>)
        tpu.yield
      }) : () -> ()
      %dma_start3A = arith.constant 0 : i32
      %dma_start3A_54 = arith.constant 0 : i32
      %dma_start3A_55 = tpu.memref_slice %arg2[%dma_start3A, %dma_start3A_54] : memref<10240x32xf32, #tpu.memory_space<hbm>> -> memref<10240x32xf32, #tpu.memory_space<hbm>>
      tpu.enqueue_indirect_dma source(%dma_start3A_55 : memref<10240x32xf32, #tpu.memory_space<hbm>>) target(%arg8 : memref<128x32xf32, #tpu.memory_space<vmem>>) offsets(%arg6 : memref<128xi32, #tpu.memory_space<vmem>>) semaphore(%arg11 : memref<!tpu.dma_semaphore, #tpu.memory_space<semaphore_mem>>)
      %dma_wait3A = arith.constant 0 : i32
      %dma_wait3A_56 = arith.constant 0 : i32
      %dma_wait3A_57 = tpu.memref_slice %arg2[%dma_wait3A, %dma_wait3A_56] : memref<10240x32xf32, #tpu.memory_space<hbm>> -> memref<10240x32xf32, #tpu.memory_space<hbm>>
      tpu.wait_indirect_dma semaphore(%arg11 : memref<!tpu.dma_semaphore, #tpu.memory_space<semaphore_mem>>) src(%dma_wait3A_57 : memref<10240x32xf32, #tpu.memory_space<hbm>>) dst(%arg8 : memref<128x32xf32, #tpu.memory_space<vmem>>)
      "tpu.region"() ({
        %run_scoped3A = tpu.sem_alloc : memref<!tpu.dma_semaphore, #tpu.memory_space<semaphore_mem>>
        %dma_start3A_59 = arith.constant 0 : i32
        %dma_start3A_60 = arith.constant 0 : i32
        %dma_start3A_61 = tpu.memref_slice %arg10[%dma_start3A_59, %dma_start3A_60] : memref<10240x32xf32, #tpu.memory_space<vmem_shared>> -> memref<10240x32xf32, #tpu.memory_space<vmem_shared>>
        tpu.enqueue_indirect_dma source(%arg8 : memref<128x32xf32, #tpu.memory_space<vmem>>) target(%dma_start3A_61 : memref<10240x32xf32, #tpu.memory_space<vmem_shared>>) offsets(%arg7 : memref<128xi32, #tpu.memory_space<vmem>>) semaphore(%run_scoped3A : memref<!tpu.dma_semaphore, #tpu.memory_space<semaphore_mem>>) {add = true}
        %dma_wait3A_62 = arith.constant 0 : i32
        %dma_wait3A_63 = arith.constant 0 : i32
        %dma_wait3A_64 = tpu.memref_slice %arg10[%dma_wait3A_62, %dma_wait3A_63] : memref<10240x32xf32, #tpu.memory_space<vmem_shared>> -> memref<10240x32xf32, #tpu.memory_space<vmem_shared>>
        tpu.wait_indirect_dma semaphore(%run_scoped3A : memref<!tpu.dma_semaphore, #tpu.memory_space<semaphore_mem>>) src(%arg8 : memref<128x32xf32, #tpu.memory_space<vmem>>) dst(%dma_wait3A_64 : memref<10240x32xf32, #tpu.memory_space<vmem_shared>>)
        tpu.yield
      }) : () -> ()
      %while3A_58 = arith.constant 0 : i32
      scf.yield %while3A_58 : i32
    }
    %barrier3A_42 = arith.constant 0 : index
    tpu.barrier barrier_id(%barrier3A_42)
    %mul3A_43 = arith.constant 640 : i32
    %mul3A_44 = arith.muli %arg1, %mul3A_43 : i32
    %mul3A_45 = arith.constant 640 : i32
    %mul3A_46 = arith.muli %arg1, %mul3A_45 : i32
    "tpu.region"() ({
      %run_scoped3A = tpu.sem_alloc : memref<!tpu.dma_semaphore, #tpu.memory_space<semaphore_mem>>
      %dma_start3A = arith.constant 0 : i32
      %dma_start3A_47 = tpu.memref_slice %arg5[%arg0, %mul3A_46, %dma_start3A] : memref<2x10240x32xf32, #tpu.memory_space<hbm>> -> memref<1x640x32xf32, #tpu.memory_space<hbm>>
      %dma_start3A_48 = tpu.memref_squeeze %dma_start3A_47 : memref<1x640x32xf32, #tpu.memory_space<hbm>> -> memref<640x32xf32, #tpu.memory_space<hbm>>
      %dma_start3A_49 = arith.constant 0 : i32
      %dma_start3A_50 = tpu.memref_slice %arg10[%mul3A_44, %dma_start3A_49] : memref<10240x32xf32, #tpu.memory_space<vmem_shared>> -> memref<640x32xf32, #tpu.memory_space<vmem_shared>>
      tpu.enqueue_dma source(%dma_start3A_50 : memref<640x32xf32, #tpu.memory_space<vmem_shared>>) target(%dma_start3A_48 : memref<640x32xf32, #tpu.memory_space<hbm>>) target_semaphore(%run_scoped3A : memref<!tpu.dma_semaphore, #tpu.memory_space<semaphore_mem>>)
      %dma_wait3A = arith.constant 0 : i32
      %dma_wait3A_51 = tpu.memref_slice %arg5[%arg0, %mul3A_46, %dma_wait3A] : memref<2x10240x32xf32, #tpu.memory_space<hbm>> -> memref<1x640x32xf32, #tpu.memory_space<hbm>>
      %dma_wait3A_52 = tpu.memref_squeeze %dma_wait3A_51 : memref<1x640x32xf32, #tpu.memory_space<hbm>> -> memref<640x32xf32, #tpu.memory_space<hbm>>
      %dma_wait3A_53 = arith.constant 0 : i32
      %dma_wait3A_54 = tpu.memref_slice %arg10[%mul3A_44, %dma_wait3A_53] : memref<10240x32xf32, #tpu.memory_space<vmem_shared>> -> memref<640x32xf32, #tpu.memory_space<vmem_shared>>
      tpu.wait_dma2 semaphore(%run_scoped3A : memref<!tpu.dma_semaphore, #tpu.memory_space<semaphore_mem>>) src(%dma_wait3A_54 : memref<640x32xf32, #tpu.memory_space<vmem_shared>>) dst(%dma_wait3A_52 : memref<640x32xf32, #tpu.memory_space<hbm>>)
      tpu.yield
    }) : () -> ()
    return
  }
}

#map = affine_map<(d0, d1) -> (0, 0)>
#map1 = affine_map<(d0, d1) -> (0)>
#map2 = affine_map<(d0, d1) -> (0, 0, 0)>
module attributes {stable_mosaic.version = 14 : i64} {
  func.func @sc_scatter(%arg0: i32, %arg1: i32, %arg2: memref<10240x32xf32, #tpu.memory_space<hbm>>, %arg3: memref<320000xi32, #tpu.memory_space<hbm>>, %arg4: memref<320000xi32, #tpu.memory_space<hbm>>, %arg5: memref<2x10240x32xf32, #tpu.memory_space<hbm>>, %arg6: memref<128xi32, #tpu.memory_space<vmem>>, %arg7: memref<128xi32, #tpu.memory_space<vmem>>, %arg8: memref<128x32xf32, #tpu.memory_space<vmem>>, %arg9: memref<640x32xf32, #tpu.memory_space<vmem>>, %arg10: memref<10240x32xf32, #tpu.memory_space<vmem_shared>>, %arg11: memref<!tpu.dma_semaphore, #tpu.memory_space<semaphore_mem>>) attributes {dimension_semantics = [#tpu.dimension_semantics<core_parallel>, #tpu.dimension_semantics<subcore_parallel>], iteration_bounds = array<i64: 2, 16>, scalar_prefetch = 0 : i64, scratch_operands = 6 : i64, tpu.core_type = #tpu.core_type<sc_vector_subcore>, window_params = [{transform_indices = #map}, {transform_indices = #map1}, {transform_indices = #map1}, {transform_indices = #map2}]} {
    %mul3A = arith.constant 2 : i32
    %mul3A_0 = arith.muli %arg1, %mul3A : i32
    %add3A = arith.addi %mul3A_0, %arg0 : i32
    %scan3A = arith.constant 0 : i32
    %scan3A_1 = arith.constant 0 : i32
    %scan3A_2 = arith.constant 640 : i32
    %scan3A_3 = arith.addi %scan3A_1, %scan3A_2 : i32
    %scan3A_4 = arith.constant 1 : i32
    %scan3A_5 = scf.for %scan3A_47 = %scan3A_1 to %scan3A_3 step %scan3A_4 iter_args(%scan3A_48 = %scan3A) -> (i32)  : i32 {
      %broadcast_in_dim3A = arith.constant 0.000000e+00 : f32
      %broadcast_in_dim3A_49 = vector.broadcast %broadcast_in_dim3A : f32 to vector<16xf32>
      %swap3A = arith.index_cast %scan3A_47 : i32 to index
      %swap3A_50 = arith.constant 0 : index
      %swap3A_51 = tpu.vector_load %arg9[%swap3A, %swap3A_50] {strides = array<i32>} : memref<640x32xf32, #tpu.memory_space<vmem>>, vector<1x16xf32>,
      %swap3A_52 = vector.shape_cast %swap3A_51 : vector<1x16xf32> to vector<16xf32>
      %swap3A_53 = vector.shape_cast %broadcast_in_dim3A_49 : vector<16xf32> to vector<1x16xf32>
      tpu.vector_store %arg9[%swap3A, %swap3A_50], %swap3A_53 {strides = array<i32>} : memref<640x32xf32, #tpu.memory_space<vmem>>, vector<1x16xf32>,
      %broadcast_in_dim3A_54 = arith.constant 0.000000e+00 : f32
      %broadcast_in_dim3A_55 = vector.broadcast %broadcast_in_dim3A_54 : f32 to vector<16xf32>
      %swap3A_56 = arith.index_cast %scan3A_47 : i32 to index
      %swap3A_57 = arith.constant 16 : index
      %swap3A_58 = tpu.vector_load %arg9[%swap3A_56, %swap3A_57] {strides = array<i32>} : memref<640x32xf32, #tpu.memory_space<vmem>>, vector<1x16xf32>,
      %swap3A_59 = vector.shape_cast %swap3A_58 : vector<1x16xf32> to vector<16xf32>
      %swap3A_60 = vector.shape_cast %broadcast_in_dim3A_55 : vector<16xf32> to vector<1x16xf32>
      tpu.vector_store %arg9[%swap3A_56, %swap3A_57], %swap3A_60 {strides = array<i32>} : memref<640x32xf32, #tpu.memory_space<vmem>>, vector<1x16xf32>,
      %scan3A_61 = arith.constant 0 : i32
      scf.yield %scan3A_61 : i32
    }
    %scan3A_6 = arith.constant 640 : i32
    %mul3A_7 = arith.constant 640 : i32
    %mul3A_8 = arith.muli %arg1, %mul3A_7 : i32
    "tpu.region"() ({
      %run_scoped3A = tpu.sem_alloc : memref<!tpu.dma_semaphore, #tpu.memory_space<semaphore_mem>>
      %dma_start3A = arith.constant 0 : i32
      %dma_start3A_47 = tpu.memref_slice %arg10[%mul3A_8, %dma_start3A] : memref<10240x32xf32, #tpu.memory_space<vmem_shared>> -> memref<640x32xf32, #tpu.memory_space<vmem_shared>>
      %dma_start3A_48 = arith.constant 0 : i32
      %dma_start3A_49 = tpu.memref_slice %arg10[%mul3A_8, %dma_start3A_48] : memref<10240x32xf32, #tpu.memory_space<vmem_shared>> -> memref<640x32xf32, #tpu.memory_space<vmem_shared>>
      tpu.enqueue_dma source(%arg9 : memref<640x32xf32, #tpu.memory_space<vmem>>) target(%dma_start3A_49 : memref<640x32xf32, #tpu.memory_space<vmem_shared>>) target_semaphore(%run_scoped3A : memref<!tpu.dma_semaphore, #tpu.memory_space<semaphore_mem>>)
      %dma_wait3A = arith.constant 0 : i32
      %dma_wait3A_50 = tpu.memref_slice %arg10[%mul3A_8, %dma_wait3A] : memref<10240x32xf32, #tpu.memory_space<vmem_shared>> -> memref<640x32xf32, #tpu.memory_space<vmem_shared>>
      %dma_wait3A_51 = arith.constant 0 : i32
      %dma_wait3A_52 = tpu.memref_slice %arg10[%mul3A_8, %dma_wait3A_51] : memref<10240x32xf32, #tpu.memory_space<vmem_shared>> -> memref<640x32xf32, #tpu.memory_space<vmem_shared>>
      tpu.wait_dma2 semaphore(%run_scoped3A : memref<!tpu.dma_semaphore, #tpu.memory_space<semaphore_mem>>) src(%arg9 : memref<640x32xf32, #tpu.memory_space<vmem>>) dst(%dma_wait3A_52 : memref<640x32xf32, #tpu.memory_space<vmem_shared>>)
      tpu.yield
    }) : () -> ()
    %barrier3A = arith.constant 0 : index
    tpu.barrier barrier_id(%barrier3A)
    %sub3A = arith.constant 2500 : i32
    %sub3A_9 = arith.subi %sub3A, %add3A : i32
    %add3A_10 = arith.constant 32 : i32
    %add3A_11 = arith.addi %sub3A_9, %add3A_10 : i32
    %sub3A_12 = arith.constant 1 : i32
    %sub3A_13 = arith.subi %add3A_11, %sub3A_12 : i32
    %jit3A = arith.constant 32 : i32
    %div3A = arith.divsi %sub3A_13, %jit3A : i32
    %sign3A = arith.constant 0 : i32
    %sign3A_14 = arith.cmpi sgt, %sub3A_13, %sign3A : i32
    %sign3A_15 = arith.extui %sign3A_14 : i1 to i32
    %sign3A_16 = arith.constant 0 : i32
    %sign3A_17 = arith.cmpi slt, %sub3A_13, %sign3A_16 : i32
    %sign3A_18 = arith.extui %sign3A_17 : i1 to i32
    %sign3A_19 = arith.subi %sign3A_15, %sign3A_18 : i32
    %sign3A_20 = arith.constant 0 : i32
    %sign3A_21 = arith.cmpi sgt, %jit3A, %sign3A_20 : i32
    %sign3A_22 = arith.extui %sign3A_21 : i1 to i32
    %sign3A_23 = arith.constant 0 : i32
    %sign3A_24 = arith.cmpi slt, %jit3A, %sign3A_23 : i32
    %sign3A_25 = arith.extui %sign3A_24 : i1 to i32
    %sign3A_26 = arith.subi %sign3A_22, %sign3A_25 : i32
    %ne3A = arith.cmpi ne, %sign3A_19, %sign3A_26 : i32
    %rem3A = arith.remsi %sub3A_13, %jit3A : i32
    %ne3A_27 = arith.constant 0 : i32
    %ne3A_28 = arith.cmpi ne, %rem3A, %ne3A_27 : i32
    %and3A = arith.andi %ne3A, %ne3A_28 : i1
    %sub3A_29 = arith.constant 1 : i32
    %sub3A_30 = arith.subi %div3A, %sub3A_29 : i32
    %select_n3A = arith.select %and3A, %sub3A_30, %div3A : i32
    %while3A = arith.constant 0 : i32
    %while3A_31 = arith.constant 0 : i32
    %while3A_32 = arith.subi %select_n3A, %while3A : i32
    %while3A_33 = arith.addi %while3A, %while3A_32 : i32
    %while3A_34 = arith.constant 1 : i32
    %while3A_35 = arith.divsi %while3A_32, %while3A_34 : i32
    %while3A_36 = arith.muli %while3A_35, %while3A_34 : i32
    %while3A_37 = arith.addi %while3A, %while3A_36 : i32
    %while3A_38 = arith.constant 1 : i32
    %while3A_39 = scf.for %while3A_47 = %while3A to %while3A_37 step %while3A_38 iter_args(%while3A_48 = %while3A_31) -> (i32)  : i32 {
      %mul3A_49 = arith.constant 32 : i32
      %mul3A_50 = arith.muli %while3A_47, %mul3A_49 : i32
      %add3A_51 = arith.addi %add3A, %mul3A_50 : i32
      %mul3A_52 = arith.constant 128 : i32
      %mul3A_53 = arith.muli %add3A_51, %mul3A_52 : i32
      "tpu.region"() ({
        %run_scoped3A = tpu.sem_alloc : memref<!tpu.dma_semaphore, #tpu.memory_space<semaphore_mem>>
        %dma_start3A_59 = tpu.memref_slice %arg3[%mul3A_53] : memref<320000xi32, #tpu.memory_space<hbm>> -> memref<128xi32, #tpu.memory_space<hbm>>
        %dma_start3A_60 = tpu.memref_slice %arg3[%mul3A_53] : memref<320000xi32, #tpu.memory_space<hbm>> -> memref<128xi32, #tpu.memory_space<hbm>>
        tpu.enqueue_dma source(%dma_start3A_60 : memref<128xi32, #tpu.memory_space<hbm>>) target(%arg6 : memref<128xi32, #tpu.memory_space<vmem>>) target_semaphore(%run_scoped3A : memref<!tpu.dma_semaphore, #tpu.memory_space<semaphore_mem>>)
        %dma_wait3A_61 = tpu.memref_slice %arg3[%mul3A_53] : memref<320000xi32, #tpu.memory_space<hbm>> -> memref<128xi32, #tpu.memory_space<hbm>>
        %dma_wait3A_62 = tpu.memref_slice %arg3[%mul3A_53] : memref<320000xi32, #tpu.memory_space<hbm>> -> memref<128xi32, #tpu.memory_space<hbm>>
        tpu.wait_dma2 semaphore(%run_scoped3A : memref<!tpu.dma_semaphore, #tpu.memory_space<semaphore_mem>>) src(%dma_wait3A_62 : memref<128xi32, #tpu.memory_space<hbm>>) dst(%arg6 : memref<128xi32, #tpu.memory_space<vmem>>)
        tpu.yield
      }) : () -> ()
      "tpu.region"() ({
        %run_scoped3A = tpu.sem_alloc : memref<!tpu.dma_semaphore, #tpu.memory_space<semaphore_mem>>
        %dma_start3A_59 = tpu.memref_slice %arg4[%mul3A_53] : memref<320000xi32, #tpu.memory_space<hbm>> -> memref<128xi32, #tpu.memory_space<hbm>>
        %dma_start3A_60 = tpu.memref_slice %arg4[%mul3A_53] : memref<320000xi32, #tpu.memory_space<hbm>> -> memref<128xi32, #tpu.memory_space<hbm>>
        tpu.enqueue_dma source(%dma_start3A_60 : memref<128xi32, #tpu.memory_space<hbm>>) target(%arg7 : memref<128xi32, #tpu.memory_space<vmem>>) target_semaphore(%run_scoped3A : memref<!tpu.dma_semaphore, #tpu.memory_space<semaphore_mem>>)
        %dma_wait3A_61 = tpu.memref_slice %arg4[%mul3A_53] : memref<320000xi32, #tpu.memory_space<hbm>> -> memref<128xi32, #tpu.memory_space<hbm>>
        %dma_wait3A_62 = tpu.memref_slice %arg4[%mul3A_53] : memref<320000xi32, #tpu.memory_space<hbm>> -> memref<128xi32, #tpu.memory_space<hbm>>
        tpu.wait_dma2 semaphore(%run_scoped3A : memref<!tpu.dma_semaphore, #tpu.memory_space<semaphore_mem>>) src(%dma_wait3A_62 : memref<128xi32, #tpu.memory_space<hbm>>) dst(%arg7 : memref<128xi32, #tpu.memory_space<vmem>>)
        tpu.yield
      }) : () -> ()
      %dma_start3A = arith.constant 0 : i32
      %dma_start3A_54 = arith.constant 0 : i32
      %dma_start3A_55 = tpu.memref_slice %arg2[%dma_start3A, %dma_start3A_54] : memref<10240x32xf32, #tpu.memory_space<hbm>> -> memref<10240x32xf32, #tpu.memory_space<hbm>>
      tpu.enqueue_indirect_dma source(%dma_start3A_55 : memref<10240x32xf32, #tpu.memory_space<hbm>>) target(%arg8 : memref<128x32xf32, #tpu.memory_space<vmem>>) offsets(%arg6 : memref<128xi32, #tpu.memory_space<vmem>>) semaphore(%arg11 : memref<!tpu.dma_semaphore, #tpu.memory_space<semaphore_mem>>)
      %dma_wait3A = arith.constant 0 : i32
      %dma_wait3A_56 = arith.constant 0 : i32
      %dma_wait3A_57 = tpu.memref_slice %arg2[%dma_wait3A, %dma_wait3A_56] : memref<10240x32xf32, #tpu.memory_space<hbm>> -> memref<10240x32xf32, #tpu.memory_space<hbm>>
      tpu.wait_indirect_dma semaphore(%arg11 : memref<!tpu.dma_semaphore, #tpu.memory_space<semaphore_mem>>) src(%dma_wait3A_57 : memref<10240x32xf32, #tpu.memory_space<hbm>>) dst(%arg8 : memref<128x32xf32, #tpu.memory_space<vmem>>)
      "tpu.region"() ({
        %run_scoped3A = tpu.sem_alloc : memref<!tpu.dma_semaphore, #tpu.memory_space<semaphore_mem>>
        %dma_start3A_59 = arith.constant 0 : i32
        %dma_start3A_60 = arith.constant 0 : i32
        %dma_start3A_61 = tpu.memref_slice %arg10[%dma_start3A_59, %dma_start3A_60] : memref<10240x32xf32, #tpu.memory_space<vmem_shared>> -> memref<10240x32xf32, #tpu.memory_space<vmem_shared>>
        tpu.enqueue_indirect_dma source(%arg8 : memref<128x32xf32, #tpu.memory_space<vmem>>) target(%dma_start3A_61 : memref<10240x32xf32, #tpu.memory_space<vmem_shared>>) offsets(%arg7 : memref<128xi32, #tpu.memory_space<vmem>>) semaphore(%run_scoped3A : memref<!tpu.dma_semaphore, #tpu.memory_space<semaphore_mem>>) {add = true}
        %dma_wait3A_62 = arith.constant 0 : i32
        %dma_wait3A_63 = arith.constant 0 : i32
        %dma_wait3A_64 = tpu.memref_slice %arg10[%dma_wait3A_62, %dma_wait3A_63] : memref<10240x32xf32, #tpu.memory_space<vmem_shared>> -> memref<10240x32xf32, #tpu.memory_space<vmem_shared>>
        tpu.wait_indirect_dma semaphore(%run_scoped3A : memref<!tpu.dma_semaphore, #tpu.memory_space<semaphore_mem>>) src(%arg8 : memref<128x32xf32, #tpu.memory_space<vmem>>) dst(%dma_wait3A_64 : memref<10240x32xf32, #tpu.memory_space<vmem_shared>>)
        tpu.yield
      }) : () -> ()
      %while3A_58 = arith.constant 0 : i32
      scf.yield %while3A_58 : i32
    }
    %while3A_40 = arith.constant 1 : i32
    %while3A_41 = scf.for %while3A_47 = %while3A_37 to %while3A_33 step %while3A_40 iter_args(%while3A_48 = %while3A_39) -> (i32)  : i32 {
      %mul3A_49 = arith.constant 32 : i32
      %mul3A_50 = arith.muli %while3A_47, %mul3A_49 : i32
      %add3A_51 = arith.addi %add3A, %mul3A_50 : i32
      %mul3A_52 = arith.constant 128 : i32
      %mul3A_53 = arith.muli %add3A_51, %mul3A_52 : i32
      "tpu.region"() ({
        %run_scoped3A = tpu.sem_alloc : memref<!tpu.dma_semaphore, #tpu.memory_space<semaphore_mem>>
        %dma_start3A_59 = tpu.memref_slice %arg3[%mul3A_53] : memref<320000xi32, #tpu.memory_space<hbm>> -> memref<128xi32, #tpu.memory_space<hbm>>
        %dma_start3A_60 = tpu.memref_slice %arg3[%mul3A_53] : memref<320000xi32, #tpu.memory_space<hbm>> -> memref<128xi32, #tpu.memory_space<hbm>>
        tpu.enqueue_dma source(%dma_start3A_60 : memref<128xi32, #tpu.memory_space<hbm>>) target(%arg6 : memref<128xi32, #tpu.memory_space<vmem>>) target_semaphore(%run_scoped3A : memref<!tpu.dma_semaphore, #tpu.memory_space<semaphore_mem>>)
        %dma_wait3A_61 = tpu.memref_slice %arg3[%mul3A_53] : memref<320000xi32, #tpu.memory_space<hbm>> -> memref<128xi32, #tpu.memory_space<hbm>>
        %dma_wait3A_62 = tpu.memref_slice %arg3[%mul3A_53] : memref<320000xi32, #tpu.memory_space<hbm>> -> memref<128xi32, #tpu.memory_space<hbm>>
        tpu.wait_dma2 semaphore(%run_scoped3A : memref<!tpu.dma_semaphore, #tpu.memory_space<semaphore_mem>>) src(%dma_wait3A_62 : memref<128xi32, #tpu.memory_space<hbm>>) dst(%arg6 : memref<128xi32, #tpu.memory_space<vmem>>)
        tpu.yield
      }) : () -> ()
      "tpu.region"() ({
        %run_scoped3A = tpu.sem_alloc : memref<!tpu.dma_semaphore, #tpu.memory_space<semaphore_mem>>
        %dma_start3A_59 = tpu.memref_slice %arg4[%mul3A_53] : memref<320000xi32, #tpu.memory_space<hbm>> -> memref<128xi32, #tpu.memory_space<hbm>>
        %dma_start3A_60 = tpu.memref_slice %arg4[%mul3A_53] : memref<320000xi32, #tpu.memory_space<hbm>> -> memref<128xi32, #tpu.memory_space<hbm>>
        tpu.enqueue_dma source(%dma_start3A_60 : memref<128xi32, #tpu.memory_space<hbm>>) target(%arg7 : memref<128xi32, #tpu.memory_space<vmem>>) target_semaphore(%run_scoped3A : memref<!tpu.dma_semaphore, #tpu.memory_space<semaphore_mem>>)
        %dma_wait3A_61 = tpu.memref_slice %arg4[%mul3A_53] : memref<320000xi32, #tpu.memory_space<hbm>> -> memref<128xi32, #tpu.memory_space<hbm>>
        %dma_wait3A_62 = tpu.memref_slice %arg4[%mul3A_53] : memref<320000xi32, #tpu.memory_space<hbm>> -> memref<128xi32, #tpu.memory_space<hbm>>
        tpu.wait_dma2 semaphore(%run_scoped3A : memref<!tpu.dma_semaphore, #tpu.memory_space<semaphore_mem>>) src(%dma_wait3A_62 : memref<128xi32, #tpu.memory_space<hbm>>) dst(%arg7 : memref<128xi32, #tpu.memory_space<vmem>>)
        tpu.yield
      }) : () -> ()
      %dma_start3A = arith.constant 0 : i32
      %dma_start3A_54 = arith.constant 0 : i32
      %dma_start3A_55 = tpu.memref_slice %arg2[%dma_start3A, %dma_start3A_54] : memref<10240x32xf32, #tpu.memory_space<hbm>> -> memref<10240x32xf32, #tpu.memory_space<hbm>>
      tpu.enqueue_indirect_dma source(%dma_start3A_55 : memref<10240x32xf32, #tpu.memory_space<hbm>>) target(%arg8 : memref<128x32xf32, #tpu.memory_space<vmem>>) offsets(%arg6 : memref<128xi32, #tpu.memory_space<vmem>>) semaphore(%arg11 : memref<!tpu.dma_semaphore, #tpu.memory_space<semaphore_mem>>)
      %dma_wait3A = arith.constant 0 : i32
      %dma_wait3A_56 = arith.constant 0 : i32
      %dma_wait3A_57 = tpu.memref_slice %arg2[%dma_wait3A, %dma_wait3A_56] : memref<10240x32xf32, #tpu.memory_space<hbm>> -> memref<10240x32xf32, #tpu.memory_space<hbm>>
      tpu.wait_indirect_dma semaphore(%arg11 : memref<!tpu.dma_semaphore, #tpu.memory_space<semaphore_mem>>) src(%dma_wait3A_57 : memref<10240x32xf32, #tpu.memory_space<hbm>>) dst(%arg8 : memref<128x32xf32, #tpu.memory_space<vmem>>)
      "tpu.region"() ({
        %run_scoped3A = tpu.sem_alloc : memref<!tpu.dma_semaphore, #tpu.memory_space<semaphore_mem>>
        %dma_start3A_59 = arith.constant 0 : i32
        %dma_start3A_60 = arith.constant 0 : i32
        %dma_start3A_61 = tpu.memref_slice %arg10[%dma_start3A_59, %dma_start3A_60] : memref<10240x32xf32, #tpu.memory_space<vmem_shared>> -> memref<10240x32xf32, #tpu.memory_space<vmem_shared>>
        tpu.enqueue_indirect_dma source(%arg8 : memref<128x32xf32, #tpu.memory_space<vmem>>) target(%dma_start3A_61 : memref<10240x32xf32, #tpu.memory_space<vmem_shared>>) offsets(%arg7 : memref<128xi32, #tpu.memory_space<vmem>>) semaphore(%run_scoped3A : memref<!tpu.dma_semaphore, #tpu.memory_space<semaphore_mem>>) {add = true}
        %dma_wait3A_62 = arith.constant 0 : i32
        %dma_wait3A_63 = arith.constant 0 : i32
        %dma_wait3A_64 = tpu.memref_slice %arg10[%dma_wait3A_62, %dma_wait3A_63] : memref<10240x32xf32, #tpu.memory_space<vmem_shared>> -> memref<10240x32xf32, #tpu.memory_space<vmem_shared>>
        tpu.wait_indirect_dma semaphore(%run_scoped3A : memref<!tpu.dma_semaphore, #tpu.memory_space<semaphore_mem>>) src(%arg8 : memref<128x32xf32, #tpu.memory_space<vmem>>) dst(%dma_wait3A_64 : memref<10240x32xf32, #tpu.memory_space<vmem_shared>>)
        tpu.yield
      }) : () -> ()
      %while3A_58 = arith.constant 0 : i32
      scf.yield %while3A_58 : i32
    }
    %barrier3A_42 = arith.constant 0 : index
    tpu.barrier barrier_id(%barrier3A_42)
    %mul3A_43 = arith.constant 640 : i32
    %mul3A_44 = arith.muli %arg1, %mul3A_43 : i32
    %mul3A_45 = arith.constant 640 : i32
    %mul3A_46 = arith.muli %arg1, %mul3A_45 : i32
    "tpu.region"() ({
      %run_scoped3A = tpu.sem_alloc : memref<!tpu.dma_semaphore, #tpu.memory_space<semaphore_mem>>
      %dma_start3A = arith.constant 0 : i32
      %dma_start3A_47 = tpu.memref_slice %arg5[%arg0, %mul3A_46, %dma_start3A] : memref<2x10240x32xf32, #tpu.memory_space<hbm>> -> memref<1x640x32xf32, #tpu.memory_space<hbm>>
      %dma_start3A_48 = tpu.memref_squeeze %dma_start3A_47 : memref<1x640x32xf32, #tpu.memory_space<hbm>> -> memref<640x32xf32, #tpu.memory_space<hbm>>
      %dma_start3A_49 = arith.constant 0 : i32
      %dma_start3A_50 = tpu.memref_slice %arg10[%mul3A_44, %dma_start3A_49] : memref<10240x32xf32, #tpu.memory_space<vmem_shared>> -> memref<640x32xf32, #tpu.memory_space<vmem_shared>>
      tpu.enqueue_dma source(%dma_start3A_50 : memref<640x32xf32, #tpu.memory_space<vmem_shared>>) target(%dma_start3A_48 : memref<640x32xf32, #tpu.memory_space<hbm>>) target_semaphore(%run_scoped3A : memref<!tpu.dma_semaphore, #tpu.memory_space<semaphore_mem>>)
      %dma_wait3A = arith.constant 0 : i32
      %dma_wait3A_51 = tpu.memref_slice %arg5[%arg0, %mul3A_46, %dma_wait3A] : memref<2x10240x32xf32, #tpu.memory_space<hbm>> -> memref<1x640x32xf32, #tpu.memory_space<hbm>>
      %dma_wait3A_52 = tpu.memref_squeeze %dma_wait3A_51 : memref<1x640x32xf32, #tpu.memory_space<hbm>> -> memref<640x32xf32, #tpu.memory_space<hbm>>
      %dma_wait3A_53 = arith.constant 0 : i32
      %dma_wait3A_54 = tpu.memref_slice %arg10[%mul3A_44, %dma_wait3A_53] : memref<10240x32xf32, #tpu.memory_space<vmem_shared>> -> memref<640x32xf32, #tpu.memory_space<vmem_shared>>
      tpu.wait_dma2 semaphore(%run_scoped3A : memref<!tpu.dma_semaphore, #tpu.memory_space<semaphore_mem>>) src(%dma_wait3A_54 : memref<640x32xf32, #tpu.memory_space<vmem_shared>>) dst(%dma_wait3A_52 : memref<640x32xf32, #tpu.memory_space<hbm>>)
      tpu.yield
    }) : () -> ()
    return
  }
}

#map = affine_map<(d0, d1) -> (0, 0)>
#map1 = affine_map<(d0, d1) -> (0)>
#map2 = affine_map<(d0, d1) -> (0, 0, 0)>
module attributes {stable_mosaic.version = 14 : i64} {
  func.func @sc_scatter(%arg0: i32, %arg1: i32, %arg2: memref<10240x16xf32, #tpu.memory_space<hbm>>, %arg3: memref<320000xi32, #tpu.memory_space<hbm>>, %arg4: memref<320000xi32, #tpu.memory_space<hbm>>, %arg5: memref<2x10240x16xf32, #tpu.memory_space<hbm>>, %arg6: memref<128xi32, #tpu.memory_space<vmem>>, %arg7: memref<128xi32, #tpu.memory_space<vmem>>, %arg8: memref<128x16xf32, #tpu.memory_space<vmem>>, %arg9: memref<640x16xf32, #tpu.memory_space<vmem>>, %arg10: memref<10240x16xf32, #tpu.memory_space<vmem_shared>>, %arg11: memref<!tpu.dma_semaphore, #tpu.memory_space<semaphore_mem>>) attributes {dimension_semantics = [#tpu.dimension_semantics<core_parallel>, #tpu.dimension_semantics<subcore_parallel>], iteration_bounds = array<i64: 2, 16>, scalar_prefetch = 0 : i64, scratch_operands = 6 : i64, tpu.core_type = #tpu.core_type<sc_vector_subcore>, window_params = [{transform_indices = #map}, {transform_indices = #map1}, {transform_indices = #map1}, {transform_indices = #map2}]} {
    %mul3A = arith.constant 2 : i32
    %mul3A_0 = arith.muli %arg1, %mul3A : i32
    %add3A = arith.addi %mul3A_0, %arg0 : i32
    %scan3A = arith.constant 0 : i32
    %scan3A_1 = arith.constant 0 : i32
    %scan3A_2 = arith.constant 640 : i32
    %scan3A_3 = arith.addi %scan3A_1, %scan3A_2 : i32
    %scan3A_4 = arith.constant 1 : i32
    %scan3A_5 = scf.for %scan3A_47 = %scan3A_1 to %scan3A_3 step %scan3A_4 iter_args(%scan3A_48 = %scan3A) -> (i32)  : i32 {
      %broadcast_in_dim3A = arith.constant 0.000000e+00 : f32
      %broadcast_in_dim3A_49 = vector.broadcast %broadcast_in_dim3A : f32 to vector<16xf32>
      %swap3A = arith.index_cast %scan3A_47 : i32 to index
      %swap3A_50 = arith.constant 0 : index
      %swap3A_51 = tpu.vector_load %arg9[%swap3A, %swap3A_50] {strides = array<i32>} : memref<640x16xf32, #tpu.memory_space<vmem>>, vector<1x16xf32>,
      %swap3A_52 = vector.shape_cast %swap3A_51 : vector<1x16xf32> to vector<16xf32>
      %swap3A_53 = vector.shape_cast %broadcast_in_dim3A_49 : vector<16xf32> to vector<1x16xf32>
      tpu.vector_store %arg9[%swap3A, %swap3A_50], %swap3A_53 {strides = array<i32>} : memref<640x16xf32, #tpu.memory_space<vmem>>, vector<1x16xf32>,
      %scan3A_54 = arith.constant 0 : i32
      scf.yield %scan3A_54 : i32
    }
    %scan3A_6 = arith.constant 640 : i32
    %mul3A_7 = arith.constant 640 : i32
    %mul3A_8 = arith.muli %arg1, %mul3A_7 : i32
    "tpu.region"() ({
      %run_scoped3A = tpu.sem_alloc : memref<!tpu.dma_semaphore, #tpu.memory_space<semaphore_mem>>
      %dma_start3A = arith.constant 0 : i32
      %dma_start3A_47 = tpu.memref_slice %arg10[%mul3A_8, %dma_start3A] : memref<10240x16xf32, #tpu.memory_space<vmem_shared>> -> memref<640x16xf32, #tpu.memory_space<vmem_shared>>
      %dma_start3A_48 = arith.constant 0 : i32
      %dma_start3A_49 = tpu.memref_slice %arg10[%mul3A_8, %dma_start3A_48] : memref<10240x16xf32, #tpu.memory_space<vmem_shared>> -> memref<640x16xf32, #tpu.memory_space<vmem_shared>>
      tpu.enqueue_dma source(%arg9 : memref<640x16xf32, #tpu.memory_space<vmem>>) target(%dma_start3A_49 : memref<640x16xf32, #tpu.memory_space<vmem_shared>>) target_semaphore(%run_scoped3A : memref<!tpu.dma_semaphore, #tpu.memory_space<semaphore_mem>>)
      %dma_wait3A = arith.constant 0 : i32
      %dma_wait3A_50 = tpu.memref_slice %arg10[%mul3A_8, %dma_wait3A] : memref<10240x16xf32, #tpu.memory_space<vmem_shared>> -> memref<640x16xf32, #tpu.memory_space<vmem_shared>>
      %dma_wait3A_51 = arith.constant 0 : i32
      %dma_wait3A_52 = tpu.memref_slice %arg10[%mul3A_8, %dma_wait3A_51] : memref<10240x16xf32, #tpu.memory_space<vmem_shared>> -> memref<640x16xf32, #tpu.memory_space<vmem_shared>>
      tpu.wait_dma2 semaphore(%run_scoped3A : memref<!tpu.dma_semaphore, #tpu.memory_space<semaphore_mem>>) src(%arg9 : memref<640x16xf32, #tpu.memory_space<vmem>>) dst(%dma_wait3A_52 : memref<640x16xf32, #tpu.memory_space<vmem_shared>>)
      tpu.yield
    }) : () -> ()
    %barrier3A = arith.constant 0 : index
    tpu.barrier barrier_id(%barrier3A)
    %sub3A = arith.constant 2500 : i32
    %sub3A_9 = arith.subi %sub3A, %add3A : i32
    %add3A_10 = arith.constant 32 : i32
    %add3A_11 = arith.addi %sub3A_9, %add3A_10 : i32
    %sub3A_12 = arith.constant 1 : i32
    %sub3A_13 = arith.subi %add3A_11, %sub3A_12 : i32
    %jit3A = arith.constant 32 : i32
    %div3A = arith.divsi %sub3A_13, %jit3A : i32
    %sign3A = arith.constant 0 : i32
    %sign3A_14 = arith.cmpi sgt, %sub3A_13, %sign3A : i32
    %sign3A_15 = arith.extui %sign3A_14 : i1 to i32
    %sign3A_16 = arith.constant 0 : i32
    %sign3A_17 = arith.cmpi slt, %sub3A_13, %sign3A_16 : i32
    %sign3A_18 = arith.extui %sign3A_17 : i1 to i32
    %sign3A_19 = arith.subi %sign3A_15, %sign3A_18 : i32
    %sign3A_20 = arith.constant 0 : i32
    %sign3A_21 = arith.cmpi sgt, %jit3A, %sign3A_20 : i32
    %sign3A_22 = arith.extui %sign3A_21 : i1 to i32
    %sign3A_23 = arith.constant 0 : i32
    %sign3A_24 = arith.cmpi slt, %jit3A, %sign3A_23 : i32
    %sign3A_25 = arith.extui %sign3A_24 : i1 to i32
    %sign3A_26 = arith.subi %sign3A_22, %sign3A_25 : i32
    %ne3A = arith.cmpi ne, %sign3A_19, %sign3A_26 : i32
    %rem3A = arith.remsi %sub3A_13, %jit3A : i32
    %ne3A_27 = arith.constant 0 : i32
    %ne3A_28 = arith.cmpi ne, %rem3A, %ne3A_27 : i32
    %and3A = arith.andi %ne3A, %ne3A_28 : i1
    %sub3A_29 = arith.constant 1 : i32
    %sub3A_30 = arith.subi %div3A, %sub3A_29 : i32
    %select_n3A = arith.select %and3A, %sub3A_30, %div3A : i32
    %while3A = arith.constant 0 : i32
    %while3A_31 = arith.constant 0 : i32
    %while3A_32 = arith.subi %select_n3A, %while3A : i32
    %while3A_33 = arith.addi %while3A, %while3A_32 : i32
    %while3A_34 = arith.constant 1 : i32
    %while3A_35 = arith.divsi %while3A_32, %while3A_34 : i32
    %while3A_36 = arith.muli %while3A_35, %while3A_34 : i32
    %while3A_37 = arith.addi %while3A, %while3A_36 : i32
    %while3A_38 = arith.constant 1 : i32
    %while3A_39 = scf.for %while3A_47 = %while3A to %while3A_37 step %while3A_38 iter_args(%while3A_48 = %while3A_31) -> (i32)  : i32 {
      %mul3A_49 = arith.constant 32 : i32
      %mul3A_50 = arith.muli %while3A_47, %mul3A_49 : i32
      %add3A_51 = arith.addi %add3A, %mul3A_50 : i32
      %mul3A_52 = arith.constant 128 : i32
      %mul3A_53 = arith.muli %add3A_51, %mul3A_52 : i32
      "tpu.region"() ({
        %run_scoped3A = tpu.sem_alloc : memref<!tpu.dma_semaphore, #tpu.memory_space<semaphore_mem>>
        %dma_start3A_59 = tpu.memref_slice %arg3[%mul3A_53] : memref<320000xi32, #tpu.memory_space<hbm>> -> memref<128xi32, #tpu.memory_space<hbm>>
        %dma_start3A_60 = tpu.memref_slice %arg3[%mul3A_53] : memref<320000xi32, #tpu.memory_space<hbm>> -> memref<128xi32, #tpu.memory_space<hbm>>
        tpu.enqueue_dma source(%dma_start3A_60 : memref<128xi32, #tpu.memory_space<hbm>>) target(%arg6 : memref<128xi32, #tpu.memory_space<vmem>>) target_semaphore(%run_scoped3A : memref<!tpu.dma_semaphore, #tpu.memory_space<semaphore_mem>>)
        %dma_wait3A_61 = tpu.memref_slice %arg3[%mul3A_53] : memref<320000xi32, #tpu.memory_space<hbm>> -> memref<128xi32, #tpu.memory_space<hbm>>
        %dma_wait3A_62 = tpu.memref_slice %arg3[%mul3A_53] : memref<320000xi32, #tpu.memory_space<hbm>> -> memref<128xi32, #tpu.memory_space<hbm>>
        tpu.wait_dma2 semaphore(%run_scoped3A : memref<!tpu.dma_semaphore, #tpu.memory_space<semaphore_mem>>) src(%dma_wait3A_62 : memref<128xi32, #tpu.memory_space<hbm>>) dst(%arg6 : memref<128xi32, #tpu.memory_space<vmem>>)
        tpu.yield
      }) : () -> ()
      "tpu.region"() ({
        %run_scoped3A = tpu.sem_alloc : memref<!tpu.dma_semaphore, #tpu.memory_space<semaphore_mem>>
        %dma_start3A_59 = tpu.memref_slice %arg4[%mul3A_53] : memref<320000xi32, #tpu.memory_space<hbm>> -> memref<128xi32, #tpu.memory_space<hbm>>
        %dma_start3A_60 = tpu.memref_slice %arg4[%mul3A_53] : memref<320000xi32, #tpu.memory_space<hbm>> -> memref<128xi32, #tpu.memory_space<hbm>>
        tpu.enqueue_dma source(%dma_start3A_60 : memref<128xi32, #tpu.memory_space<hbm>>) target(%arg7 : memref<128xi32, #tpu.memory_space<vmem>>) target_semaphore(%run_scoped3A : memref<!tpu.dma_semaphore, #tpu.memory_space<semaphore_mem>>)
        %dma_wait3A_61 = tpu.memref_slice %arg4[%mul3A_53] : memref<320000xi32, #tpu.memory_space<hbm>> -> memref<128xi32, #tpu.memory_space<hbm>>
        %dma_wait3A_62 = tpu.memref_slice %arg4[%mul3A_53] : memref<320000xi32, #tpu.memory_space<hbm>> -> memref<128xi32, #tpu.memory_space<hbm>>
        tpu.wait_dma2 semaphore(%run_scoped3A : memref<!tpu.dma_semaphore, #tpu.memory_space<semaphore_mem>>) src(%dma_wait3A_62 : memref<128xi32, #tpu.memory_space<hbm>>) dst(%arg7 : memref<128xi32, #tpu.memory_space<vmem>>)
        tpu.yield
      }) : () -> ()
      %dma_start3A = arith.constant 0 : i32
      %dma_start3A_54 = arith.constant 0 : i32
      %dma_start3A_55 = tpu.memref_slice %arg2[%dma_start3A, %dma_start3A_54] : memref<10240x16xf32, #tpu.memory_space<hbm>> -> memref<10240x16xf32, #tpu.memory_space<hbm>>
      tpu.enqueue_indirect_dma source(%dma_start3A_55 : memref<10240x16xf32, #tpu.memory_space<hbm>>) target(%arg8 : memref<128x16xf32, #tpu.memory_space<vmem>>) offsets(%arg6 : memref<128xi32, #tpu.memory_space<vmem>>) semaphore(%arg11 : memref<!tpu.dma_semaphore, #tpu.memory_space<semaphore_mem>>)
      %dma_wait3A = arith.constant 0 : i32
      %dma_wait3A_56 = arith.constant 0 : i32
      %dma_wait3A_57 = tpu.memref_slice %arg2[%dma_wait3A, %dma_wait3A_56] : memref<10240x16xf32, #tpu.memory_space<hbm>> -> memref<10240x16xf32, #tpu.memory_space<hbm>>
      tpu.wait_indirect_dma semaphore(%arg11 : memref<!tpu.dma_semaphore, #tpu.memory_space<semaphore_mem>>) src(%dma_wait3A_57 : memref<10240x16xf32, #tpu.memory_space<hbm>>) dst(%arg8 : memref<128x16xf32, #tpu.memory_space<vmem>>)
      "tpu.region"() ({
        %run_scoped3A = tpu.sem_alloc : memref<!tpu.dma_semaphore, #tpu.memory_space<semaphore_mem>>
        %dma_start3A_59 = arith.constant 0 : i32
        %dma_start3A_60 = arith.constant 0 : i32
        %dma_start3A_61 = tpu.memref_slice %arg10[%dma_start3A_59, %dma_start3A_60] : memref<10240x16xf32, #tpu.memory_space<vmem_shared>> -> memref<10240x16xf32, #tpu.memory_space<vmem_shared>>
        tpu.enqueue_indirect_dma source(%arg8 : memref<128x16xf32, #tpu.memory_space<vmem>>) target(%dma_start3A_61 : memref<10240x16xf32, #tpu.memory_space<vmem_shared>>) offsets(%arg7 : memref<128xi32, #tpu.memory_space<vmem>>) semaphore(%run_scoped3A : memref<!tpu.dma_semaphore, #tpu.memory_space<semaphore_mem>>) {add = true}
        %dma_wait3A_62 = arith.constant 0 : i32
        %dma_wait3A_63 = arith.constant 0 : i32
        %dma_wait3A_64 = tpu.memref_slice %arg10[%dma_wait3A_62, %dma_wait3A_63] : memref<10240x16xf32, #tpu.memory_space<vmem_shared>> -> memref<10240x16xf32, #tpu.memory_space<vmem_shared>>
        tpu.wait_indirect_dma semaphore(%run_scoped3A : memref<!tpu.dma_semaphore, #tpu.memory_space<semaphore_mem>>) src(%arg8 : memref<128x16xf32, #tpu.memory_space<vmem>>) dst(%dma_wait3A_64 : memref<10240x16xf32, #tpu.memory_space<vmem_shared>>)
        tpu.yield
      }) : () -> ()
      %while3A_58 = arith.constant 0 : i32
      scf.yield %while3A_58 : i32
    }
    %while3A_40 = arith.constant 1 : i32
    %while3A_41 = scf.for %while3A_47 = %while3A_37 to %while3A_33 step %while3A_40 iter_args(%while3A_48 = %while3A_39) -> (i32)  : i32 {
      %mul3A_49 = arith.constant 32 : i32
      %mul3A_50 = arith.muli %while3A_47, %mul3A_49 : i32
      %add3A_51 = arith.addi %add3A, %mul3A_50 : i32
      %mul3A_52 = arith.constant 128 : i32
      %mul3A_53 = arith.muli %add3A_51, %mul3A_52 : i32
      "tpu.region"() ({
        %run_scoped3A = tpu.sem_alloc : memref<!tpu.dma_semaphore, #tpu.memory_space<semaphore_mem>>
        %dma_start3A_59 = tpu.memref_slice %arg3[%mul3A_53] : memref<320000xi32, #tpu.memory_space<hbm>> -> memref<128xi32, #tpu.memory_space<hbm>>
        %dma_start3A_60 = tpu.memref_slice %arg3[%mul3A_53] : memref<320000xi32, #tpu.memory_space<hbm>> -> memref<128xi32, #tpu.memory_space<hbm>>
        tpu.enqueue_dma source(%dma_start3A_60 : memref<128xi32, #tpu.memory_space<hbm>>) target(%arg6 : memref<128xi32, #tpu.memory_space<vmem>>) target_semaphore(%run_scoped3A : memref<!tpu.dma_semaphore, #tpu.memory_space<semaphore_mem>>)
        %dma_wait3A_61 = tpu.memref_slice %arg3[%mul3A_53] : memref<320000xi32, #tpu.memory_space<hbm>> -> memref<128xi32, #tpu.memory_space<hbm>>
        %dma_wait3A_62 = tpu.memref_slice %arg3[%mul3A_53] : memref<320000xi32, #tpu.memory_space<hbm>> -> memref<128xi32, #tpu.memory_space<hbm>>
        tpu.wait_dma2 semaphore(%run_scoped3A : memref<!tpu.dma_semaphore, #tpu.memory_space<semaphore_mem>>) src(%dma_wait3A_62 : memref<128xi32, #tpu.memory_space<hbm>>) dst(%arg6 : memref<128xi32, #tpu.memory_space<vmem>>)
        tpu.yield
      }) : () -> ()
      "tpu.region"() ({
        %run_scoped3A = tpu.sem_alloc : memref<!tpu.dma_semaphore, #tpu.memory_space<semaphore_mem>>
        %dma_start3A_59 = tpu.memref_slice %arg4[%mul3A_53] : memref<320000xi32, #tpu.memory_space<hbm>> -> memref<128xi32, #tpu.memory_space<hbm>>
        %dma_start3A_60 = tpu.memref_slice %arg4[%mul3A_53] : memref<320000xi32, #tpu.memory_space<hbm>> -> memref<128xi32, #tpu.memory_space<hbm>>
        tpu.enqueue_dma source(%dma_start3A_60 : memref<128xi32, #tpu.memory_space<hbm>>) target(%arg7 : memref<128xi32, #tpu.memory_space<vmem>>) target_semaphore(%run_scoped3A : memref<!tpu.dma_semaphore, #tpu.memory_space<semaphore_mem>>)
        %dma_wait3A_61 = tpu.memref_slice %arg4[%mul3A_53] : memref<320000xi32, #tpu.memory_space<hbm>> -> memref<128xi32, #tpu.memory_space<hbm>>
        %dma_wait3A_62 = tpu.memref_slice %arg4[%mul3A_53] : memref<320000xi32, #tpu.memory_space<hbm>> -> memref<128xi32, #tpu.memory_space<hbm>>
        tpu.wait_dma2 semaphore(%run_scoped3A : memref<!tpu.dma_semaphore, #tpu.memory_space<semaphore_mem>>) src(%dma_wait3A_62 : memref<128xi32, #tpu.memory_space<hbm>>) dst(%arg7 : memref<128xi32, #tpu.memory_space<vmem>>)
        tpu.yield
      }) : () -> ()
      %dma_start3A = arith.constant 0 : i32
      %dma_start3A_54 = arith.constant 0 : i32
      %dma_start3A_55 = tpu.memref_slice %arg2[%dma_start3A, %dma_start3A_54] : memref<10240x16xf32, #tpu.memory_space<hbm>> -> memref<10240x16xf32, #tpu.memory_space<hbm>>
      tpu.enqueue_indirect_dma source(%dma_start3A_55 : memref<10240x16xf32, #tpu.memory_space<hbm>>) target(%arg8 : memref<128x16xf32, #tpu.memory_space<vmem>>) offsets(%arg6 : memref<128xi32, #tpu.memory_space<vmem>>) semaphore(%arg11 : memref<!tpu.dma_semaphore, #tpu.memory_space<semaphore_mem>>)
      %dma_wait3A = arith.constant 0 : i32
      %dma_wait3A_56 = arith.constant 0 : i32
      %dma_wait3A_57 = tpu.memref_slice %arg2[%dma_wait3A, %dma_wait3A_56] : memref<10240x16xf32, #tpu.memory_space<hbm>> -> memref<10240x16xf32, #tpu.memory_space<hbm>>
      tpu.wait_indirect_dma semaphore(%arg11 : memref<!tpu.dma_semaphore, #tpu.memory_space<semaphore_mem>>) src(%dma_wait3A_57 : memref<10240x16xf32, #tpu.memory_space<hbm>>) dst(%arg8 : memref<128x16xf32, #tpu.memory_space<vmem>>)
      "tpu.region"() ({
        %run_scoped3A = tpu.sem_alloc : memref<!tpu.dma_semaphore, #tpu.memory_space<semaphore_mem>>
        %dma_start3A_59 = arith.constant 0 : i32
        %dma_start3A_60 = arith.constant 0 : i32
        %dma_start3A_61 = tpu.memref_slice %arg10[%dma_start3A_59, %dma_start3A_60] : memref<10240x16xf32, #tpu.memory_space<vmem_shared>> -> memref<10240x16xf32, #tpu.memory_space<vmem_shared>>
        tpu.enqueue_indirect_dma source(%arg8 : memref<128x16xf32, #tpu.memory_space<vmem>>) target(%dma_start3A_61 : memref<10240x16xf32, #tpu.memory_space<vmem_shared>>) offsets(%arg7 : memref<128xi32, #tpu.memory_space<vmem>>) semaphore(%run_scoped3A : memref<!tpu.dma_semaphore, #tpu.memory_space<semaphore_mem>>) {add = true}
        %dma_wait3A_62 = arith.constant 0 : i32
        %dma_wait3A_63 = arith.constant 0 : i32
        %dma_wait3A_64 = tpu.memref_slice %arg10[%dma_wait3A_62, %dma_wait3A_63] : memref<10240x16xf32, #tpu.memory_space<vmem_shared>> -> memref<10240x16xf32, #tpu.memory_space<vmem_shared>>
        tpu.wait_indirect_dma semaphore(%run_scoped3A : memref<!tpu.dma_semaphore, #tpu.memory_space<semaphore_mem>>) src(%arg8 : memref<128x16xf32, #tpu.memory_space<vmem>>) dst(%dma_wait3A_64 : memref<10240x16xf32, #tpu.memory_space<vmem_shared>>)
        tpu.yield
      }) : () -> ()
      %while3A_58 = arith.constant 0 : i32
      scf.yield %while3A_58 : i32
    }
    %barrier3A_42 = arith.constant 0 : index
    tpu.barrier barrier_id(%barrier3A_42)
    %mul3A_43 = arith.constant 640 : i32
    %mul3A_44 = arith.muli %arg1, %mul3A_43 : i32
    %mul3A_45 = arith.constant 640 : i32
    %mul3A_46 = arith.muli %arg1, %mul3A_45 : i32
    "tpu.region"() ({
      %run_scoped3A = tpu.sem_alloc : memref<!tpu.dma_semaphore, #tpu.memory_space<semaphore_mem>>
      %dma_start3A = arith.constant 0 : i32
      %dma_start3A_47 = tpu.memref_slice %arg5[%arg0, %mul3A_46, %dma_start3A] : memref<2x10240x16xf32, #tpu.memory_space<hbm>> -> memref<1x640x16xf32, #tpu.memory_space<hbm>>
      %dma_start3A_48 = tpu.memref_squeeze %dma_start3A_47 : memref<1x640x16xf32, #tpu.memory_space<hbm>> -> memref<640x16xf32, #tpu.memory_space<hbm>>
      %dma_start3A_49 = arith.constant 0 : i32
      %dma_start3A_50 = tpu.memref_slice %arg10[%mul3A_44, %dma_start3A_49] : memref<10240x16xf32, #tpu.memory_space<vmem_shared>> -> memref<640x16xf32, #tpu.memory_space<vmem_shared>>
      tpu.enqueue_dma source(%dma_start3A_50 : memref<640x16xf32, #tpu.memory_space<vmem_shared>>) target(%dma_start3A_48 : memref<640x16xf32, #tpu.memory_space<hbm>>) target_semaphore(%run_scoped3A : memref<!tpu.dma_semaphore, #tpu.memory_space<semaphore_mem>>)
      %dma_wait3A = arith.constant 0 : i32
      %dma_wait3A_51 = tpu.memref_slice %arg5[%arg0, %mul3A_46, %dma_wait3A] : memref<2x10240x16xf32, #tpu.memory_space<hbm>> -> memref<1x640x16xf32, #tpu.memory_space<hbm>>
      %dma_wait3A_52 = tpu.memref_squeeze %dma_wait3A_51 : memref<1x640x16xf32, #tpu.memory_space<hbm>> -> memref<640x16xf32, #tpu.memory_space<hbm>>
      %dma_wait3A_53 = arith.constant 0 : i32
      %dma_wait3A_54 = tpu.memref_slice %arg10[%mul3A_44, %dma_wait3A_53] : memref<10240x16xf32, #tpu.memory_space<vmem_shared>> -> memref<640x16xf32, #tpu.memory_space<vmem_shared>>
      tpu.wait_dma2 semaphore(%run_scoped3A : memref<!tpu.dma_semaphore, #tpu.memory_space<semaphore_mem>>) src(%dma_wait3A_54 : memref<640x16xf32, #tpu.memory_space<vmem_shared>>) dst(%dma_wait3A_52 : memref<640x16xf32, #tpu.memory_space<hbm>>)
      tpu.yield
    }) : () -> ()
    return
  }
}

#map = affine_map<(d0, d1) -> (0, 0)>
#map1 = affine_map<(d0, d1) -> (0)>
module attributes {stable_mosaic.version = 14 : i64} {
  func.func @_sc_pool_gather_body(%arg0: i32, %arg1: i32, %arg2: memref<10240x128xf32, #tpu.memory_space<hbm>>, %arg3: memref<2048xi32, #tpu.memory_space<hbm>>, %arg4: memref<2048x128xf32, #tpu.memory_space<hbm>>, %arg5: memref<64xi32, #tpu.memory_space<vmem>>, %arg6: memref<64x128xf32, #tpu.memory_space<vmem>>, %arg7: memref<!tpu.dma_semaphore, #tpu.memory_space<semaphore_mem>>) attributes {dimension_semantics = [#tpu.dimension_semantics<core_parallel>, #tpu.dimension_semantics<subcore_parallel>], iteration_bounds = array<i64: 2, 16>, scalar_prefetch = 0 : i64, scratch_operands = 3 : i64, tpu.core_type = #tpu.core_type<sc_vector_subcore>, window_params = [{transform_indices = #map}, {transform_indices = #map1}, {transform_indices = #map}]} {
    %mul3A = arith.constant 2 : i32
    %mul3A_0 = arith.muli %arg1, %mul3A : i32
    %add3A = arith.addi %mul3A_0, %arg0 : i32
    %mul3A_1 = arith.constant 64 : i32
    %mul3A_2 = arith.muli %add3A, %mul3A_1 : i32
    "tpu.region"() ({
      %run_scoped3A = tpu.sem_alloc : memref<!tpu.dma_semaphore, #tpu.memory_space<semaphore_mem>>
      %dma_start3A_7 = tpu.memref_slice %arg3[%mul3A_2] : memref<2048xi32, #tpu.memory_space<hbm>> -> memref<64xi32, #tpu.memory_space<hbm>>
      %dma_start3A_8 = tpu.memref_slice %arg3[%mul3A_2] : memref<2048xi32, #tpu.memory_space<hbm>> -> memref<64xi32, #tpu.memory_space<hbm>>
      tpu.enqueue_dma source(%dma_start3A_8 : memref<64xi32, #tpu.memory_space<hbm>>) target(%arg5 : memref<64xi32, #tpu.memory_space<vmem>>) target_semaphore(%run_scoped3A : memref<!tpu.dma_semaphore, #tpu.memory_space<semaphore_mem>>)
      %dma_wait3A_9 = tpu.memref_slice %arg3[%mul3A_2] : memref<2048xi32, #tpu.memory_space<hbm>> -> memref<64xi32, #tpu.memory_space<hbm>>
      %dma_wait3A_10 = tpu.memref_slice %arg3[%mul3A_2] : memref<2048xi32, #tpu.memory_space<hbm>> -> memref<64xi32, #tpu.memory_space<hbm>>
      tpu.wait_dma2 semaphore(%run_scoped3A : memref<!tpu.dma_semaphore, #tpu.memory_space<semaphore_mem>>) src(%dma_wait3A_10 : memref<64xi32, #tpu.memory_space<hbm>>) dst(%arg5 : memref<64xi32, #tpu.memory_space<vmem>>)
      tpu.yield
    }) : () -> ()
    %dma_start3A = arith.constant 0 : i32
    %dma_start3A_3 = arith.constant 0 : i32
    %dma_start3A_4 = tpu.memref_slice %arg2[%dma_start3A, %dma_start3A_3] : memref<10240x128xf32, #tpu.memory_space<hbm>> -> memref<10240x128xf32, #tpu.memory_space<hbm>>
    tpu.enqueue_indirect_dma source(%dma_start3A_4 : memref<10240x128xf32, #tpu.memory_space<hbm>>) target(%arg6 : memref<64x128xf32, #tpu.memory_space<vmem>>) offsets(%arg5 : memref<64xi32, #tpu.memory_space<vmem>>) semaphore(%arg7 : memref<!tpu.dma_semaphore, #tpu.memory_space<semaphore_mem>>)
    %dma_wait3A = arith.constant 0 : i32
    %dma_wait3A_5 = arith.constant 0 : i32
    %dma_wait3A_6 = tpu.memref_slice %arg2[%dma_wait3A, %dma_wait3A_5] : memref<10240x128xf32, #tpu.memory_space<hbm>> -> memref<10240x128xf32, #tpu.memory_space<hbm>>
    tpu.wait_indirect_dma semaphore(%arg7 : memref<!tpu.dma_semaphore, #tpu.memory_space<semaphore_mem>>) src(%dma_wait3A_6 : memref<10240x128xf32, #tpu.memory_space<hbm>>) dst(%arg6 : memref<64x128xf32, #tpu.memory_space<vmem>>)
    "tpu.region"() ({
      %run_scoped3A = tpu.sem_alloc : memref<!tpu.dma_semaphore, #tpu.memory_space<semaphore_mem>>
      %dma_start3A_7 = arith.constant 0 : i32
      %dma_start3A_8 = tpu.memref_slice %arg4[%mul3A_2, %dma_start3A_7] : memref<2048x128xf32, #tpu.memory_space<hbm>> -> memref<64x128xf32, #tpu.memory_space<hbm>>
      %dma_start3A_9 = arith.constant 0 : i32
      %dma_start3A_10 = tpu.memref_slice %arg4[%mul3A_2, %dma_start3A_9] : memref<2048x128xf32, #tpu.memory_space<hbm>> -> memref<64x128xf32, #tpu.memory_space<hbm>>
      tpu.enqueue_dma source(%arg6 : memref<64x128xf32, #tpu.memory_space<vmem>>) target(%dma_start3A_10 : memref<64x128xf32, #tpu.memory_space<hbm>>) target_semaphore(%run_scoped3A : memref<!tpu.dma_semaphore, #tpu.memory_space<semaphore_mem>>)
      %dma_wait3A_11 = arith.constant 0 : i32
      %dma_wait3A_12 = tpu.memref_slice %arg4[%mul3A_2, %dma_wait3A_11] : memref<2048x128xf32, #tpu.memory_space<hbm>> -> memref<64x128xf32, #tpu.memory_space<hbm>>
      %dma_wait3A_13 = arith.constant 0 : i32
      %dma_wait3A_14 = tpu.memref_slice %arg4[%mul3A_2, %dma_wait3A_13] : memref<2048x128xf32, #tpu.memory_space<hbm>> -> memref<64x128xf32, #tpu.memory_space<hbm>>
      tpu.wait_dma2 semaphore(%run_scoped3A : memref<!tpu.dma_semaphore, #tpu.memory_space<semaphore_mem>>) src(%arg6 : memref<64x128xf32, #tpu.memory_space<vmem>>) dst(%dma_wait3A_14 : memref<64x128xf32, #tpu.memory_space<hbm>>)
      tpu.yield
    }) : () -> ()
    return
  }
}

module attributes {stable_mosaic.version = 14 : i64} {
  func.func @_tc_first(%arg0: memref<10000x128xf32, #tpu.memory_space<vmem>>, %arg1: memref<128x32xf32, #tpu.memory_space<vmem>>, %arg2: memref<2x10240x16xf32, #tpu.memory_space<vmem>>, %arg3: memref<10000x1xf32, #tpu.memory_space<vmem>>, %arg4: memref<10240x32xf32, #tpu.memory_space<vmem>>) attributes {dimension_semantics = [], scalar_prefetch = 0 : i64, scratch_operands = 0 : i64, tpu.core_type = #tpu.core_type<tc>} {
    %get3A = arith.constant 0 : index
    %get3A_0 = arith.constant 0 : index
    %get3A_1 = arith.constant 0 : index
    %get3A_2 = vector.load %arg2[%get3A, %get3A_0, %get3A_1] : memref<2x10240x16xf32, #tpu.memory_space<vmem>>, vector<1x10240x1xf32>
    %get3A_3 = vector.shape_cast %get3A_2 : vector<1x10240x1xf32> to vector<10240x1xf32>
    %get3A_4 = arith.constant 1 : index
    %get3A_5 = arith.constant 0 : index
    %get3A_6 = arith.constant 0 : index
    %get3A_7 = vector.load %arg2[%get3A_4, %get3A_5, %get3A_6] : memref<2x10240x16xf32, #tpu.memory_space<vmem>>, vector<1x10240x1xf32>
    %get3A_8 = vector.shape_cast %get3A_7 : vector<1x10240x1xf32> to vector<10240x1xf32>
    %add3A = arith.addf %get3A_3, %get3A_8 : vector<10240x1xf32>
    %slice3A = vector.extract_strided_slice %add3A {offsets = [0, 0], sizes = [10000, 1], strides = [1, 1]} : vector<10240x1xf32> to vector<10000x1xf32>
    %add3A_9 = arith.constant 1.000000e+00 : f32
    %add3A_10 = vector.broadcast %add3A_9 : f32 to vector<10000x1xf32>
    %add3A_11 = arith.addf %slice3A, %add3A_10 : vector<10000x1xf32>
    %rsqrt3A = math.rsqrt %add3A_11 : vector<10000x1xf32>
    %swap3A = arith.constant 0 : index
    %swap3A_12 = arith.constant 0 : index
    %swap3A_13 = vector.load %arg3[%swap3A, %swap3A_12] : memref<10000x1xf32, #tpu.memory_space<vmem>>, vector<10000x1xf32>
    tpu.vector_store %arg3[%swap3A, %swap3A_12], %rsqrt3A {strides = array<i32>} : memref<10000x1xf32, #tpu.memory_space<vmem>>, vector<10000x1xf32>,
    %get3A_14 = arith.constant 0 : index
    %get3A_15 = arith.constant 0 : index
    %get3A_16 = vector.load %arg0[%get3A_14, %get3A_15] : memref<10000x128xf32, #tpu.memory_space<vmem>>, vector<10000x128xf32>
    %get3A_17 = arith.constant 0 : index
    %get3A_18 = arith.constant 0 : index
    %get3A_19 = vector.load %arg1[%get3A_17, %get3A_18] : memref<128x32xf32, #tpu.memory_space<vmem>>, vector<128x32xf32>
    %dot_general3A = arith.constant dense<0.000000e+00> : vector<10000x32xf32>
    %dot_general3A_20 = tpu.matmul %get3A_16, %get3A_19, %dot_general3A {dimension_numbers = #tpu.dot_dimension_numbers<[1], [0], [0], [1], [0, 0, 1, 1], [], []>, transpose_lhs_hint = false} : vector<10000x128xf32>, vector<128x32xf32>, vector<10000x32xf32> -> vector<10000x32xf32>
    %mul3A = vector.broadcast %rsqrt3A : vector<10000x1xf32> to vector<10000x32xf32>
    %mul3A_21 = arith.mulf %dot_general3A_20, %mul3A : vector<10000x32xf32>
    %swap3A_22 = arith.constant 0 : index
    %swap3A_23 = arith.constant 0 : index
    %swap3A_24 = vector.load %arg4[%swap3A_22, %swap3A_23] : memref<10240x32xf32, #tpu.memory_space<vmem>>, vector<10000x32xf32>
    tpu.vector_store %arg4[%swap3A_22, %swap3A_23], %mul3A_21 {strides = array<i32>} : memref<10240x32xf32, #tpu.memory_space<vmem>>, vector<10000x32xf32>,
    %broadcast_in_dim3A = arith.constant 0.000000e+00 : f32
    %broadcast_in_dim3A_25 = vector.broadcast %broadcast_in_dim3A : f32 to vector<240x32xf32>
    %swap3A_26 = arith.constant 10000 : index
    %swap3A_27 = arith.constant 0 : index
    %swap3A_28 = vector.load %arg4[%swap3A_26, %swap3A_27] : memref<10240x32xf32, #tpu.memory_space<vmem>>, vector<240x32xf32>
    tpu.vector_store %arg4[%swap3A_26, %swap3A_27], %broadcast_in_dim3A_25 {strides = array<i32>} : memref<10240x32xf32, #tpu.memory_space<vmem>>, vector<240x32xf32>,
    return
  }
}

module attributes {stable_mosaic.version = 14 : i64} {
  func.func @_tc_combine(%arg0: memref<2x10240x32xf32, #tpu.memory_space<vmem>>, %arg1: memref<10240x32xf32, #tpu.memory_space<vmem>>, %arg2: memref<10000x1xf32, #tpu.memory_space<vmem>>, %arg3: memref<1x32xf32, #tpu.memory_space<vmem>>, %arg4: memref<32x32xf32, #tpu.memory_space<vmem>>, %arg5: memref<10000x32xf32, #tpu.memory_space<vmem>>, %arg6: memref<10240x32xf32, #tpu.memory_space<vmem>>) attributes {dimension_semantics = [], scalar_prefetch = 0 : i64, scratch_operands = 0 : i64, tpu.core_type = #tpu.core_type<tc>} {
    %get3A = arith.constant 0 : index
    %get3A_0 = arith.constant 0 : index
    %get3A_1 = arith.constant 0 : index
    %get3A_2 = vector.load %arg0[%get3A, %get3A_0, %get3A_1] : memref<2x10240x32xf32, #tpu.memory_space<vmem>>, vector<1x10000x32xf32>
    %get3A_3 = vector.shape_cast %get3A_2 : vector<1x10000x32xf32> to vector<10000x32xf32>
    %get3A_4 = arith.constant 1 : index
    %get3A_5 = arith.constant 0 : index
    %get3A_6 = arith.constant 0 : index
    %get3A_7 = vector.load %arg0[%get3A_4, %get3A_5, %get3A_6] : memref<2x10240x32xf32, #tpu.memory_space<vmem>>, vector<1x10000x32xf32>
    %get3A_8 = vector.shape_cast %get3A_7 : vector<1x10000x32xf32> to vector<10000x32xf32>
    %add3A = arith.addf %get3A_3, %get3A_8 : vector<10000x32xf32>
    %get3A_9 = arith.constant 0 : index
    %get3A_10 = arith.constant 0 : index
    %get3A_11 = vector.load %arg2[%get3A_9, %get3A_10] : memref<10000x1xf32, #tpu.memory_space<vmem>>, vector<10000x1xf32>
    %get3A_12 = arith.constant 0 : index
    %get3A_13 = arith.constant 0 : index
    %get3A_14 = vector.load %arg1[%get3A_12, %get3A_13] : memref<10240x32xf32, #tpu.memory_space<vmem>>, vector<10000x32xf32>
    %add3A_15 = arith.addf %add3A, %get3A_14 : vector<10000x32xf32>
    %mul3A = vector.broadcast %get3A_11 : vector<10000x1xf32> to vector<10000x32xf32>
    %mul3A_16 = arith.mulf %mul3A, %add3A_15 : vector<10000x32xf32>
    %get3A_17 = arith.constant 0 : index
    %get3A_18 = arith.constant 0 : index
    %get3A_19 = vector.load %arg3[%get3A_17, %get3A_18] : memref<1x32xf32, #tpu.memory_space<vmem>>, vector<1x32xf32>
    %add3A_20 = vector.broadcast %get3A_19 : vector<1x32xf32> to vector<10000x32xf32>
    %add3A_21 = arith.addf %mul3A_16, %add3A_20 : vector<10000x32xf32>
    %tanh3A = math.tanh %add3A_21 : vector<10000x32xf32>
    %swap3A = arith.constant 0 : index
    %swap3A_22 = arith.constant 0 : index
    %swap3A_23 = vector.load %arg5[%swap3A, %swap3A_22] : memref<10000x32xf32, #tpu.memory_space<vmem>>, vector<10000x32xf32>
    tpu.vector_store %arg5[%swap3A, %swap3A_22], %tanh3A {strides = array<i32>} : memref<10000x32xf32, #tpu.memory_space<vmem>>, vector<10000x32xf32>,
    %get3A_24 = arith.constant 0 : index
    %get3A_25 = arith.constant 0 : index
    %get3A_26 = vector.load %arg4[%get3A_24, %get3A_25] : memref<32x32xf32, #tpu.memory_space<vmem>>, vector<32x32xf32>
    %dot_general3A = arith.constant dense<0.000000e+00> : vector<10000x32xf32>
    %dot_general3A_27 = tpu.matmul %tanh3A, %get3A_26, %dot_general3A {dimension_numbers = #tpu.dot_dimension_numbers<[1], [0], [0], [1], [0, 0, 1, 1], [], []>, transpose_lhs_hint = false} : vector<10000x32xf32>, vector<32x32xf32>, vector<10000x32xf32> -> vector<10000x32xf32>
    %mul3A_28 = vector.broadcast %get3A_11 : vector<10000x1xf32> to vector<10000x32xf32>
    %mul3A_29 = arith.mulf %dot_general3A_27, %mul3A_28 : vector<10000x32xf32>
    %swap3A_30 = arith.constant 0 : index
    %swap3A_31 = arith.constant 0 : index
    %swap3A_32 = vector.load %arg6[%swap3A_30, %swap3A_31] : memref<10240x32xf32, #tpu.memory_space<vmem>>, vector<10000x32xf32>
    tpu.vector_store %arg6[%swap3A_30, %swap3A_31], %mul3A_29 {strides = array<i32>} : memref<10240x32xf32, #tpu.memory_space<vmem>>, vector<10000x32xf32>,
    %broadcast_in_dim3A = arith.constant 0.000000e+00 : f32
    %broadcast_in_dim3A_33 = vector.broadcast %broadcast_in_dim3A : f32 to vector<240x32xf32>
    %swap3A_34 = arith.constant 10000 : index
    %swap3A_35 = arith.constant 0 : index
    %swap3A_36 = vector.load %arg6[%swap3A_34, %swap3A_35] : memref<10240x32xf32, #tpu.memory_space<vmem>>, vector<240x32xf32>
    tpu.vector_store %arg6[%swap3A_34, %swap3A_35], %broadcast_in_dim3A_33 {strides = array<i32>} : memref<10240x32xf32, #tpu.memory_space<vmem>>, vector<240x32xf32>,
    return
  }
}

module attributes {stable_mosaic.version = 14 : i64} {
  func.func @_tc_combine(%arg0: memref<2x10240x32xf32, #tpu.memory_space<vmem>>, %arg1: memref<10240x32xf32, #tpu.memory_space<vmem>>, %arg2: memref<10000x1xf32, #tpu.memory_space<vmem>>, %arg3: memref<1x32xf32, #tpu.memory_space<vmem>>, %arg4: memref<32x16xf32, #tpu.memory_space<vmem>>, %arg5: memref<10000x32xf32, #tpu.memory_space<vmem>>, %arg6: memref<10240x16xf32, #tpu.memory_space<vmem>>) attributes {dimension_semantics = [], scalar_prefetch = 0 : i64, scratch_operands = 0 : i64, tpu.core_type = #tpu.core_type<tc>} {
    %get3A = arith.constant 0 : index
    %get3A_0 = arith.constant 0 : index
    %get3A_1 = arith.constant 0 : index
    %get3A_2 = vector.load %arg0[%get3A, %get3A_0, %get3A_1] : memref<2x10240x32xf32, #tpu.memory_space<vmem>>, vector<1x10000x32xf32>
    %get3A_3 = vector.shape_cast %get3A_2 : vector<1x10000x32xf32> to vector<10000x32xf32>
    %get3A_4 = arith.constant 1 : index
    %get3A_5 = arith.constant 0 : index
    %get3A_6 = arith.constant 0 : index
    %get3A_7 = vector.load %arg0[%get3A_4, %get3A_5, %get3A_6] : memref<2x10240x32xf32, #tpu.memory_space<vmem>>, vector<1x10000x32xf32>
    %get3A_8 = vector.shape_cast %get3A_7 : vector<1x10000x32xf32> to vector<10000x32xf32>
    %add3A = arith.addf %get3A_3, %get3A_8 : vector<10000x32xf32>
    %get3A_9 = arith.constant 0 : index
    %get3A_10 = arith.constant 0 : index
    %get3A_11 = vector.load %arg2[%get3A_9, %get3A_10] : memref<10000x1xf32, #tpu.memory_space<vmem>>, vector<10000x1xf32>
    %get3A_12 = arith.constant 0 : index
    %get3A_13 = arith.constant 0 : index
    %get3A_14 = vector.load %arg1[%get3A_12, %get3A_13] : memref<10240x32xf32, #tpu.memory_space<vmem>>, vector<10000x32xf32>
    %add3A_15 = arith.addf %add3A, %get3A_14 : vector<10000x32xf32>
    %mul3A = vector.broadcast %get3A_11 : vector<10000x1xf32> to vector<10000x32xf32>
    %mul3A_16 = arith.mulf %mul3A, %add3A_15 : vector<10000x32xf32>
    %get3A_17 = arith.constant 0 : index
    %get3A_18 = arith.constant 0 : index
    %get3A_19 = vector.load %arg3[%get3A_17, %get3A_18] : memref<1x32xf32, #tpu.memory_space<vmem>>, vector<1x32xf32>
    %add3A_20 = vector.broadcast %get3A_19 : vector<1x32xf32> to vector<10000x32xf32>
    %add3A_21 = arith.addf %mul3A_16, %add3A_20 : vector<10000x32xf32>
    %tanh3A = math.tanh %add3A_21 : vector<10000x32xf32>
    %swap3A = arith.constant 0 : index
    %swap3A_22 = arith.constant 0 : index
    %swap3A_23 = vector.load %arg5[%swap3A, %swap3A_22] : memref<10000x32xf32, #tpu.memory_space<vmem>>, vector<10000x32xf32>
    tpu.vector_store %arg5[%swap3A, %swap3A_22], %tanh3A {strides = array<i32>} : memref<10000x32xf32, #tpu.memory_space<vmem>>, vector<10000x32xf32>,
    %get3A_24 = arith.constant 0 : index
    %get3A_25 = arith.constant 0 : index
    %get3A_26 = vector.load %arg4[%get3A_24, %get3A_25] : memref<32x16xf32, #tpu.memory_space<vmem>>, vector<32x16xf32>
    %dot_general3A = arith.constant dense<0.000000e+00> : vector<10000x16xf32>
    %dot_general3A_27 = tpu.matmul %tanh3A, %get3A_26, %dot_general3A {dimension_numbers = #tpu.dot_dimension_numbers<[1], [0], [0], [1], [0, 0, 1, 1], [], []>, transpose_lhs_hint = false} : vector<10000x32xf32>, vector<32x16xf32>, vector<10000x16xf32> -> vector<10000x16xf32>
    %mul3A_28 = vector.broadcast %get3A_11 : vector<10000x1xf32> to vector<10000x16xf32>
    %mul3A_29 = arith.mulf %dot_general3A_27, %mul3A_28 : vector<10000x16xf32>
    %swap3A_30 = arith.constant 0 : index
    %swap3A_31 = arith.constant 0 : index
    %swap3A_32 = vector.load %arg6[%swap3A_30, %swap3A_31] : memref<10240x16xf32, #tpu.memory_space<vmem>>, vector<10000x16xf32>
    tpu.vector_store %arg6[%swap3A_30, %swap3A_31], %mul3A_29 {strides = array<i32>} : memref<10240x16xf32, #tpu.memory_space<vmem>>, vector<10000x16xf32>,
    %broadcast_in_dim3A = arith.constant 0.000000e+00 : f32
    %broadcast_in_dim3A_33 = vector.broadcast %broadcast_in_dim3A : f32 to vector<240x16xf32>
    %swap3A_34 = arith.constant 10000 : index
    %swap3A_35 = arith.constant 0 : index
    %swap3A_36 = vector.load %arg6[%swap3A_34, %swap3A_35] : memref<10240x16xf32, #tpu.memory_space<vmem>>, vector<240x16xf32>
    tpu.vector_store %arg6[%swap3A_34, %swap3A_35], %broadcast_in_dim3A_33 {strides = array<i32>} : memref<10240x16xf32, #tpu.memory_space<vmem>>, vector<240x16xf32>,
    return
  }
}

module attributes {stable_mosaic.version = 14 : i64} {
  func.func @_tc_last(%arg0: memref<2x10240x16xf32, #tpu.memory_space<vmem>>, %arg1: memref<10240x16xf32, #tpu.memory_space<vmem>>, %arg2: memref<10000x1xf32, #tpu.memory_space<vmem>>, %arg3: memref<1x16xf32, #tpu.memory_space<vmem>>, %arg4: memref<10000x32xf32, #tpu.memory_space<vmem>>, %arg5: memref<10000x32xf32, #tpu.memory_space<vmem>>, %arg6: memref<10000x32xf32, #tpu.memory_space<vmem>>, %arg7: memref<10240x128xf32, #tpu.memory_space<vmem>>) attributes {dimension_semantics = [], scalar_prefetch = 0 : i64, scratch_operands = 0 : i64, tpu.core_type = #tpu.core_type<tc>} {
    %get3A = arith.constant 0 : index
    %get3A_0 = arith.constant 0 : index
    %get3A_1 = arith.constant 0 : index
    %get3A_2 = vector.load %arg0[%get3A, %get3A_0, %get3A_1] : memref<2x10240x16xf32, #tpu.memory_space<vmem>>, vector<1x10000x16xf32>
    %get3A_3 = vector.shape_cast %get3A_2 : vector<1x10000x16xf32> to vector<10000x16xf32>
    %get3A_4 = arith.constant 1 : index
    %get3A_5 = arith.constant 0 : index
    %get3A_6 = arith.constant 0 : index
    %get3A_7 = vector.load %arg0[%get3A_4, %get3A_5, %get3A_6] : memref<2x10240x16xf32, #tpu.memory_space<vmem>>, vector<1x10000x16xf32>
    %get3A_8 = vector.shape_cast %get3A_7 : vector<1x10000x16xf32> to vector<10000x16xf32>
    %add3A = arith.addf %get3A_3, %get3A_8 : vector<10000x16xf32>
    %get3A_9 = arith.constant 0 : index
    %get3A_10 = arith.constant 0 : index
    %get3A_11 = vector.load %arg2[%get3A_9, %get3A_10] : memref<10000x1xf32, #tpu.memory_space<vmem>>, vector<10000x1xf32>
    %get3A_12 = arith.constant 0 : index
    %get3A_13 = arith.constant 0 : index
    %get3A_14 = vector.load %arg1[%get3A_12, %get3A_13] : memref<10240x16xf32, #tpu.memory_space<vmem>>, vector<10000x16xf32>
    %add3A_15 = arith.addf %add3A, %get3A_14 : vector<10000x16xf32>
    %mul3A = vector.broadcast %get3A_11 : vector<10000x1xf32> to vector<10000x16xf32>
    %mul3A_16 = arith.mulf %mul3A, %add3A_15 : vector<10000x16xf32>
    %get3A_17 = arith.constant 0 : index
    %get3A_18 = arith.constant 0 : index
    %get3A_19 = vector.load %arg3[%get3A_17, %get3A_18] : memref<1x16xf32, #tpu.memory_space<vmem>>, vector<1x16xf32>
    %add3A_20 = vector.broadcast %get3A_19 : vector<1x16xf32> to vector<10000x16xf32>
    %add3A_21 = arith.addf %mul3A_16, %add3A_20 : vector<10000x16xf32>
    %tanh3A = math.tanh %add3A_21 : vector<10000x16xf32>
    %get3A_22 = arith.constant 0 : index
    %get3A_23 = arith.constant 0 : index
    %get3A_24 = vector.load %arg4[%get3A_22, %get3A_23] : memref<10000x32xf32, #tpu.memory_space<vmem>>, vector<10000x32xf32>
    %swap3A = arith.constant 0 : index
    %swap3A_25 = arith.constant 0 : index
    %swap3A_26 = vector.load %arg7[%swap3A, %swap3A_25] : memref<10240x128xf32, #tpu.memory_space<vmem>>, vector<10000x32xf32>
    tpu.vector_store %arg7[%swap3A, %swap3A_25], %get3A_24 {strides = array<i32>} : memref<10240x128xf32, #tpu.memory_space<vmem>>, vector<10000x32xf32>,
    %get3A_27 = arith.constant 0 : index
    %get3A_28 = arith.constant 0 : index
    %get3A_29 = vector.load %arg5[%get3A_27, %get3A_28] : memref<10000x32xf32, #tpu.memory_space<vmem>>, vector<10000x32xf32>
    %swap3A_30 = arith.constant 0 : index
    %swap3A_31 = arith.constant 32 : index
    %swap3A_32 = vector.load %arg7[%swap3A_30, %swap3A_31] : memref<10240x128xf32, #tpu.memory_space<vmem>>, vector<10000x32xf32>
    tpu.vector_store %arg7[%swap3A_30, %swap3A_31], %get3A_29 {strides = array<i32>} : memref<10240x128xf32, #tpu.memory_space<vmem>>, vector<10000x32xf32>,
    %get3A_33 = arith.constant 0 : index
    %get3A_34 = arith.constant 0 : index
    %get3A_35 = vector.load %arg6[%get3A_33, %get3A_34] : memref<10000x32xf32, #tpu.memory_space<vmem>>, vector<10000x32xf32>
    %swap3A_36 = arith.constant 0 : index
    %swap3A_37 = arith.constant 64 : index
    %swap3A_38 = vector.load %arg7[%swap3A_36, %swap3A_37] : memref<10240x128xf32, #tpu.memory_space<vmem>>, vector<10000x32xf32>
    tpu.vector_store %arg7[%swap3A_36, %swap3A_37], %get3A_35 {strides = array<i32>} : memref<10240x128xf32, #tpu.memory_space<vmem>>, vector<10000x32xf32>,
    %swap3A_39 = arith.constant 0 : index
    %swap3A_40 = arith.constant 96 : index
    %swap3A_41 = vector.load %arg7[%swap3A_39, %swap3A_40] : memref<10240x128xf32, #tpu.memory_space<vmem>>, vector<10000x16xf32>
    tpu.vector_store %arg7[%swap3A_39, %swap3A_40], %tanh3A {strides = array<i32>} : memref<10240x128xf32, #tpu.memory_space<vmem>>, vector<10000x16xf32>,
    %broadcast_in_dim3A = arith.constant 0.000000e+00 : f32
    %broadcast_in_dim3A_42 = vector.broadcast %broadcast_in_dim3A : f32 to vector<10000x16xf32>
    %swap3A_43 = arith.constant 0 : index
    %swap3A_44 = arith.constant 112 : index
    %swap3A_45 = vector.load %arg7[%swap3A_43, %swap3A_44] : memref<10240x128xf32, #tpu.memory_space<vmem>>, vector<10000x16xf32>
    tpu.vector_store %arg7[%swap3A_43, %swap3A_44], %broadcast_in_dim3A_42 {strides = array<i32>} : memref<10240x128xf32, #tpu.memory_space<vmem>>, vector<10000x16xf32>,
    %broadcast_in_dim3A_46 = arith.constant 0.000000e+00 : f32
    %broadcast_in_dim3A_47 = vector.broadcast %broadcast_in_dim3A_46 : f32 to vector<240x128xf32>
    %swap3A_48 = arith.constant 10000 : index
    %swap3A_49 = arith.constant 0 : index
    %swap3A_50 = vector.load %arg7[%swap3A_48, %swap3A_49] : memref<10240x128xf32, #tpu.memory_space<vmem>>, vector<240x128xf32>
    tpu.vector_store %arg7[%swap3A_48, %swap3A_49], %broadcast_in_dim3A_47 {strides = array<i32>} : memref<10240x128xf32, #tpu.memory_space<vmem>>, vector<240x128xf32>,
    return
  }
}

module attributes {stable_mosaic.version = 14 : i64} {
  func.func @_tc_topk(%arg0: memref<80x128xf32, #tpu.memory_space<vmem>>, %arg1: memref<80x128xi32, #tpu.memory_space<vmem>>, %arg2: memref<64x32xi32, #tpu.memory_space<vmem>>) attributes {dimension_semantics = [], scalar_prefetch = 0 : i64, scratch_operands = 0 : i64, tpu.core_type = #tpu.core_type<tc>} {
    %get3A = arith.constant 0 : index
    %get3A_0 = arith.constant 0 : index
    %get3A_1 = vector.load %arg0[%get3A, %get3A_0] : memref<80x128xf32, #tpu.memory_space<vmem>>, vector<80x128xf32>
    %get3A_2 = arith.constant 0 : index
    %get3A_3 = arith.constant 0 : index
    %get3A_4 = vector.load %arg1[%get3A_2, %get3A_3] : memref<80x128xi32, #tpu.memory_space<vmem>>, vector<80x128xi32>
    %iota3A = tpu.iota {dimensions = array<i32: 0>} : vector<64x1x1xi32>
    %broadcast_in_dim3A = vector.shape_cast %get3A_4 : vector<80x128xi32> to vector<1x80x128xi32>
    %eq3A = vector.broadcast %broadcast_in_dim3A : vector<1x80x128xi32> to vector<64x80x128xi32>
    %eq3A_5 = vector.broadcast %iota3A : vector<64x1x1xi32> to vector<64x80x128xi32>
    %eq3A_6 = arith.cmpi eq, %eq3A, %eq3A_5 : vector<64x80x128xi32>
    %iota3A_7 = tpu.iota {dimensions = array<i32: 0>} : vector<80x128xi32>
    %mul3A = arith.constant 128 : i32
    %mul3A_8 = vector.broadcast %mul3A : i32 to vector<80x128xi32>
    %mul3A_9 = arith.muli %iota3A_7, %mul3A_8 : vector<80x128xi32>
    %iota3A_10 = tpu.iota {dimensions = array<i32: 1>} : vector<80x128xi32>
    %add3A = arith.addi %mul3A_9, %iota3A_10 : vector<80x128xi32>
    %iota3A_11 = tpu.iota {dimensions = array<i32: 1>} : vector<64x32xi32>
    %broadcast_in_dim3A_12 = arith.constant 10000 : i32
    %broadcast_in_dim3A_13 = vector.broadcast %broadcast_in_dim3A_12 : i32 to vector<64x32xi32>
    %scan3A = arith.constant 1073741824 : i32
    %scan3A_14 = arith.constant 0 : i32
    %scan3A_15 = arith.constant 30 : i32
    %scan3A_16 = arith.addi %scan3A_14, %scan3A_15 : i32
    %scan3A_17 = arith.constant 1 : i32
    %scan3A_18:2 = scf.for %scan3A_22 = %scan3A_14 to %scan3A_16 step %scan3A_17 iter_args(%scan3A_23 = %get3A_1, %scan3A_24 = %broadcast_in_dim3A_13) -> (vector<80x128xf32>, vector<64x32xi32>)  : i32 {
      %broadcast_in_dim3A_25 = vector.shape_cast %scan3A_23 : vector<80x128xf32> to vector<1x80x128xf32>
      %jit3A = arith.constant -2.000000e+00 : f32
      %broadcast_in_dim3A_26 = vector.shape_cast %broadcast_in_dim3A_25 : vector<1x80x128xf32> to vector<1x80x128xf32>
      %broadcast_in_dim3A_27 = vector.broadcast %broadcast_in_dim3A_26 : vector<1x80x128xf32> to vector<64x80x128xf32>
      %broadcast_in_dim3A_28 = vector.broadcast %jit3A : f32 to vector<64x80x128xf32>
      %select_n3A = arith.select %eq3A_6, %broadcast_in_dim3A_27, %broadcast_in_dim3A_28 : vector<64x80x128xi1>, vector<64x80x128xf32>
      %reduce_max3A = arith.constant dense<0xFF800000> : vector<64xf32>
      %reduce_max3A_29 = vector.multi_reduction <maximumf>, %select_n3A, %reduce_max3A [1, 2] : vector<64x80x128xf32> to vector<64xf32>
      %broadcast_in_dim3A_30 = vector.shape_cast %reduce_max3A_29 : vector<64xf32> to vector<64x1x1xf32>
      %eq3A_31 = vector.broadcast %broadcast_in_dim3A_30 : vector<64x1x1xf32> to vector<64x80x128xf32>
      %eq3A_32 = arith.cmpf oeq, %select_n3A, %eq3A_31 : vector<64x80x128xf32>
      %broadcast_in_dim3A_33 = vector.shape_cast %add3A : vector<80x128xi32> to vector<1x80x128xi32>
      %broadcast_in_dim3A_34 = vector.shape_cast %broadcast_in_dim3A_33 : vector<1x80x128xi32> to vector<1x80x128xi32>
      %broadcast_in_dim3A_35 = vector.broadcast %broadcast_in_dim3A_34 : vector<1x80x128xi32> to vector<64x80x128xi32>
      %broadcast_in_dim3A_36 = vector.broadcast %scan3A : i32 to vector<64x80x128xi32>
      %select_n3A_37 = arith.select %eq3A_32, %broadcast_in_dim3A_35, %broadcast_in_dim3A_36 : vector<64x80x128xi1>, vector<64x80x128xi32>
      %reduce_min3A = arith.constant dense<2147483647> : vector<64xi32>
      %reduce_min3A_38 = vector.multi_reduction <minsi>, %select_n3A_37, %reduce_min3A [1, 2] : vector<64x80x128xi32> to vector<64xi32>
      %lt3A = arith.constant -1.500000e+00 : f32
      %lt3A_39 = vector.broadcast %lt3A : f32 to vector<64xf32>
      %lt3A_40 = arith.cmpf olt, %reduce_max3A_29, %lt3A_39 : vector<64xf32>
      %jit3A_41 = arith.constant 10000 : i32
      %broadcast_in_dim3A_42 = vector.broadcast %jit3A_41 : i32 to vector<64xi32>
      %select_n3A_43 = arith.select %lt3A_40, %broadcast_in_dim3A_42, %reduce_min3A_38 : vector<64xi1>, vector<64xi32>
      %eq3A_44 = vector.broadcast %scan3A_22 : i32 to vector<64x32xi32>
      %eq3A_45 = arith.cmpi eq, %iota3A_11, %eq3A_44 : vector<64x32xi32>
      %broadcast_in_dim3A_46 = vector.shape_cast %select_n3A_43 : vector<64xi32> to vector<64x1xi32>
      %broadcast_in_dim3A_47 = vector.shape_cast %broadcast_in_dim3A_46 : vector<64x1xi32> to vector<64x1xi32>
      %broadcast_in_dim3A_48 = vector.broadcast %broadcast_in_dim3A_47 : vector<64x1xi32> to vector<64x32xi32>
      %select_n3A_49 = arith.select %eq3A_45, %broadcast_in_dim3A_48, %scan3A_24 : vector<64x32xi1>, vector<64x32xi32>
      %broadcast_in_dim3A_50 = vector.shape_cast %add3A : vector<80x128xi32> to vector<1x80x128xi32>
      %broadcast_in_dim3A_51 = vector.shape_cast %select_n3A_43 : vector<64xi32> to vector<64x1x1xi32>
      %eq3A_52 = vector.broadcast %broadcast_in_dim3A_50 : vector<1x80x128xi32> to vector<64x80x128xi32>
      %eq3A_53 = vector.broadcast %broadcast_in_dim3A_51 : vector<64x1x1xi32> to vector<64x80x128xi32>
      %eq3A_54 = arith.cmpi eq, %eq3A_52, %eq3A_53 : vector<64x80x128xi32>
      %reduce_or3A = arith.constant 1.000000e+00 : f32
      %reduce_or3A_55 = arith.constant 0.000000e+00 : f32
      %reduce_or3A_56 = vector.broadcast %reduce_or3A : f32 to vector<64x80x128xf32>
      %reduce_or3A_57 = vector.broadcast %reduce_or3A_55 : f32 to vector<64x80x128xf32>
      %reduce_or3A_58 = arith.select %eq3A_54, %reduce_or3A_56, %reduce_or3A_57 : vector<64x80x128xi1>, vector<64x80x128xf32>
      %reduce_or3A_59 = arith.constant dense<0xFF800000> : vector<80x128xf32>
      %reduce_or3A_60 = vector.multi_reduction <maximumf>, %reduce_or3A_58, %reduce_or3A_59 [0] : vector<64x80x128xf32> to vector<80x128xf32>
      %reduce_or3A_61 = arith.constant 0.000000e+00 : f32
      %reduce_or3A_62 = vector.broadcast %reduce_or3A_61 : f32 to vector<80x128xf32>
      %reduce_or3A_63 = arith.cmpf ogt, %reduce_or3A_60, %reduce_or3A_62 : vector<80x128xf32>
      %jit3A_64 = arith.constant -2.000000e+00 : f32
      %broadcast_in_dim3A_65 = vector.broadcast %jit3A_64 : f32 to vector<80x128xf32>
      %select_n3A_66 = arith.select %reduce_or3A_63, %broadcast_in_dim3A_65, %scan3A_23 : vector<80x128xi1>, vector<80x128xf32>
      scf.yield %select_n3A_66, %select_n3A_49 : vector<80x128xf32>, vector<64x32xi32>
    }
    %scan3A_19 = arith.constant 30 : i32
    %swap3A = arith.constant 0 : index
    %swap3A_20 = arith.constant 0 : index
    %swap3A_21 = vector.load %arg2[%swap3A, %swap3A_20] : memref<64x32xi32, #tpu.memory_space<vmem>>, vector<64x32xi32>
    tpu.vector_store %arg2[%swap3A, %swap3A_20], %scan3A_18#1 {strides = array<i32>} : memref<64x32xi32, #tpu.memory_space<vmem>>, vector<64x32xi32>,
    return
  }
}

module attributes {stable_mosaic.version = 14 : i64} {
  func.func @_tc_head(%arg0: memref<2048x128xf32, #tpu.memory_space<vmem>>, %arg1: memref<128x512xf32, #tpu.memory_space<vmem>>, %arg2: memref<512x128xf32, #tpu.memory_space<vmem>>, %arg3: memref<1x128xf32, #tpu.memory_space<vmem>>, %arg4: memref<128x10xf32, #tpu.memory_space<vmem>>, %arg5: memref<1x10xf32, #tpu.memory_space<vmem>>, %arg6: memref<64x10xf32, #tpu.memory_space<vmem>>) attributes {dimension_semantics = [], scalar_prefetch = 0 : i64, scratch_operands = 0 : i64, tpu.core_type = #tpu.core_type<tc>} {
    %get3A = arith.constant 0 : index
    %get3A_0 = arith.constant 0 : index
    %get3A_1 = vector.load %arg0[%get3A, %get3A_0] : memref<2048x128xf32, #tpu.memory_space<vmem>>, vector<2048x128xf32>
    %get3A_2 = arith.constant 0 : index
    %get3A_3 = arith.constant 0 : index
    %get3A_4 = vector.load %arg1[%get3A_2, %get3A_3] : memref<128x512xf32, #tpu.memory_space<vmem>>, vector<128x512xf32>
    %dot_general3A = arith.constant dense<0.000000e+00> : vector<2048x512xf32>
    %dot_general3A_5 = tpu.matmul %get3A_1, %get3A_4, %dot_general3A {dimension_numbers = #tpu.dot_dimension_numbers<[1], [0], [0], [1], [0, 0, 1, 1], [], []>, transpose_lhs_hint = false} : vector<2048x128xf32>, vector<128x512xf32>, vector<2048x512xf32> -> vector<2048x512xf32>
    %iota3A = tpu.iota {dimensions = array<i32: 0>} : vector<512x16xi32>
    %jit3A = arith.constant 32 : i32
    %div3A = vector.broadcast %jit3A : i32 to vector<512x16xi32>
    %div3A_6 = arith.divsi %iota3A, %div3A : vector<512x16xi32>
    %sign3A = arith.constant 0 : i32
    %sign3A_7 = vector.broadcast %sign3A : i32 to vector<512x16xi32>
    %sign3A_8 = arith.cmpi sgt, %iota3A, %sign3A_7 : vector<512x16xi32>
    %sign3A_9 = arith.extui %sign3A_8 : vector<512x16xi1> to vector<512x16xi32>
    %sign3A_10 = arith.constant 0 : i32
    %sign3A_11 = vector.broadcast %sign3A_10 : i32 to vector<512x16xi32>
    %sign3A_12 = arith.cmpi slt, %iota3A, %sign3A_11 : vector<512x16xi32>
    %sign3A_13 = arith.extui %sign3A_12 : vector<512x16xi1> to vector<512x16xi32>
    %sign3A_14 = arith.subi %sign3A_9, %sign3A_13 : vector<512x16xi32>
    %sign3A_15 = arith.constant 0 : i32
    %sign3A_16 = arith.cmpi sgt, %jit3A, %sign3A_15 : i32
    %sign3A_17 = arith.extui %sign3A_16 : i1 to i32
    %sign3A_18 = arith.constant 0 : i32
    %sign3A_19 = arith.cmpi slt, %jit3A, %sign3A_18 : i32
    %sign3A_20 = arith.extui %sign3A_19 : i1 to i32
    %sign3A_21 = arith.subi %sign3A_17, %sign3A_20 : i32
    %ne3A = vector.broadcast %sign3A_21 : i32 to vector<512x16xi32>
    %ne3A_22 = arith.cmpi ne, %sign3A_14, %ne3A : vector<512x16xi32>
    %rem3A = vector.broadcast %jit3A : i32 to vector<512x16xi32>
    %rem3A_23 = arith.remsi %iota3A, %rem3A : vector<512x16xi32>
    %ne3A_24 = arith.constant 0 : i32
    %ne3A_25 = vector.broadcast %ne3A_24 : i32 to vector<512x16xi32>
    %ne3A_26 = arith.cmpi ne, %rem3A_23, %ne3A_25 : vector<512x16xi32>
    %and3A = arith.andi %ne3A_22, %ne3A_26 : vector<512x16xi1>
    %sub3A = arith.constant 1 : i32
    %sub3A_27 = vector.broadcast %sub3A : i32 to vector<512x16xi32>
    %sub3A_28 = arith.subi %div3A_6, %sub3A_27 : vector<512x16xi32>
    %select_n3A = arith.select %and3A, %sub3A_28, %div3A_6 : vector<512x16xi1>, vector<512x16xi32>
    %iota3A_29 = tpu.iota {dimensions = array<i32: 1>} : vector<512x16xi32>
    %eq3A = arith.cmpi eq, %select_n3A, %iota3A_29 : vector<512x16xi32>
    %convert_element_type3A = arith.extui %eq3A : vector<512x16xi1> to vector<512x16xi32>
    %convert_element_type3A_30 = arith.sitofp %convert_element_type3A : vector<512x16xi32> to vector<512x16xf32>
    %mul3A = arith.mulf %dot_general3A_5, %dot_general3A_5 : vector<2048x512xf32>
    %dot_general3A_31 = arith.constant dense<0.000000e+00> : vector<2048x16xf32>
    %dot_general3A_32 = tpu.matmul %mul3A, %convert_element_type3A_30, %dot_general3A_31 {dimension_numbers = #tpu.dot_dimension_numbers<[1], [0], [0], [1], [0, 0, 1, 1], [], []>, transpose_lhs_hint = false} : vector<2048x512xf32>, vector<512x16xf32>, vector<2048x16xf32> -> vector<2048x16xf32>
    %iota3A_33 = tpu.iota {dimensions = array<i32: 0>} : vector<2048x16xi32>
    %jit3A_34 = arith.constant 32 : i32
    %eq3A_35 = arith.constant 0 : i32
    %eq3A_36 = arith.cmpi eq, %jit3A_34, %eq3A_35 : i32
    %jit3A_37 = arith.constant 1 : i32
    %select_n3A_38 = arith.select %eq3A_36, %jit3A_37, %jit3A_34 : i32
    %rem3A_39 = vector.broadcast %select_n3A_38 : i32 to vector<2048x16xi32>
    %rem3A_40 = arith.remsi %iota3A_33, %rem3A_39 : vector<2048x16xi32>
    %ne3A_41 = arith.constant 0 : i32
    %ne3A_42 = vector.broadcast %ne3A_41 : i32 to vector<2048x16xi32>
    %ne3A_43 = arith.cmpi ne, %rem3A_40, %ne3A_42 : vector<2048x16xi32>
    %lt3A = arith.constant 0 : i32
    %lt3A_44 = vector.broadcast %lt3A : i32 to vector<2048x16xi32>
    %lt3A_45 = arith.cmpi slt, %rem3A_40, %lt3A_44 : vector<2048x16xi32>
    %lt3A_46 = arith.constant 0 : i32
    %lt3A_47 = arith.cmpi slt, %select_n3A_38, %lt3A_46 : i32
    %ne3A_48 = vector.broadcast %lt3A_47 : i1 to vector<2048x16xi1>
    %ne3A_49 = vector.broadcast %ne3A_48 : vector<2048x16xi1> to vector<2048x16xi1>
    %ne3A_50 = arith.xori %lt3A_45, %ne3A_49 : vector<2048x16xi1>
    %and3A_51 = arith.andi %ne3A_50, %ne3A_43 : vector<2048x16xi1>
    %add3A = vector.broadcast %select_n3A_38 : i32 to vector<2048x16xi32>
    %add3A_52 = arith.addi %rem3A_40, %add3A : vector<2048x16xi32>
    %select_n3A_53 = arith.select %and3A_51, %add3A_52, %rem3A_40 : vector<2048x16xi1>, vector<2048x16xi32>
    %lt3A_54 = arith.constant 30 : i32
    %lt3A_55 = vector.broadcast %lt3A_54 : i32 to vector<2048x16xi32>
    %lt3A_56 = arith.cmpi slt, %select_n3A_53, %lt3A_55 : vector<2048x16xi32>
    %reshape3A = vector.shape_cast %dot_general3A_5 : vector<2048x512xf32> to vector<64x32x512xf32>
    %reduce_sum3A = arith.constant dense<0.000000e+00> : vector<64x512xf32>
    %reduce_sum3A_57 = vector.multi_reduction <add>, %reshape3A, %reduce_sum3A [1] : vector<64x32x512xf32> to vector<64x512xf32>
    %mul3A_58 = arith.constant 0.0333333351 : f32
    %mul3A_59 = vector.broadcast %mul3A_58 : f32 to vector<64x512xf32>
    %mul3A_60 = arith.mulf %reduce_sum3A_57, %mul3A_59 : vector<64x512xf32>
    %reshape3A_61 = vector.shape_cast %mul3A_60 : vector<64x512xf32> to vector<64x1x512xf32>
    %broadcast_in_dim3A = vector.shape_cast %reshape3A_61 : vector<64x1x512xf32> to vector<64x1x512xf32>
    %broadcast_in_dim3A_62 = vector.broadcast %broadcast_in_dim3A : vector<64x1x512xf32> to vector<64x32x512xf32>
    %reshape3A_63 = vector.shape_cast %broadcast_in_dim3A_62 : vector<64x32x512xf32> to vector<2048x512xf32>
    %mul3A_64 = arith.mulf %dot_general3A_5, %reshape3A_63 : vector<2048x512xf32>
    %dot_general3A_65 = arith.constant dense<0.000000e+00> : vector<2048x16xf32>
    %dot_general3A_66 = tpu.matmul %mul3A_64, %convert_element_type3A_30, %dot_general3A_65 {dimension_numbers = #tpu.dot_dimension_numbers<[1], [0], [0], [1], [0, 0, 1, 1], [], []>, transpose_lhs_hint = false} : vector<2048x512xf32>, vector<512x16xf32>, vector<2048x16xf32> -> vector<2048x16xf32>
    %mul3A_67 = arith.mulf %mul3A_60, %mul3A_60 : vector<64x512xf32>
    %dot_general3A_68 = arith.constant dense<0.000000e+00> : vector<64x16xf32>
    %dot_general3A_69 = tpu.matmul %mul3A_67, %convert_element_type3A_30, %dot_general3A_68 {dimension_numbers = #tpu.dot_dimension_numbers<[1], [0], [0], [1], [0, 0, 1, 1], [], []>, transpose_lhs_hint = false} : vector<64x512xf32>, vector<512x16xf32>, vector<64x16xf32> -> vector<64x16xf32>
    %reshape3A_70 = vector.shape_cast %dot_general3A_69 : vector<64x16xf32> to vector<64x1x16xf32>
    %broadcast_in_dim3A_71 = vector.shape_cast %reshape3A_70 : vector<64x1x16xf32> to vector<64x1x16xf32>
    %broadcast_in_dim3A_72 = vector.broadcast %broadcast_in_dim3A_71 : vector<64x1x16xf32> to vector<64x32x16xf32>
    %reshape3A_73 = vector.shape_cast %broadcast_in_dim3A_72 : vector<64x32x16xf32> to vector<2048x16xf32>
    %add3A_74 = arith.addf %dot_general3A_32, %reshape3A_73 : vector<2048x16xf32>
    %sub3A_75 = arith.subf %add3A_74, %dot_general3A_66 : vector<2048x16xf32>
    %max3A = arith.constant 9.99999993E-9 : f32
    %max3A_76 = vector.broadcast %max3A : f32 to vector<2048x16xf32>
    %max3A_77 = arith.maximumf %sub3A_75, %max3A_76 : vector<2048x16xf32>
    %div3A_78 = arith.divf %dot_general3A_66, %max3A_77 : vector<2048x16xf32>
    %jit3A_79 = arith.constant -1.000000e+30 : f32
    %broadcast_in_dim3A_80 = vector.broadcast %jit3A_79 : f32 to vector<2048x16xf32>
    %select_n3A_81 = arith.select %lt3A_56, %div3A_78, %broadcast_in_dim3A_80 : vector<2048x16xi1>, vector<2048x16xf32>
    %reshape3A_82 = vector.shape_cast %select_n3A_81 : vector<2048x16xf32> to vector<64x32x16xf32>
    %reduce_max3A = arith.constant dense<0xFF800000> : vector<64x16xf32>
    %reduce_max3A_83 = vector.multi_reduction <maximumf>, %reshape3A_82, %reduce_max3A [1] : vector<64x32x16xf32> to vector<64x16xf32>
    %broadcast_in_dim3A_84 = vector.shape_cast %reduce_max3A_83 : vector<64x16xf32> to vector<64x1x16xf32>
    %sub3A_85 = vector.broadcast %broadcast_in_dim3A_84 : vector<64x1x16xf32> to vector<64x32x16xf32>
    %sub3A_86 = arith.subf %reshape3A_82, %sub3A_85 : vector<64x32x16xf32>
    %exp3A = math.exp %sub3A_86 : vector<64x32x16xf32>
    %reduce_sum3A_87 = arith.constant dense<0.000000e+00> : vector<64x16xf32>
    %reduce_sum3A_88 = vector.multi_reduction <add>, %exp3A, %reduce_sum3A_87 [1] : vector<64x32x16xf32> to vector<64x16xf32>
    %broadcast_in_dim3A_89 = vector.shape_cast %reduce_sum3A_88 : vector<64x16xf32> to vector<64x1x16xf32>
    %div3A_90 = vector.broadcast %broadcast_in_dim3A_89 : vector<64x1x16xf32> to vector<64x32x16xf32>
    %div3A_91 = arith.divf %exp3A, %div3A_90 : vector<64x32x16xf32>
    %reshape3A_92 = vector.shape_cast %div3A_91 : vector<64x32x16xf32> to vector<2048x16xf32>
    %reshape3A_93 = vector.shape_cast %reshape3A_92 : vector<2048x16xf32> to vector<2048x16x1xf32>
    %broadcast_in_dim3A_94 = vector.shape_cast %reshape3A_93 : vector<2048x16x1xf32> to vector<2048x16x1xf32>
    %broadcast_in_dim3A_95 = vector.broadcast %broadcast_in_dim3A_94 : vector<2048x16x1xf32> to vector<2048x16x32xf32>
    %reshape3A_96 = vector.shape_cast %broadcast_in_dim3A_95 : vector<2048x16x32xf32> to vector<2048x512xf32>
    %mul3A_97 = arith.mulf %reshape3A_96, %dot_general3A_5 : vector<2048x512xf32>
    %reshape3A_98 = vector.shape_cast %mul3A_97 : vector<2048x512xf32> to vector<64x32x512xf32>
    %reduce_sum3A_99 = arith.constant dense<0.000000e+00> : vector<64x512xf32>
    %reduce_sum3A_100 = vector.multi_reduction <add>, %reshape3A_98, %reduce_sum3A_99 [1] : vector<64x32x512xf32> to vector<64x512xf32>
    %reshape3A_101 = vector.shape_cast %reduce_sum3A_100 : vector<64x512xf32> to vector<64x1x512xf32>
    %broadcast_in_dim3A_102 = vector.shape_cast %reshape3A_101 : vector<64x1x512xf32> to vector<64x1x512xf32>
    %broadcast_in_dim3A_103 = vector.broadcast %broadcast_in_dim3A_102 : vector<64x1x512xf32> to vector<64x32x512xf32>
    %reshape3A_104 = vector.shape_cast %broadcast_in_dim3A_103 : vector<64x32x512xf32> to vector<2048x512xf32>
    %mul3A_105 = arith.mulf %dot_general3A_5, %reshape3A_104 : vector<2048x512xf32>
    %dot_general3A_106 = arith.constant dense<0.000000e+00> : vector<2048x16xf32>
    %dot_general3A_107 = tpu.matmul %mul3A_105, %convert_element_type3A_30, %dot_general3A_106 {dimension_numbers = #tpu.dot_dimension_numbers<[1], [0], [0], [1], [0, 0, 1, 1], [], []>, transpose_lhs_hint = false} : vector<2048x512xf32>, vector<512x16xf32>, vector<2048x16xf32> -> vector<2048x16xf32>
    %mul3A_108 = arith.mulf %reduce_sum3A_100, %reduce_sum3A_100 : vector<64x512xf32>
    %dot_general3A_109 = arith.constant dense<0.000000e+00> : vector<64x16xf32>
    %dot_general3A_110 = tpu.matmul %mul3A_108, %convert_element_type3A_30, %dot_general3A_109 {dimension_numbers = #tpu.dot_dimension_numbers<[1], [0], [0], [1], [0, 0, 1, 1], [], []>, transpose_lhs_hint = false} : vector<64x512xf32>, vector<512x16xf32>, vector<64x16xf32> -> vector<64x16xf32>
    %reshape3A_111 = vector.shape_cast %dot_general3A_110 : vector<64x16xf32> to vector<64x1x16xf32>
    %broadcast_in_dim3A_112 = vector.shape_cast %reshape3A_111 : vector<64x1x16xf32> to vector<64x1x16xf32>
    %broadcast_in_dim3A_113 = vector.broadcast %broadcast_in_dim3A_112 : vector<64x1x16xf32> to vector<64x32x16xf32>
    %reshape3A_114 = vector.shape_cast %broadcast_in_dim3A_113 : vector<64x32x16xf32> to vector<2048x16xf32>
    %add3A_115 = arith.addf %dot_general3A_32, %reshape3A_114 : vector<2048x16xf32>
    %sub3A_116 = arith.subf %add3A_115, %dot_general3A_107 : vector<2048x16xf32>
    %max3A_117 = arith.constant 9.99999993E-9 : f32
    %max3A_118 = vector.broadcast %max3A_117 : f32 to vector<2048x16xf32>
    %max3A_119 = arith.maximumf %sub3A_116, %max3A_118 : vector<2048x16xf32>
    %div3A_120 = arith.divf %dot_general3A_107, %max3A_119 : vector<2048x16xf32>
    %jit3A_121 = arith.constant -1.000000e+30 : f32
    %broadcast_in_dim3A_122 = vector.broadcast %jit3A_121 : f32 to vector<2048x16xf32>
    %select_n3A_123 = arith.select %lt3A_56, %div3A_120, %broadcast_in_dim3A_122 : vector<2048x16xi1>, vector<2048x16xf32>
    %reshape3A_124 = vector.shape_cast %select_n3A_123 : vector<2048x16xf32> to vector<64x32x16xf32>
    %reduce_max3A_125 = arith.constant dense<0xFF800000> : vector<64x16xf32>
    %reduce_max3A_126 = vector.multi_reduction <maximumf>, %reshape3A_124, %reduce_max3A_125 [1] : vector<64x32x16xf32> to vector<64x16xf32>
    %broadcast_in_dim3A_127 = vector.shape_cast %reduce_max3A_126 : vector<64x16xf32> to vector<64x1x16xf32>
    %sub3A_128 = vector.broadcast %broadcast_in_dim3A_127 : vector<64x1x16xf32> to vector<64x32x16xf32>
    %sub3A_129 = arith.subf %reshape3A_124, %sub3A_128 : vector<64x32x16xf32>
    %exp3A_130 = math.exp %sub3A_129 : vector<64x32x16xf32>
    %reduce_sum3A_131 = arith.constant dense<0.000000e+00> : vector<64x16xf32>
    %reduce_sum3A_132 = vector.multi_reduction <add>, %exp3A_130, %reduce_sum3A_131 [1] : vector<64x32x16xf32> to vector<64x16xf32>
    %broadcast_in_dim3A_133 = vector.shape_cast %reduce_sum3A_132 : vector<64x16xf32> to vector<64x1x16xf32>
    %div3A_134 = vector.broadcast %broadcast_in_dim3A_133 : vector<64x1x16xf32> to vector<64x32x16xf32>
    %div3A_135 = arith.divf %exp3A_130, %div3A_134 : vector<64x32x16xf32>
    %reshape3A_136 = vector.shape_cast %div3A_135 : vector<64x32x16xf32> to vector<2048x16xf32>
    %reshape3A_137 = vector.shape_cast %reshape3A_136 : vector<2048x16xf32> to vector<2048x16x1xf32>
    %broadcast_in_dim3A_138 = vector.shape_cast %reshape3A_137 : vector<2048x16x1xf32> to vector<2048x16x1xf32>
    %broadcast_in_dim3A_139 = vector.broadcast %broadcast_in_dim3A_138 : vector<2048x16x1xf32> to vector<2048x16x32xf32>
    %reshape3A_140 = vector.shape_cast %broadcast_in_dim3A_139 : vector<2048x16x32xf32> to vector<2048x512xf32>
    %mul3A_141 = arith.mulf %reshape3A_140, %dot_general3A_5 : vector<2048x512xf32>
    %reshape3A_142 = vector.shape_cast %mul3A_141 : vector<2048x512xf32> to vector<64x32x512xf32>
    %reduce_sum3A_143 = arith.constant dense<0.000000e+00> : vector<64x512xf32>
    %reduce_sum3A_144 = vector.multi_reduction <add>, %reshape3A_142, %reduce_sum3A_143 [1] : vector<64x32x512xf32> to vector<64x512xf32>
    %reshape3A_145 = vector.shape_cast %reduce_sum3A_144 : vector<64x512xf32> to vector<64x1x512xf32>
    %broadcast_in_dim3A_146 = vector.shape_cast %reshape3A_145 : vector<64x1x512xf32> to vector<64x1x512xf32>
    %broadcast_in_dim3A_147 = vector.broadcast %broadcast_in_dim3A_146 : vector<64x1x512xf32> to vector<64x32x512xf32>
    %reshape3A_148 = vector.shape_cast %broadcast_in_dim3A_147 : vector<64x32x512xf32> to vector<2048x512xf32>
    %mul3A_149 = arith.mulf %dot_general3A_5, %reshape3A_148 : vector<2048x512xf32>
    %dot_general3A_150 = arith.constant dense<0.000000e+00> : vector<2048x16xf32>
    %dot_general3A_151 = tpu.matmul %mul3A_149, %convert_element_type3A_30, %dot_general3A_150 {dimension_numbers = #tpu.dot_dimension_numbers<[1], [0], [0], [1], [0, 0, 1, 1], [], []>, transpose_lhs_hint = false} : vector<2048x512xf32>, vector<512x16xf32>, vector<2048x16xf32> -> vector<2048x16xf32>
    %mul3A_152 = arith.mulf %reduce_sum3A_144, %reduce_sum3A_144 : vector<64x512xf32>
    %dot_general3A_153 = arith.constant dense<0.000000e+00> : vector<64x16xf32>
    %dot_general3A_154 = tpu.matmul %mul3A_152, %convert_element_type3A_30, %dot_general3A_153 {dimension_numbers = #tpu.dot_dimension_numbers<[1], [0], [0], [1], [0, 0, 1, 1], [], []>, transpose_lhs_hint = false} : vector<64x512xf32>, vector<512x16xf32>, vector<64x16xf32> -> vector<64x16xf32>
    %reshape3A_155 = vector.shape_cast %dot_general3A_154 : vector<64x16xf32> to vector<64x1x16xf32>
    %broadcast_in_dim3A_156 = vector.shape_cast %reshape3A_155 : vector<64x1x16xf32> to vector<64x1x16xf32>
    %broadcast_in_dim3A_157 = vector.broadcast %broadcast_in_dim3A_156 : vector<64x1x16xf32> to vector<64x32x16xf32>
    %reshape3A_158 = vector.shape_cast %broadcast_in_dim3A_157 : vector<64x32x16xf32> to vector<2048x16xf32>
    %add3A_159 = arith.addf %dot_general3A_32, %reshape3A_158 : vector<2048x16xf32>
    %sub3A_160 = arith.subf %add3A_159, %dot_general3A_151 : vector<2048x16xf32>
    %max3A_161 = arith.constant 9.99999993E-9 : f32
    %max3A_162 = vector.broadcast %max3A_161 : f32 to vector<2048x16xf32>
    %max3A_163 = arith.maximumf %sub3A_160, %max3A_162 : vector<2048x16xf32>
    %div3A_164 = arith.divf %dot_general3A_151, %max3A_163 : vector<2048x16xf32>
    %jit3A_165 = arith.constant -1.000000e+30 : f32
    %broadcast_in_dim3A_166 = vector.broadcast %jit3A_165 : f32 to vector<2048x16xf32>
    %select_n3A_167 = arith.select %lt3A_56, %div3A_164, %broadcast_in_dim3A_166 : vector<2048x16xi1>, vector<2048x16xf32>
    %reshape3A_168 = vector.shape_cast %select_n3A_167 : vector<2048x16xf32> to vector<64x32x16xf32>
    %reduce_max3A_169 = arith.constant dense<0xFF800000> : vector<64x16xf32>
    %reduce_max3A_170 = vector.multi_reduction <maximumf>, %reshape3A_168, %reduce_max3A_169 [1] : vector<64x32x16xf32> to vector<64x16xf32>
    %broadcast_in_dim3A_171 = vector.shape_cast %reduce_max3A_170 : vector<64x16xf32> to vector<64x1x16xf32>
    %sub3A_172 = vector.broadcast %broadcast_in_dim3A_171 : vector<64x1x16xf32> to vector<64x32x16xf32>
    %sub3A_173 = arith.subf %reshape3A_168, %sub3A_172 : vector<64x32x16xf32>
    %exp3A_174 = math.exp %sub3A_173 : vector<64x32x16xf32>
    %reduce_sum3A_175 = arith.constant dense<0.000000e+00> : vector<64x16xf32>
    %reduce_sum3A_176 = vector.multi_reduction <add>, %exp3A_174, %reduce_sum3A_175 [1] : vector<64x32x16xf32> to vector<64x16xf32>
    %broadcast_in_dim3A_177 = vector.shape_cast %reduce_sum3A_176 : vector<64x16xf32> to vector<64x1x16xf32>
    %div3A_178 = vector.broadcast %broadcast_in_dim3A_177 : vector<64x1x16xf32> to vector<64x32x16xf32>
    %div3A_179 = arith.divf %exp3A_174, %div3A_178 : vector<64x32x16xf32>
    %reshape3A_180 = vector.shape_cast %div3A_179 : vector<64x32x16xf32> to vector<2048x16xf32>
    %reshape3A_181 = vector.shape_cast %reshape3A_180 : vector<2048x16xf32> to vector<2048x16x1xf32>
    %broadcast_in_dim3A_182 = vector.shape_cast %reshape3A_181 : vector<2048x16x1xf32> to vector<2048x16x1xf32>
    %broadcast_in_dim3A_183 = vector.broadcast %broadcast_in_dim3A_182 : vector<2048x16x1xf32> to vector<2048x16x32xf32>
    %reshape3A_184 = vector.shape_cast %broadcast_in_dim3A_183 : vector<2048x16x32xf32> to vector<2048x512xf32>
    %mul3A_185 = arith.mulf %reshape3A_184, %dot_general3A_5 : vector<2048x512xf32>
    %reshape3A_186 = vector.shape_cast %mul3A_185 : vector<2048x512xf32> to vector<64x32x512xf32>
    %reduce_sum3A_187 = arith.constant dense<0.000000e+00> : vector<64x512xf32>
    %reduce_sum3A_188 = vector.multi_reduction <add>, %reshape3A_186, %reduce_sum3A_187 [1] : vector<64x32x512xf32> to vector<64x512xf32>
    %mul3A_189 = arith.mulf %reduce_sum3A_188, %reduce_sum3A_188 : vector<64x512xf32>
    %dot_general3A_190 = arith.constant dense<0.000000e+00> : vector<64x16xf32>
    %dot_general3A_191 = tpu.matmul %mul3A_189, %convert_element_type3A_30, %dot_general3A_190 {dimension_numbers = #tpu.dot_dimension_numbers<[1], [0], [0], [1], [0, 0, 1, 1], [], []>, transpose_lhs_hint = false} : vector<64x512xf32>, vector<512x16xf32>, vector<64x16xf32> -> vector<64x16xf32>
    %add3A_192 = arith.constant 1.000000e+00 : f32
    %add3A_193 = vector.broadcast %add3A_192 : f32 to vector<64x16xf32>
    %add3A_194 = arith.addf %add3A_193, %dot_general3A_191 : vector<64x16xf32>
    %div3A_195 = arith.divf %dot_general3A_191, %add3A_194 : vector<64x16xf32>
    %add3A_196 = arith.constant 9.99999993E-9 : f32
    %add3A_197 = vector.broadcast %add3A_196 : f32 to vector<64x16xf32>
    %add3A_198 = arith.addf %dot_general3A_191, %add3A_197 : vector<64x16xf32>
    %sqrt3A = math.sqrt %add3A_198 : vector<64x16xf32>
    %div3A_199 = arith.divf %div3A_195, %sqrt3A : vector<64x16xf32>
    %reshape3A_200 = vector.shape_cast %div3A_199 : vector<64x16xf32> to vector<64x16x1xf32>
    %broadcast_in_dim3A_201 = vector.shape_cast %reshape3A_200 : vector<64x16x1xf32> to vector<64x16x1xf32>
    %broadcast_in_dim3A_202 = vector.broadcast %broadcast_in_dim3A_201 : vector<64x16x1xf32> to vector<64x16x32xf32>
    %reshape3A_203 = vector.shape_cast %broadcast_in_dim3A_202 : vector<64x16x32xf32> to vector<64x512xf32>
    %mul3A_204 = arith.mulf %reduce_sum3A_188, %reshape3A_203 : vector<64x512xf32>
    %get3A_205 = arith.constant 0 : index
    %get3A_206 = arith.constant 0 : index
    %get3A_207 = vector.load %arg2[%get3A_205, %get3A_206] : memref<512x128xf32, #tpu.memory_space<vmem>>, vector<512x128xf32>
    %dot_general3A_208 = arith.constant dense<0.000000e+00> : vector<64x128xf32>
    %dot_general3A_209 = tpu.matmul %mul3A_204, %get3A_207, %dot_general3A_208 {dimension_numbers = #tpu.dot_dimension_numbers<[1], [0], [0], [1], [0, 0, 1, 1], [], []>, transpose_lhs_hint = false} : vector<64x512xf32>, vector<512x128xf32>, vector<64x128xf32> -> vector<64x128xf32>
    %get3A_210 = arith.constant 0 : index
    %get3A_211 = arith.constant 0 : index
    %get3A_212 = vector.load %arg3[%get3A_210, %get3A_211] : memref<1x128xf32, #tpu.memory_space<vmem>>, vector<1x128xf32>
    %add3A_213 = vector.broadcast %get3A_212 : vector<1x128xf32> to vector<64x128xf32>
    %add3A_214 = arith.addf %dot_general3A_209, %add3A_213 : vector<64x128xf32>
    %max3A_215 = arith.constant 0.000000e+00 : f32
    %max3A_216 = vector.broadcast %max3A_215 : f32 to vector<64x128xf32>
    %max3A_217 = arith.maximumf %add3A_214, %max3A_216 : vector<64x128xf32>
    %get3A_218 = arith.constant 0 : index
    %get3A_219 = arith.constant 0 : index
    %get3A_220 = vector.load %arg4[%get3A_218, %get3A_219] : memref<128x10xf32, #tpu.memory_space<vmem>>, vector<128x10xf32>
    %dot_general3A_221 = arith.constant dense<0.000000e+00> : vector<64x10xf32>
    %dot_general3A_222 = tpu.matmul %max3A_217, %get3A_220, %dot_general3A_221 {dimension_numbers = #tpu.dot_dimension_numbers<[1], [0], [0], [1], [0, 0, 1, 1], [], []>, transpose_lhs_hint = false} : vector<64x128xf32>, vector<128x10xf32>, vector<64x10xf32> -> vector<64x10xf32>
    %get3A_223 = arith.constant 0 : index
    %get3A_224 = arith.constant 0 : index
    %get3A_225 = vector.load %arg5[%get3A_223, %get3A_224] : memref<1x10xf32, #tpu.memory_space<vmem>>, vector<1x10xf32>
    %add3A_226 = vector.broadcast %get3A_225 : vector<1x10xf32> to vector<64x10xf32>
    %add3A_227 = arith.addf %dot_general3A_222, %add3A_226 : vector<64x10xf32>
    %reduce_max3A_228 = arith.constant dense<0xFF800000> : vector<64xf32>
    %reduce_max3A_229 = vector.multi_reduction <maximumf>, %add3A_227, %reduce_max3A_228 [1] : vector<64x10xf32> to vector<64xf32>
    %broadcast_in_dim3A_230 = vector.shape_cast %reduce_max3A_229 : vector<64xf32> to vector<64x1xf32>
    %sub3A_231 = vector.broadcast %broadcast_in_dim3A_230 : vector<64x1xf32> to vector<64x10xf32>
    %sub3A_232 = arith.subf %add3A_227, %sub3A_231 : vector<64x10xf32>
    %exp3A_233 = math.exp %sub3A_232 : vector<64x10xf32>
    %reduce_sum3A_234 = arith.constant dense<0.000000e+00> : vector<64xf32>
    %reduce_sum3A_235 = vector.multi_reduction <add>, %exp3A_233, %reduce_sum3A_234 [1] : vector<64x10xf32> to vector<64xf32>
    %broadcast_in_dim3A_236 = vector.shape_cast %reduce_sum3A_235 : vector<64xf32> to vector<64x1xf32>
    %log3A = math.log %broadcast_in_dim3A_236 : vector<64x1xf32>
    %add3A_237 = arith.addf %broadcast_in_dim3A_230, %log3A : vector<64x1xf32>
    %sub3A_238 = vector.broadcast %add3A_237 : vector<64x1xf32> to vector<64x10xf32>
    %sub3A_239 = arith.subf %add3A_227, %sub3A_238 : vector<64x10xf32>
    %swap3A = arith.constant 0 : index
    %swap3A_240 = arith.constant 0 : index
    %swap3A_241 = vector.load %arg6[%swap3A, %swap3A_240] : memref<64x10xf32, #tpu.memory_space<vmem>>, vector<64x10xf32>
    tpu.vector_store %arg6[%swap3A, %swap3A_240], %sub3A_239 {strides = array<i32>} : memref<64x10xf32, #tpu.memory_space<vmem>>, vector<64x10xf32>,
    return
  }
}

</mosaic_0001>

<sc_bundles>
// kernel: kernel.15.cloned.1.call-start
scs
__scs_entry_jumppad:
0x0: {  	(pc) =	sbr.rel $0x88, $3  }
0x1: {  	(tag) =	ssettag $0x0;
	lr =	simm.s32 $0x1  }
0x2: {  	[smem:$0x3F91] =	sst lr;
	_ =	strace $0xD0000000  }
0x3: {  	_ = 	snop  }
0x4: {  	_ = 	snop  }
0x5: {  	_ = 	snop  }
0x6: {  	_ = 	snop  }
0x7: {  	_ = 	snop  }
__scs_overlays_trampoline_lowered:
0x8: {  	[smem:$0x3FA0] =	sst s0  }
0x9: {  	[smem:$0x3FA1] =	sst s1  }
0xa: {  	[smem:$0x3FA2] =	sst s2  }
0xb: {  	[smem:$0x3FA3] =	sst s3  }
0xc: {  	[smem:$0x3FA4] =	sst s4  }
0xd: {  	[smem:$0x3FA5] =	sst s5  }
0xe: {  	[smem:$0x3FA6] =	sst s6  }
0xf: {  	[smem:$0x3FA7] =	sst s7  }
0x10: {  	[smem:$0x3FA8] =	sst s8  }
0x11: {  	[smem:$0x3FA9] =	sst s9;
	s0 =	simm.s32 @!p0 $0x0  }
0x12: {  	s1 =	sld [smem:$0x3F8F];
	s0 =	simm.s32 @p0 $0x1  }
0x13: {  	[smem:$0x3FAA] =	sst s0;
	s0 =	simm.s32 @!p1 $0x0  }
0x14: {  	s2 =	sld [smem:$0x3F8E];
	s0 =	simm.s32 @p1 $0x1  }
0x15: {  	[smem:$0x3FAB] =	sst s0;
	s0 =	simm.s32 @!p2 $0x0  }
0x16: {  	s3 =	sld [smem:$0x3FDB];
	s0 =	simm.s32 @p2 $0x1  }
0x17: {  	s4 =	simm.s32 $0x1BF5;
	[smem:$0x3FAD] =	sst s0  }
0x18: {  	s0 =	sld [smem:$0x3F90];
	_ =	swait.ge [sflag:s4], $0x0  }
0x19: {  	s7 =	sld [smem:$0x3F91]  }
0x1a: {  	s8 =	sadd.s32 $0xFFFFE003, lr  }
0x1b: {  	s9 =	sadd.s32 $0xFFFFFEF7, lr;
	s5 =	simm.s32 $0xFFFFFFFF;
	p2 =	slt.u32 s8, $0xFFFFF086  }
0x1c: {  	p1 =	slt.u32 s9, $0xF7A;
	s5 =	simm.s32 @!p2 $0x0  }
0x1d: {  	s5 =	simm.s32 @p1 $0x1;
	p0 =	seq.s32 s7, s2  }
0x1e: {  	s7 =	smul.u32 @!p0 $0xF7A, s2;
	p2 =	seq.s32 @!p0 s5, $0x0  }
0x1f: {  	s9 =	smul.u32 $0xF7A, s1;
	s8 =	simm.s32 @!p0 $0x1BF5;
	p2 =	por !p2, p0  }
0x20: {  	[sflag:s8] =	ssyncset.s32 @!p0 $0xFFFFF086;
	s6 =	sadd.s32 @!p0 s3, s7;
	s7 =	simm.s32 @!p0 $0x108  }
0x21: {  	s3 =	sadd.s32 s3, s9;
	s6 =	sadd.s32 @!p0 $0x88, s6;
	s7 =	simm.s32 @p2 $0x1082  }
0x22: {  	[simem:s7], [sflag:s8] =	dma.local @!p0 [hbm:s6], $0xF7A  }
0x23: {  	s9 =	sor.u32 $0xD0000000, s2;
	s6 =	simm.s32 $0x108;
	_ =	swait.ge @!p0 [sflag:s8], $0x0  }
0x24: {  	s3 =	sadd.s32 $0x88, s3;
	s6 =	simm.s32 @!p1 $0x1082;
	[sflag:s4] =	ssyncset.s32 $0xFFFFF086  }
0x25: {  	[simem:s6], [sflag:s4] =	dma.local [hbm:s3], $0xF7A  }
0x26: {  	[smem:$0x3F91] =	sst s1;
	(tag) =	ssettag s2;
	_ =	strace s9  }
0x27: {  	s1 =	sld [smem:$0x3FA1]  }
0x28: {  	s2 =	sld [smem:$0x3FA2]  }
0x29: {  	s4 =	sld [smem:$0x3FA4]  }
0x2a: {  	p0 =	seq.s32 s5, $0x0;
	s5 =	sld [smem:$0x3FA5]  }
0x2b: {  	s6 =	sld [smem:$0x3FA6]  }
0x2c: {  	s7 =	sld [smem:$0x3FA7]  }
0x2d: {  	s3 =	simm.s32 $0x108;
	s8 =	sld [smem:$0x3FA8]  }
0x2e: {  	s3 =	simm.s32 @!p0 $0x1082;
	s9 =	sld [smem:$0x3FA9]  }
0x2f: {  	lr =	sadd.s32 s0, s3;
	s0 =	sld [smem:$0x3FA0]  }
0x30: {  	s3 =	sld [smem:$0x3FA3]  }
0x31: {  	[smem:$0x3FAC] =	sst s10  }
0x32: {  	s10 =	sld [smem:$0x3FAA];
	_ =	sdelay $0x3  }
0x33: {  	p0 =	seq.s32 s10, $0x1;
	s10 =	sld [smem:$0x3FAC];
	_ =	sdelay $0x3  }
0x34: {  	[smem:$0x3FAC] =	sst s10  }
0x35: {  	s10 =	sld [smem:$0x3FAB];
	_ =	sdelay $0x3  }
0x36: {  	p1 =	seq.s32 s10, $0x1;
	s10 =	sld [smem:$0x3FAC];
	_ =	sdelay $0x3  }
0x37: {  	[smem:$0x3FAC] =	sst s10  }
0x38: {  	s10 =	sld [smem:$0x3FAD]  }
0x39: {  	_ = 	snop;
	(pc) =	sbr.ind lr, $3  }
0x3a: {  	_ = 	snop  }
0x3b: {  	_ = 	snop  }
0x3c: {  	p2 =	seq.s32 s10, $0x1;
	s10 =	sld [smem:$0x3FAC]  }
0x3d: {  	_ =	shalt  }
0x3e: {  	_ =	shalt  }
0x3f: {  	_ =	shalt  }
0x40: {  	_ =	shalt  }
0x41: {  	_ =	shalt  }
0x42: {  	_ =	shalt  }
0x43: {  	_ =	shalt  }
0x44: {  	_ =	shalt  }
0x45: {  	_ =	shalt  }
0x46: {  	_ =	shalt  }
0x47: {  	_ =	shalt  }
0x48: {  	_ =	shalt  }
0x49: {  	_ =	shalt  }
0x4a: {  	_ =	shalt  }
0x4b: {  	_ =	shalt  }
0x4c: {  	_ =	shalt  }
0x4d: {  	_ =	shalt  }
0x4e: {  	_ =	shalt  }
0x4f: {  	_ =	shalt  }
0x50: {  	_ =	shalt  }
0x51: {  	_ =	shalt  }
0x52: {  	_ =	shalt  }
0x53: {  	_ =	shalt  }
0x54: {  	_ =	shalt  }
0x55: {  	_ =	shalt  }
0x56: {  	_ =	shalt  }
0x57: {  	_ =	shalt  }
0x58: {  	_ =	shalt  }
0x59: {  	_ =	shalt  }
0x5a: {  	_ =	shalt  }
0x5b: {  	_ =	shalt  }
0x5c: {  	_ =	shalt  }
0x5d: {  	_ =	shalt  }
0x5e: {  	_ =	shalt  }
0x5f: {  	_ =	shalt  }
0x60: {  	_ =	shalt  }
0x61: {  	_ =	shalt  }
0x62: {  	_ =	shalt  }
0x63: {  	_ =	shalt  }
0x64: {  	_ =	shalt  }
0x65: {  	_ =	shalt  }
0x66: {  	_ =	shalt  }
0x67: {  	_ =	shalt  }
0x68: {  	_ =	shalt  }
0x69: {  	_ =	shalt  }
0x6a: {  	_ =	shalt  }
0x6b: {  	_ =	shalt  }
0x6c: {  	_ =	shalt  }
0x6d: {  	_ =	shalt  }
0x6e: {  	_ =	shalt  }
0x6f: {  	_ =	shalt  }
0x70: {  	_ =	shalt  }
0x71: {  	_ =	shalt  }
0x72: {  	_ =	shalt  }
0x73: {  	_ =	shalt  }
0x74: {  	_ =	shalt  }
0x75: {  	_ =	shalt  }
0x76: {  	_ =	shalt  }
0x77: {  	_ =	shalt  }
0x78: {  	_ =	shalt  }
0x79: {  	_ =	shalt  }
0x7a: {  	_ =	shalt  }
0x7b: {  	_ =	shalt  }
0x7c: {  	_ =	shalt  }
0x7d: {  	_ =	shalt  }
0x7e: {  	_ =	shalt  }
0x7f: {  	_ =	shalt  }
0x80: {  	_ =	shalt  }
0x81: {  	_ =	shalt  }
0x82: {  	_ =	shalt  }
0x83: {  	_ =	shalt  }
0x84: {  	_ =	shalt  }
0x85: {  	_ =	shalt  }
0x86: {  	_ =	shalt  }
0x87: {  	_ =	shalt  }
.Lfunc_end0:
.L_simem_size_0:
called_computation_lowered:
.L_overlay_start_0:
0x88: {  	s2 =	sld [smem:$0x3FD9]  }
0x89: {  	s3 =	sld [smem:$0x3FFE];
	_ =	sdelay $0x1  }
0x8a: {  	s1 =	srdreg.scid  }
0x8b: {  	s0 =	sand.u32 $0x1, s1  }
0x8c: {  	s16 =	sshll.u32 s0, $0xA;
	s2 =	sadd.s32 s3, s2  }
0x8d: {  	s2 =	sadd.s32 s2, s16  }
0x8e: {  	[smem:$0x3FB8] =	sst s2  }
0x8f: {  	_ = 	snop  }
0x90: {  	(tm) =	ssettm $0x1  }
0x91: {  	s17 =	sld [smem:$0x3FFB];
	_ =	sdelay $0x3  }
0x92: {  	_ =	strace s17  }
0x93: {  	s2 =	sld [smem:$0x3FFC];
	_ =	sdelay $0x3  }
0x94: {  	_ =	strace s2  }
0x95: {  	s2 =	sld [smem:$0x3FFD];
	_ =	sdelay $0x3  }
0x96: {  	_ =	strace s2  }
0x97: {  	_ =	strace $0x8FFFFFFF  }
0x98: {  	s18 =	sld [smem:$0x3FDB];
	_ =	sdelay $0x1  }
0x99: {  	s19 =	simm.s32 $_scs_section_size  }
0x9a: {  	s4 =	simm.s32 $_size__tile_overlayer_lowered;
	s5 =	simm.s32 $_tile_overlayer_lowered  }
0x9b: {  	s22 =	simm.s32 $0x1BFF;
	s21 =	sshll.u32 s5, $0x1;
	s2 =	sadd.s32 s19, s18  }
0x9c: {  	s6 =	simm.s32 $0x0;
	s20 =	sshll.u32 s4, $0x1;
	s4 =	sadd.s32 s21, s2  }
0x9d: {  	[timem:s6], [sflag:s22] =	dma.local [hbm:s4], s20  }
0x9e: {  	_ =	swait.ge [sflag:s22], s20  }
0x9f: {  	s3 =	ssub.s32 $0x0, s20;
	[sflag:s22] =	ssyncset.done $0x0  }
0xa0: {  	[sflag:s22] =	ssyncadd.s32 s3;
	_ =	sdelay $0x1  }
0xa1: {  	s23 =	simm.s32 $0x1B8B  }
0xa2: {  	_ =	swait.ge [sflag:s23], $0x1  }
0xa3: {  	[sflag:s23] =	ssyncset.done $0x0  }
0xa4: {  	s25 =	simm.s32 $0x1B8E;
	s24 =	sld [smem:$0x3FFE];
	[sflag:s23] =	ssyncadd.s32 $0xFFFFFFFF  }
0xa5: {  	s26 =	simm.s32 $execute0_lowered;
	[smem:$0x3FD2] =	sst s25  }
0xa6: {  	s4 =	sshll.u32 s26, $0x1;
	_ =	strace $0x80000046;
	[dreg:$0x1] =	wrdreg $0xFFFFFFFF  }
0xa7: {  	s28 =	simm.s32 $_size_execute0_lowered;
	s2 =	sadd.s32 s2, s4;
	[dreg:$0x0] =	wrdreg $0x0  }
0xa8: {  	s4 =	sshll.u32 s28, $0x1;
	[dreg:$0x2] =	wrdreg s2  }
0xa9: {  	[dreg:$0x3] =	wrdreg s4  }
0xaa: {  	[dreg:$0x4] =	wrdreg $0xC0  }
0xab: {  	_ =	task [dreg:s6], $0x5FFFF  }
0xac: {  	[dreg:$0x1] =	wrdreg $0xFFFFFFFF  }
0xad: {  	[dreg:$0x0] =	wrdreg $0x60  }
0xae: {  	[dreg:$0x2] =	wrdreg s24  }
0xaf: {  	[dreg:$0x3] =	wrdreg $0x31800  }
0xb0: {  	[dreg:$0x4] =	wrdreg $0x9  }
0xb1: {  	_ =	task.clear_ibuf [dreg:s6], $0x5FFFF;
	_ =	strace $0x90000046  }
0xb2: {  	s29 =	simm.s32 $0x9;
	_ =	strace $0x80000048  }
0xb3: {  	_ =	swait.ge [sflag:s29], $0x1  }
0xb4: {  	[sflag:s29] =	ssyncadd.s32 $0xFFFFFFFF  }
0xb5: {  	_ =	strace $0x90000048  }
0xb6: {  	_ =	sfence  }
0xb7: {  	s30 =	sld [smem:$0x0];
	_ =	sdelay $0x2  }
0xb8: {  	s31 =	sshll.u32 s1, $0xD;
	s1 =	sshrl.u32 s1, $0x2  }
0xb9: {  	s3 =	sand.u32 $0x4000, s31;
	s1 =	sadd.s32 s1, s30  }
0xba: {  	s0 =	sor.u32 s3, s0;
	s1 =	sshll.u32 s1, $0x11  }
0xbb: {  	s0 =	sor.u32 s1, s0  }
0xbc: {  	s0 =	sadd.s32 $0x8F2B, s0  }
0xbd: {  	[sflag:s0] =	ssyncadd.remote.s32 $0x1  }
0xbe: {  	_ =	sfence.sel $0xFFFF  }
0xbf: {  	[dreg:$0x0] =	wrdreg $0xFFFFFFFF;
	(pc) =	sbr.abs _section_cstart, $3  }
0xc0: {  	[dreg:$0x1] =	wrdreg $0xFFFFFFFF  }
0xc1: {  	_ =	task.clear_ibuf [dreg:s6], $0x2FFFF;
	_ =	strace $0x9FFFFFFF  }
0xc2: {  	(tm) =	ssettm $0x7FFFFFFF  }
0xc3: {  	_ =	shalt  }
tec
execute0_lowered:
.L_overlay_start_1:
0x0: {  	(tag) =	ssettag $0x1  }
0x1: {  	s7 =	rddreg [dreg:$0x0]  }
0x2: {  	s2 =	rddreg [dreg:$0x1]  }
0x3: {  	s0 =	rddreg [dreg:$0x2]  }
0x4: {  	s4 =	srdreg.scid;
	s1 =	stileid.u32;
	s3 =	simm.s32 $0x0  }
0x5: {  	s14 =	simm.s32 $0x80;
	s15 =	simm.s32 $0x100;
	s16 =	simm.s32 $0x180  }
0x6: {  	s19 =	simm.s32 $0x0;
	s9 =	sand.u32 $0x1, s4;
	s8 =	smul.u32 $0x2800, s1  }
0x7: {  	[smem:$0x7FF] =	sst s3;
	s4 =	sadd.s32 $0xE800, s7;
	s5 =	sadd.s32 $0x4A00, s7  }
0x8: {  	s29 =	sshll.u32 s1, $0x1;
	s31 =	sshll.u32 s1, $0x8;
	s17 =	sshll.u32 s1, $0x6  }
0x9: {  	s6 =	smul.u32 $0x28000, s9;
	_ =	strace $0x80000047;
	s11 =	ssub.s32 $0x2, s9  }
0xa: {  	s30 =	sor.u32 s29, s9;
	s13 =	sshll.u32 s9, $0x7;
	s17 =	sor.u32 $0x1C01, s17  }
0xb: {  	s12 =	sshrl.u32 s11, $0x1;
	s10 =	sadd.s32 s8, s6;
	s6 =	sadd.s32 $0x22600, s7  }
0xc: {  	s11 =	ssub.s32 s11, s12;
	s12 =	simm.s32 $0x980;
	s10 =	sshrl.u32 s10, $0x3  }
0xd: {  	s9 =	smax.u32 s11, $0x1;
	s11 =	sor.u32 s13, s31;
	s10 =	sadd.s32 s10, s7  }
0xe: {  	s7 =	sadd.s32 s8, s2;
	s8 =	sadd.s32 $0x18600, s10;
	s10 =	ssub.s32 $0x9E3, s30  }
0xf: {  	v0 =	vimm.f32 $1.000000000e+00;
	v1 =	vimm.f32 $0.0e+00;
	s13 =	simm.s32 $0x1;
	s18 =	sshrl.u32 s7, $0x3;
	s10 =	sshrl.u32 s10, $0x5  }
.LBB2_1:
0x10: {  	s20 =	simm.s32 $0x0  }
.LBB2_2:
0x11: {  	p0 =	sne.s32 s20, $0x1FC0  }
.Ltmp0:
0x12: {  	_ = 	snop;
	(pc) =	sbr.rel @p0 .LBB2_2-.Ltmp0, $3  }
0x13: {  	_ =	sdelay $0x1  }
0x14: {  	s21 =	sshra.s32 s20, $0x2  }
0x15: {  	s20 =	sadd.s32 $0x40, s20;
	[tilespmem:s21+$0x180] =	vst v0  }
0x16: {  	s20 =	simm.s32 $0x40;
	s21 =	simm.s32 $0x0  }
.LBB2_4:
0x17: {  	p0 =	sne.s32 s20, $0x9FC0;
	[tilespmem:s21+$0x980] =	vst v1;
	s21 =	smov.u32 s20;
	s20 =	sadd.s32 $0x40, s20  }
.Ltmp1:
0x18: {  	(pc) =	sbr.rel @p0 .LBB2_4-.Ltmp1, $2  }
0x19: {  	_ =	sdelay $0x2  }
0x1a: {  	s21 =	sshra.s32 s21, $0x2  }
0x1b: {  	[tilespmem:s21+$0x980] =	vst v1  }
0x1c: {  	[spmem:s7] =	stream.linear.scatter [tilespmem:s12], [sflag:$0x1], $0x2800, $0x38;
	[tilespmem:$0x5980] =	vst v63  }
0x1d: {  	_ =	swait.ge [sflag:s13], $0x2800  }
0x1e: {  	[sflag:s13] =	ssyncset.done $0x0  }
0x1f: {  	s20 =	sshrl.u32 s11, $0x3;
	[sflag:s13] =	ssyncadd.s32 $0xFFFFD800  }
0x20: {  	s30 =	sadd.s32 s4, s20;
	[bflag:$0x0] =	sbarrier.arrive $0xFFFF  }
0x21: {  	[tilespmem:s3], [sflag:$0x1] =	stream.linear.gather [hbm4b:s30+s3], $0x80, $0x38;
	[tilespmem:$0x5980] =	vst v63  }
0x22: {  	_ =	swait.ge [sflag:s13], $0x80  }
0x23: {  	[sflag:s13] =	ssyncset.done $0x0  }
0x24: {  	s31 =	sadd.s32 s5, s20;
	[sflag:s13] =	ssyncadd.s32 $0xFFFFFF80  }
0x25: {  	[tilespmem:s14], [sflag:$0x1] =	stream.linear.gather [hbm4b:s31+s3], $0x80, $0x38;
	[tilespmem:$0x5980] =	vst v63  }
0x26: {  	_ =	swait.ge [sflag:s13], $0x80  }
0x27: {  	[sflag:s13] =	ssyncset.done $0x0  }
0x28: {  	[sflag:s13] =	ssyncadd.s32 $0xFFFFFF80  }
0x29: {  	v2 =	vld [tilespmem:$0xE0]  }
0x2a: {  	v3 =	vld [tilespmem:$0xD0]  }
0x2b: {  	v5 =	vld [tilespmem:$0xB0]  }
0x2c: {  	v13 =	vld [tilespmem:$0xA0]  }
0x2d: {  	v10 =	vld [tilespmem:$0x30]  }
0x2e: {  	v7 =	vld [tilespmem:$0x50]  }
0x2f: {  	v4 =	vld [tilespmem:$0x20]  }
0x30: {  	p0 =	sne.s32 s10, $0x1;
	v6 =	vld [tilespmem:$0xC0]  }
.Ltmp2:
0x31: {  	v9 =	vld [tilespmem:$0x0];
	(pc) =	sbr.rel @!p0 .LBB2_7-.Ltmp2, $4  }
0x32: {  	v12 =	vld [tilespmem:$0x40]  }
0x33: {  	v8 =	vld [tilespmem:$0x80]  }
0x34: {  	v11 =	vld [tilespmem:$0x60];
	vm0 =	veq.s32 v4, v13  }
0x35: {  	s21 =	sadd.s32 $0xFFFFFFFF, s10;
	s22 =	smov.u32 s11;
	v4 =	vld [tilespmem:$0x90];
	v13 =	vsel vm0, $0x2710, v13  }
.LBB2_6:
0x36: {  	p0 =	sne.s32 s21, $0x1;
	s21 =	sadd.s32 $0xFFFFFFFF, s21;
	v14 =	vld [tilespmem:$0xF0];
	s22 =	sadd.s32 $0x1000, s22  }
0x37: {  	vm0 =	veq.s32 v10, v5;
	[tilespmem:$0x120] =	vst v13;
	vm1 =	veq.s32 v12, v6;
	v10 =	vld [tilespmem:$0x70]  }
0x38: {  	v5 =	vsel vm0, $0x2710, v5;
	vm0 =	veq.s32 v7, v3;
	vm2 =	veq.s32 v9, v8;
	v9 =	vld [tilespmem:$0x10]  }
0x39: {  	v7 =	vsel vm2, $0x2710, v8;
	[tilespmem:$0x130] =	vst v5;
	v5 =	vsel vm1, $0x2710, v6;
	vm1 =	veq.s32 v11, v2  }
0x3a: {  	v3 =	vsel vm0, $0x2710, v3;
	[tilespmem:$0x140] =	vst v5;
	v2 =	vsel vm1, $0x2710, v2  }
0x3b: {  	[tilespmem:$0x150] =	vst v3  }
0x3c: {  	[tilespmem:$0x160] =	vst v2;
	vm0 =	veq.s32 v10, v14  }
0x3d: {  	[tilespmem:$0x100] =	vst v7;
	vm1 =	veq.s32 v9, v4;
	v2 =	vsel vm0, $0x2710, v14  }
0x3e: {  	v3 =	vsel vm1, $0x2710, v4;
	[tilespmem:$0x170] =	vst v2  }
0x3f: {  	s20 =	sadd.s32 s6, s20;
	[tilespmem:$0x110] =	vst v3  }
0x40: {  	[hbm4b:s20+s3] =	stream.linear.scatter [tilespmem:s15], [sflag:$0x1], $0x80, $0x38;
	[tilespmem:$0x5980] =	vst v63  }
0x41: {  	_ =	swait.ge [sflag:s13], $0x80  }
0x42: {  	[sflag:s13] =	ssyncset.done $0x0  }
0x43: {  	s20 =	sshrl.u32 s22, $0x3;
	[sflag:s13] =	ssyncadd.s32 $0xFFFFFF80  }
0x44: {  	[spmem:s2] =	stream.indirect.scatter.add.f32 [tilespmem:s16], [sflag:$0x1], $0x10, s15, s14, $0xb8;
	[tilespmem:$0x5980] =	vst v63  }
0x45: {  	s23 =	sadd.s32 s4, s20;
	_ =	swait.ge [sflag:s13], $0x800  }
0x46: {  	[sflag:s13] =	ssyncset.done $0x0  }
0x47: {  	[sflag:s13] =	ssyncadd.s32 $0xFFFFF800  }
0x48: {  	[tilespmem:s3], [sflag:$0x1] =	stream.linear.gather [hbm4b:s23+s3], $0x80, $0x38;
	[tilespmem:$0x5980] =	vst v63  }
0x49: {  	s23 =	sadd.s32 s5, s20;
	_ =	swait.ge [sflag:s13], $0x80  }
0x4a: {  	[sflag:s13] =	ssyncset.done $0x0  }
0x4b: {  	[sflag:s13] =	ssyncadd.s32 $0xFFFFFF80  }
0x4c: {  	[tilespmem:s14], [sflag:$0x1] =	stream.linear.gather [hbm4b:s23+s3], $0x80, $0x38;
	[tilespmem:$0x5980] =	vst v63  }
0x4d: {  	_ =	swait.ge [sflag:s13], $0x80  }
0x4e: {  	[sflag:s13] =	ssyncset.done $0x0  }
0x4f: {  	[sflag:s13] =	ssyncadd.s32 $0xFFFFFF80  }
0x50: {  	v2 =	vld [tilespmem:$0xE0]  }
0x51: {  	v3 =	vld [tilespmem:$0xD0]  }
0x52: {  	v5 =	vld [tilespmem:$0xB0]  }
0x53: {  	v13 =	vld [tilespmem:$0xA0]  }
0x54: {  	v10 =	vld [tilespmem:$0x30]  }
0x55: {  	v7 =	vld [tilespmem:$0x50]  }
0x56: {  	v4 =	vld [tilespmem:$0x20]  }
0x57: {  	v6 =	vld [tilespmem:$0xC0]  }
.Ltmp3:
0x58: {  	v9 =	vld [tilespmem:$0x0];
	(pc) =	sbr.rel @p0 .LBB2_6-.Ltmp3, $4  }
0x59: {  	v12 =	vld [tilespmem:$0x40]  }
0x5a: {  	v8 =	vld [tilespmem:$0x80]  }
0x5b: {  	vm0 =	veq.s32 v4, v13;
	v11 =	vld [tilespmem:$0x60]  }
0x5c: {  	v4 =	vld [tilespmem:$0x90];
	v13 =	vsel vm0, $0x2710, v13  }
.LBB2_7:
0x5d: {  	v14 =	vld [tilespmem:$0xF0]  }
0x5e: {  	vm0 =	veq.s32 v10, v5;
	v61 =	vld [tilespmem:$0x70]  }
0x5f: {  	[tilespmem:$0x120] =	vst v13;
	v62 =	vld [tilespmem:$0x10];
	vm11 =	veq.s32 v7, v3;
	v5 =	vsel vm0, $0x2710, v5  }
0x60: {  	vm1 =	veq.s32 v12, v6;
	v3 =	vsel vm11, $0x2710, v3;
	[tilespmem:$0x130] =	vst v5  }
0x61: {  	v63 =	vsel vm1, $0x2710, v6;
	vm13 =	veq.s32 v9, v8;
	[tilespmem:$0x150] =	vst v3  }
0x62: {  	vm12 =	veq.s32 v11, v2;
	[tilespmem:$0x140] =	vst v63;
	v3 =	vsel vm13, $0x2710, v8  }
0x63: {  	v2 =	vsel vm12, $0x2710, v2;
	[tilespmem:$0x100] =	vst v3;
	vm14 =	veq.s32 v61, v14  }
0x64: {  	[tilespmem:$0x160] =	vst v2;
	vm15 =	veq.s32 v62, v4;
	v2 =	vsel vm14, $0x2710, v14  }
0x65: {  	v3 =	vsel vm15, $0x2710, v4;
	[tilespmem:$0x170] =	vst v2  }
0x66: {  	s20 =	sadd.s32 s6, s20;
	[tilespmem:$0x110] =	vst v3  }
0x67: {  	[hbm4b:s20+s3] =	stream.linear.scatter [tilespmem:s15], [sflag:$0x1], $0x80, $0x38;
	[tilespmem:$0x5980] =	vst v63  }
0x68: {  	_ =	swait.ge [sflag:s13], $0x80  }
0x69: {  	[sflag:s13] =	ssyncset.done $0x0  }
0x6a: {  	[sflag:s13] =	ssyncadd.s32 $0xFFFFFF80  }
0x6b: {  	[spmem:s2] =	stream.indirect.scatter.add.f32 [tilespmem:s16], [sflag:$0x1], $0x10, s15, s14, $0xb8;
	[tilespmem:$0x5980] =	vst v63  }
0x6c: {  	_ =	swait.ge [sflag:s13], $0x800  }
0x6d: {  	s19 =	sadd.s32 $0x1, s19;
	[sflag:s13] =	ssyncset.done $0x0  }
0x6e: {  	p0 =	sne.s32 s19, s9;
	[sflag:s13] =	ssyncadd.s32 $0xFFFFF800  }
.Ltmp4:
0x6f: {  	[bflag:$0x0] =	sbarrier.arrive $0xFFFF;
	(pc) =	sbr.rel @p0 .LBB2_1-.Ltmp4, $4  }
0x70: {  	[hbm:s8], [sflag:s17] =	dma.local [spmem:s18], $0x500  }
0x71: {  	_ =	swait.ge [sflag:s13], $0x500  }
0x72: {  	[sflag:s13] =	ssyncset.done $0x0  }
0x73: {  	[sflag:s13] =	ssyncadd.s32 $0xFFFFFB00  }
0x74: {  	_ =	sfence.sel $0x180000  }
0x75: {  	[bflag:$0x0] =	sbarrier.arrive $0xFFFF  }
0x76: {  	p0 =	sne.s32 s1, $0x0;
	_ =	strace $0x90000047  }
0x77: {  	s0 =	sadd.s32 @!p0 $0x100000, s0;
	[bflag:$0x2] =	sbarrier.arrive $0xFFFF  }
0x78: {  	[sflag:s0] =	ssyncadd.tile.s32 @!p0 $0x1;
	_ =	shalt  }
.Lfunc_end2:
_tile_overlayer_lowered:
.L_overlay_start_2:
0x79: {  	(tag) =	ssettag $0x2  }
0x7a: {  	s0 =	rddreg [dreg:$0x0];
	s2 =	stileid.u32  }
0x7b: {  	s1 =	rddreg [dreg:$0x1];
	p0 =	sne.s32 s2, $0x0  }
0x7c: {  	s3 =	rddreg [dreg:$0x2];
	[bflag:$0x3] =	sbarrier.arrive $0xFFFF;
	s2 =	simm.s32 @!p0 $0x1C01  }
0x7d: {  	[timem:s3], [sflag:s2] =	dma.local @!p0 [hbm:s0], s1  }
0x7e: {  	s0 =	simm.s32 @!p0 $0x1  }
0x7f: {  	_ =	swait.ge @!p0 [sflag:s0], s1  }
0x80: {  	s1 =	ssub.s32 @!p0 $0x0, s1;
	[sflag:s0] =	ssyncset.done @!p0 $0x0  }
0x81: {  	[sflag:s0] =	ssyncadd.s32 @!p0 s1  }
0x82: {  	[bflag:$0x3] =	sbarrier.arrive $0xFFFF  }
0x83: {  	_ =	shalt  }

// kernel: kernel.18.cloned.1.call-start
scs
__scs_entry_jumppad:
0x0: {  	(pc) =	sbr.rel $0x88, $3  }
0x1: {  	(tag) =	ssettag $0x0;
	lr =	simm.s32 $0x1  }
0x2: {  	[smem:$0x3F91] =	sst lr;
	_ =	strace $0xD0000000  }
0x3: {  	_ = 	snop  }
0x4: {  	_ = 	snop  }
0x5: {  	_ = 	snop  }
0x6: {  	_ = 	snop  }
0x7: {  	_ = 	snop  }
__scs_overlays_trampoline_lowered:
0x8: {  	[smem:$0x3FA0] =	sst s0  }
0x9: {  	[smem:$0x3FA1] =	sst s1  }
0xa: {  	[smem:$0x3FA2] =	sst s2  }
0xb: {  	[smem:$0x3FA3] =	sst s3  }
0xc: {  	[smem:$0x3FA4] =	sst s4  }
0xd: {  	[smem:$0x3FA5] =	sst s5  }
0xe: {  	[smem:$0x3FA6] =	sst s6  }
0xf: {  	[smem:$0x3FA7] =	sst s7  }
0x10: {  	[smem:$0x3FA8] =	sst s8  }
0x11: {  	[smem:$0x3FA9] =	sst s9;
	s0 =	simm.s32 @!p0 $0x0  }
0x12: {  	s1 =	sld [smem:$0x3F8F];
	s0 =	simm.s32 @p0 $0x1  }
0x13: {  	[smem:$0x3FAA] =	sst s0;
	s0 =	simm.s32 @!p1 $0x0  }
0x14: {  	s2 =	sld [smem:$0x3F8E];
	s0 =	simm.s32 @p1 $0x1  }
0x15: {  	[smem:$0x3FAB] =	sst s0;
	s0 =	simm.s32 @!p2 $0x0  }
0x16: {  	s3 =	sld [smem:$0x3FDB];
	s0 =	simm.s32 @p2 $0x1  }
0x17: {  	s4 =	simm.s32 $0x1BF5;
	[smem:$0x3FAD] =	sst s0  }
0x18: {  	s0 =	sld [smem:$0x3F90];
	_ =	swait.ge [sflag:s4], $0x0  }
0x19: {  	s7 =	sld [smem:$0x3F91]  }
0x1a: {  	s8 =	sadd.s32 $0xFFFFE003, lr  }
0x1b: {  	s9 =	sadd.s32 $0xFFFFFEF7, lr;
	s5 =	simm.s32 $0xFFFFFFFF;
	p2 =	slt.u32 s8, $0xFFFFF086  }
0x1c: {  	p1 =	slt.u32 s9, $0xF7A;
	s5 =	simm.s32 @!p2 $0x0  }
0x1d: {  	s5 =	simm.s32 @p1 $0x1;
	p0 =	seq.s32 s7, s2  }
0x1e: {  	s7 =	smul.u32 @!p0 $0xF7A, s2;
	p2 =	seq.s32 @!p0 s5, $0x0  }
0x1f: {  	s9 =	smul.u32 $0xF7A, s1;
	s8 =	simm.s32 @!p0 $0x1BF5;
	p2 =	por !p2, p0  }
0x20: {  	[sflag:s8] =	ssyncset.s32 @!p0 $0xFFFFF086;
	s6 =	sadd.s32 @!p0 s3, s7;
	s7 =	simm.s32 @!p0 $0x108  }
0x21: {  	s3 =	sadd.s32 s3, s9;
	s6 =	sadd.s32 @!p0 $0x88, s6;
	s7 =	simm.s32 @p2 $0x1082  }
0x22: {  	[simem:s7], [sflag:s8] =	dma.local @!p0 [hbm:s6], $0xF7A  }
0x23: {  	s9 =	sor.u32 $0xD0000000, s2;
	s6 =	simm.s32 $0x108;
	_ =	swait.ge @!p0 [sflag:s8], $0x0  }
0x24: {  	s3 =	sadd.s32 $0x88, s3;
	s6 =	simm.s32 @!p1 $0x1082;
	[sflag:s4] =	ssyncset.s32 $0xFFFFF086  }
0x25: {  	[simem:s6], [sflag:s4] =	dma.local [hbm:s3], $0xF7A  }
0x26: {  	[smem:$0x3F91] =	sst s1;
	(tag) =	ssettag s2;
	_ =	strace s9  }
0x27: {  	s1 =	sld [smem:$0x3FA1]  }
0x28: {  	s2 =	sld [smem:$0x3FA2]  }
0x29: {  	s4 =	sld [smem:$0x3FA4]  }
0x2a: {  	p0 =	seq.s32 s5, $0x0;
	s5 =	sld [smem:$0x3FA5]  }
0x2b: {  	s6 =	sld [smem:$0x3FA6]  }
0x2c: {  	s7 =	sld [smem:$0x3FA7]  }
0x2d: {  	s3 =	simm.s32 $0x108;
	s8 =	sld [smem:$0x3FA8]  }
0x2e: {  	s3 =	simm.s32 @!p0 $0x1082;
	s9 =	sld [smem:$0x3FA9]  }
0x2f: {  	lr =	sadd.s32 s0, s3;
	s0 =	sld [smem:$0x3FA0]  }
0x30: {  	s3 =	sld [smem:$0x3FA3]  }
0x31: {  	[smem:$0x3FAC] =	sst s10  }
0x32: {  	s10 =	sld [smem:$0x3FAA];
	_ =	sdelay $0x3  }
0x33: {  	p0 =	seq.s32 s10, $0x1;
	s10 =	sld [smem:$0x3FAC];
	_ =	sdelay $0x3  }
0x34: {  	[smem:$0x3FAC] =	sst s10  }
0x35: {  	s10 =	sld [smem:$0x3FAB];
	_ =	sdelay $0x3  }
0x36: {  	p1 =	seq.s32 s10, $0x1;
	s10 =	sld [smem:$0x3FAC];
	_ =	sdelay $0x3  }
0x37: {  	[smem:$0x3FAC] =	sst s10  }
0x38: {  	s10 =	sld [smem:$0x3FAD]  }
0x39: {  	_ = 	snop;
	(pc) =	sbr.ind lr, $3  }
0x3a: {  	_ = 	snop  }
0x3b: {  	_ = 	snop  }
0x3c: {  	p2 =	seq.s32 s10, $0x1;
	s10 =	sld [smem:$0x3FAC]  }
0x3d: {  	_ =	shalt  }
0x3e: {  	_ =	shalt  }
0x3f: {  	_ =	shalt  }
0x40: {  	_ =	shalt  }
0x41: {  	_ =	shalt  }
0x42: {  	_ =	shalt  }
0x43: {  	_ =	shalt  }
0x44: {  	_ =	shalt  }
0x45: {  	_ =	shalt  }
0x46: {  	_ =	shalt  }
0x47: {  	_ =	shalt  }
0x48: {  	_ =	shalt  }
0x49: {  	_ =	shalt  }
0x4a: {  	_ =	shalt  }
0x4b: {  	_ =	shalt  }
0x4c: {  	_ =	shalt  }
0x4d: {  	_ =	shalt  }
0x4e: {  	_ =	shalt  }
0x4f: {  	_ =	shalt  }
0x50: {  	_ =	shalt  }
0x51: {  	_ =	shalt  }
0x52: {  	_ =	shalt  }
0x53: {  	_ =	shalt  }
0x54: {  	_ =	shalt  }
0x55: {  	_ =	shalt  }
0x56: {  	_ =	shalt  }
0x57: {  	_ =	shalt  }
0x58: {  	_ =	shalt  }
0x59: {  	_ =	shalt  }
0x5a: {  	_ =	shalt  }
0x5b: {  	_ =	shalt  }
0x5c: {  	_ =	shalt  }
0x5d: {  	_ =	shalt  }
0x5e: {  	_ =	shalt  }
0x5f: {  	_ =	shalt  }
0x60: {  	_ =	shalt  }
0x61: {  	_ =	shalt  }
0x62: {  	_ =	shalt  }
0x63: {  	_ =	shalt  }
0x64: {  	_ =	shalt  }
0x65: {  	_ =	shalt  }
0x66: {  	_ =	shalt  }
0x67: {  	_ =	shalt  }
0x68: {  	_ =	shalt  }
0x69: {  	_ =	shalt  }
0x6a: {  	_ =	shalt  }
0x6b: {  	_ =	shalt  }
0x6c: {  	_ =	shalt  }
0x6d: {  	_ =	shalt  }
0x6e: {  	_ =	shalt  }
0x6f: {  	_ =	shalt  }
0x70: {  	_ =	shalt  }
0x71: {  	_ =	shalt  }
0x72: {  	_ =	shalt  }
0x73: {  	_ =	shalt  }
0x74: {  	_ =	shalt  }
0x75: {  	_ =	shalt  }
0x76: {  	_ =	shalt  }
0x77: {  	_ =	shalt  }
0x78: {  	_ =	shalt  }
0x79: {  	_ =	shalt  }
0x7a: {  	_ =	shalt  }
0x7b: {  	_ =	shalt  }
0x7c: {  	_ =	shalt  }
0x7d: {  	_ =	shalt  }
0x7e: {  	_ =	shalt  }
0x7f: {  	_ =	shalt  }
0x80: {  	_ =	shalt  }
0x81: {  	_ =	shalt  }
0x82: {  	_ =	shalt  }
0x83: {  	_ =	shalt  }
0x84: {  	_ =	shalt  }
0x85: {  	_ =	shalt  }
0x86: {  	_ =	shalt  }
0x87: {  	_ =	shalt  }
.Lfunc_end0:
.L_simem_size_0:
called_computation.1_lowered:
.L_overlay_start_0:
0x88: {  	s2 =	sld [smem:$0x3FD9]  }
0x89: {  	s3 =	sld [smem:$0x3FFE];
	_ =	sdelay $0x1  }
0x8a: {  	s1 =	srdreg.scid  }
0x8b: {  	s0 =	sand.u32 $0x1, s1  }
0x8c: {  	s16 =	sshll.u32 s0, $0xA;
	s2 =	sadd.s32 s3, s2  }
0x8d: {  	s2 =	sadd.s32 s2, s16  }
0x8e: {  	[smem:$0x3FB8] =	sst s2  }
0x8f: {  	_ = 	snop  }
0x90: {  	(tm) =	ssettm $0x1  }
0x91: {  	s17 =	sld [smem:$0x3FFB];
	_ =	sdelay $0x3  }
0x92: {  	_ =	strace s17  }
0x93: {  	s2 =	sld [smem:$0x3FFC];
	_ =	sdelay $0x3  }
0x94: {  	_ =	strace s2  }
0x95: {  	s2 =	sld [smem:$0x3FFD];
	_ =	sdelay $0x3  }
0x96: {  	_ =	strace s2  }
0x97: {  	_ =	strace $0x8FFFFFFF  }
0x98: {  	s18 =	sld [smem:$0x3FDB];
	_ =	sdelay $0x1  }
0x99: {  	s19 =	simm.s32 $_scs_section_size  }
0x9a: {  	s4 =	simm.s32 $_size__tile_overlayer_lowered;
	s5 =	simm.s32 $_tile_overlayer_lowered  }
0x9b: {  	s22 =	simm.s32 $0x1BFF;
	s21 =	sshll.u32 s5, $0x1;
	s2 =	sadd.s32 s19, s18  }
0x9c: {  	s6 =	simm.s32 $0x0;
	s20 =	sshll.u32 s4, $0x1;
	s4 =	sadd.s32 s21, s2  }
0x9d: {  	[timem:s6], [sflag:s22] =	dma.local [hbm:s4], s20  }
0x9e: {  	_ =	swait.ge [sflag:s22], s20  }
0x9f: {  	s3 =	ssub.s32 $0x0, s20;
	[sflag:s22] =	ssyncset.done $0x0  }
0xa0: {  	[sflag:s22] =	ssyncadd.s32 s3;
	_ =	sdelay $0x1  }
0xa1: {  	s23 =	simm.s32 $0x1B8B  }
0xa2: {  	_ =	swait.ge [sflag:s23], $0x1  }
0xa3: {  	[sflag:s23] =	ssyncset.done $0x0  }
0xa4: {  	s25 =	simm.s32 $0x1B8E;
	s24 =	sld [smem:$0x3FFE];
	[sflag:s23] =	ssyncadd.s32 $0xFFFFFFFF  }
0xa5: {  	s26 =	simm.s32 $execute0_lowered;
	[smem:$0x3FD2] =	sst s25  }
0xa6: {  	s4 =	sshll.u32 s26, $0x1;
	_ =	strace $0x80000049;
	[dreg:$0x1] =	wrdreg $0xFFFFFFFF  }
0xa7: {  	s28 =	simm.s32 $_size_execute0_lowered;
	s2 =	sadd.s32 s2, s4;
	[dreg:$0x0] =	wrdreg $0x0  }
0xa8: {  	s4 =	sshll.u32 s28, $0x1;
	[dreg:$0x2] =	wrdreg s2  }
0xa9: {  	[dreg:$0x3] =	wrdreg s4  }
0xaa: {  	[dreg:$0x4] =	wrdreg $0xC0  }
0xab: {  	_ =	task [dreg:s6], $0x5FFFF  }
0xac: {  	[dreg:$0x1] =	wrdreg $0xFFFFFFFF  }
0xad: {  	[dreg:$0x0] =	wrdreg $0x60  }
0xae: {  	[dreg:$0x2] =	wrdreg s24  }
0xaf: {  	[dreg:$0x3] =	wrdreg $0x61000  }
0xb0: {  	[dreg:$0x4] =	wrdreg $0x9  }
0xb1: {  	_ =	task.clear_ibuf [dreg:s6], $0x5FFFF;
	_ =	strace $0x90000049  }
0xb2: {  	s29 =	simm.s32 $0x9;
	_ =	strace $0x8000004B  }
0xb3: {  	_ =	swait.ge [sflag:s29], $0x1  }
0xb4: {  	[sflag:s29] =	ssyncadd.s32 $0xFFFFFFFF  }
0xb5: {  	_ =	strace $0x9000004B  }
0xb6: {  	_ =	sfence  }
0xb7: {  	s30 =	sld [smem:$0x0];
	_ =	sdelay $0x2  }
0xb8: {  	s31 =	sshll.u32 s1, $0xD;
	s1 =	sshrl.u32 s1, $0x2  }
0xb9: {  	s3 =	sand.u32 $0x4000, s31;
	s1 =	sadd.s32 s1, s30  }
0xba: {  	s0 =	sor.u32 s3, s0;
	s1 =	sshll.u32 s1, $0x11  }
0xbb: {  	s0 =	sor.u32 s1, s0  }
0xbc: {  	s0 =	sadd.s32 $0x8F2B, s0  }
0xbd: {  	[sflag:s0] =	ssyncadd.remote.s32 $0x1  }
0xbe: {  	_ =	sfence.sel $0xFFFF  }
0xbf: {  	[dreg:$0x0] =	wrdreg $0xFFFFFFFF;
	(pc) =	sbr.abs _section_cstart, $3  }
0xc0: {  	[dreg:$0x1] =	wrdreg $0xFFFFFFFF  }
0xc1: {  	_ =	task.clear_ibuf [dreg:s6], $0x2FFFF;
	_ =	strace $0x9FFFFFFF  }
0xc2: {  	(tm) =	ssettm $0x7FFFFFFF  }
0xc3: {  	_ =	shalt  }
tec
execute0_lowered:
.L_overlay_start_1:
0x0: {  	(tag) =	ssettag $0x1  }
0x1: {  	s7 =	rddreg [dreg:$0x0]  }
0x2: {  	s2 =	rddreg [dreg:$0x1]  }
0x3: {  	s0 =	rddreg [dreg:$0x2]  }
0x4: {  	s4 =	srdreg.scid;
	s1 =	stileid.u32;
	s3 =	simm.s32 $0x0  }
0x5: {  	s14 =	simm.s32 $0x80;
	s15 =	simm.s32 $0x100;
	s16 =	simm.s32 $0x1  }
0x6: {  	s19 =	simm.s32 $0x0;
	s9 =	sand.u32 $0x1, s4;
	s8 =	smul.u32 $0x5000, s1  }
0x7: {  	[smem:$0x7FF] =	sst s3;
	s4 =	sadd.s32 $0x18600, s7;
	s5 =	sadd.s32 $0xE800, s7  }
0x8: {  	s29 =	sshll.u32 s1, $0x1;
	s31 =	sshll.u32 s1, $0x8;
	s17 =	sshll.u32 s1, $0x6  }
0x9: {  	s6 =	smul.u32 $0x50000, s9;
	_ =	strace $0x8000004A;
	s11 =	ssub.s32 $0x2, s9  }
0xa: {  	s30 =	sor.u32 s29, s9;
	s13 =	sshll.u32 s9, $0x7;
	s17 =	sor.u32 $0x1C02, s17  }
0xb: {  	s12 =	sshrl.u32 s11, $0x1;
	s10 =	sadd.s32 s8, s6;
	s6 =	sadd.s32 $0x22600, s7  }
0xc: {  	s11 =	ssub.s32 s11, s12;
	s12 =	simm.s32 $0x1100;
	s10 =	sshrl.u32 s10, $0x3  }
0xd: {  	s9 =	smax.u32 s11, $0x1;
	s11 =	sor.u32 s13, s31;
	s10 =	sadd.s32 s10, s7  }
0xe: {  	s7 =	sadd.s32 s8, s2;
	s8 =	sadd.s32 $0x2C400, s10;
	s10 =	ssub.s32 $0x9E3, s30  }
0xf: {  	v0 =	vimm.f32 $0.0e+00;
	s13 =	simm.s32 $0x2;
	s18 =	sshrl.u32 s7, $0x3;
	s10 =	sshrl.u32 s10, $0x5  }
.LBB2_1:
0x10: {  	s20 =	simm.s32 $0x80;
	s21 =	simm.s32 $0x0  }
.LBB2_2:
0x11: {  	p0 =	sne.s32 s20, $0x13F80;
	[tilespmem:s21+$0x1100] =	vst v0;
	s22 =	smov.u32 s20;
	s20 =	sadd.s32 $0x80, s20  }
.Ltmp0:
0x12: {  	[tilespmem:s21+$0x1110] =	vst v0;
	(pc) =	sbr.rel @p0 .LBB2_2-.Ltmp0, $2  }
0x13: {  	_ =	sdelay $0x2  }
0x14: {  	s21 =	sshra.s32 s22, $0x2  }
0x15: {  	[tilespmem:s21+$0x1100] =	vst v0  }
0x16: {  	[tilespmem:s21+$0x1110] =	vst v0;
	p1 =	sne.s32 s10, $0x1  }
0x17: {  	[spmem:s7] =	stream.linear.scatter [tilespmem:s12], [sflag:$0x2], $0x5000, $0x38;
	[tilespmem:$0xB100] =	vst v63  }
.Ltmp1:
0x18: {  	_ =	swait.ge [sflag:s13], $0x5000;
	(pc) =	sbr.rel @!p1 .LBB2_6-.Ltmp1, $4  }
0x19: {  	[sflag:s13] =	ssyncset.done $0x0  }
0x1a: {  	[sflag:s13] =	ssyncadd.s32 $0xFFFFB000  }
0x1b: {  	[bflag:$0x0] =	sbarrier.arrive $0xFFFF  }
0x1c: {  	s20 =	sadd.s32 $0xFFFFFFFF, s10;
	s22 =	sshrl.u32 s11, $0x3;
	p0 =	por $0x0, $0x0  }
0x1d: {  	s21 =	sadd.s32 s5, s22  }
0x1e: {  	[tilespmem:s3], [sflag:$0x2] =	stream.linear.gather [hbm4b:s21+s3], $0x80, $0x38;
	[tilespmem:$0xB100] =	vst v63  }
0x1f: {  	_ =	swait.ge [sflag:s13], $0x80  }
0x20: {  	[sflag:s13] =	ssyncset.done $0x0  }
0x21: {  	s31 =	sadd.s32 s6, s22;
	[sflag:s13] =	ssyncadd.s32 $0xFFFFFF80  }
0x22: {  	[tilespmem:s14], [sflag:$0x2] =	stream.linear.gather [hbm4b:s31+s3], $0x80, $0x38;
	[tilespmem:$0xB100] =	vst v63  }
0x23: {  	_ =	swait.ge [sflag:s13], $0x80  }
0x24: {  	[sflag:s13] =	ssyncset.done $0x0  }
0x25: {  	[sflag:s13] =	ssyncadd.s32 $0xFFFFFF80  }
0x26: {  	[tilespmem:s15], [sflag:$0x1] =	stream.indirect.gather [hbm4b:s4+s14], $0x20, s3, s14, $0xb8;
	[tilespmem:$0xB100] =	vst v63  }
0x27: {  	p1 =	sne.s32 s20, $0x1;
	_ =	swait.ge [sflag:s16], $0x1000  }
.Ltmp2:
0x28: {  	[sflag:s16] =	ssyncset.done $0x0;
	(pc) =	sbr.rel @!p1 .LBB2_6-.Ltmp2, $4  }
0x29: {  	[sflag:s16] =	ssyncadd.s32 $0xFFFFF000  }
0x2a: {  	[spmem:s2] =	stream.indirect.scatter.add.f32 [tilespmem:s15], [sflag:$0x2], $0x20, s14, s14, $0xb8;
	[tilespmem:$0xB100] =	vst v63  }
0x2b: {  	s20 =	sadd.s32 $0xFFFFFFFF, s20;
	s21 =	sadd.s32 $0x1000, s11;
	_ =	swait.ge [sflag:s13], $0x1000  }
0x2c: {  	p0 =	por $0x1, $0x1;
	s22 =	sshrl.u32 s21, $0x3;
	[sflag:s13] =	ssyncset.done $0x0  }
.LBB2_5:
0x2d: {  	p1 =	sne.s32 s20, $0x1;
	s23 =	sadd.s32 s5, s22;
	[sflag:s13] =	ssyncadd.s32 $0xFFFFF000  }
0x2e: {  	[tilespmem:s3], [sflag:$0x2] =	stream.linear.gather [hbm4b:s23+s3], $0x80, $0x38;
	[tilespmem:$0xB100] =	vst v63  }
0x2f: {  	s20 =	sadd.s32 $0xFFFFFFFF, s20;
	_ =	swait.ge [sflag:s13], $0x80  }
0x30: {  	[sflag:s13] =	ssyncset.done $0x0  }
0x31: {  	s22 =	sadd.s32 s6, s22;
	[sflag:s13] =	ssyncadd.s32 $0xFFFFFF80  }
0x32: {  	[tilespmem:s14], [sflag:$0x2] =	stream.linear.gather [hbm4b:s22+s3], $0x80, $0x38;
	[tilespmem:$0xB100] =	vst v63  }
0x33: {  	_ =	swait.ge [sflag:s13], $0x80  }
0x34: {  	[sflag:s13] =	ssyncset.done $0x0  }
0x35: {  	[sflag:s13] =	ssyncadd.s32 $0xFFFFFF80  }
0x36: {  	[tilespmem:s15], [sflag:$0x1] =	stream.indirect.gather [hbm4b:s4+s14], $0x20, s3, s14, $0xb8;
	[tilespmem:$0xB100] =	vst v63  }
0x37: {  	_ =	swait.ge [sflag:s16], $0x1000  }
.Ltmp3:
0x38: {  	[sflag:s16] =	ssyncset.done $0x0;
	(pc) =	sbr.rel @p1 .LBB2_5-.Ltmp3, $4  }
0x39: {  	[sflag:s16] =	ssyncadd.s32 $0xFFFFF000  }
0x3a: {  	[spmem:s2] =	stream.indirect.scatter.add.f32 [tilespmem:s15], [sflag:$0x2], $0x20, s14, s14, $0xb8;
	[tilespmem:$0xB100] =	vst v63  }
0x3b: {  	s21 =	sadd.s32 $0x1000, s21;
	_ =	swait.ge [sflag:s13], $0x1000  }
0x3c: {  	s22 =	sshrl.u32 s21, $0x3;
	[sflag:s13] =	ssyncset.done $0x0  }
.LBB2_6:
0x3d: {  	s20 =	sadd.s32 s5, s22;
	[sflag:s13] =	ssyncadd.s32 @p0 $0xFFFFF000  }
0x3e: {  	[tilespmem:s3], [sflag:$0x2] =	stream.linear.gather [hbm4b:s20+s3], $0x80, $0x38;
	[tilespmem:$0xB100] =	vst v63  }
0x3f: {  	_ =	swait.ge [sflag:s13], $0x80  }
0x40: {  	[sflag:s13] =	ssyncset.done $0x0  }
0x41: {  	s31 =	sadd.s32 s6, s22;
	[sflag:s13] =	ssyncadd.s32 $0xFFFFFF80  }
0x42: {  	[tilespmem:s14], [sflag:$0x2] =	stream.linear.gather [hbm4b:s31+s3], $0x80, $0x38;
	[tilespmem:$0xB100] =	vst v63  }
0x43: {  	_ =	swait.ge [sflag:s13], $0x80  }
0x44: {  	[sflag:s13] =	ssyncset.done $0x0  }
0x45: {  	[sflag:s13] =	ssyncadd.s32 $0xFFFFFF80  }
0x46: {  	[tilespmem:s15], [sflag:$0x1] =	stream.indirect.gather [hbm4b:s4+s14], $0x20, s3, s14, $0xb8;
	[tilespmem:$0xB100] =	vst v63  }
0x47: {  	_ =	swait.ge [sflag:s16], $0x1000  }
0x48: {  	[sflag:s16] =	ssyncset.done $0x0  }
0x49: {  	[sflag:s16] =	ssyncadd.s32 $0xFFFFF000  }
0x4a: {  	[spmem:s2] =	stream.indirect.scatter.add.f32 [tilespmem:s15], [sflag:$0x2], $0x20, s14, s14, $0xb8;
	[tilespmem:$0xB100] =	vst v63  }
0x4b: {  	_ =	swait.ge [sflag:s13], $0x1000  }
0x4c: {  	s19 =	sadd.s32 $0x1, s19;
	[sflag:s13] =	ssyncset.done $0x0  }
0x4d: {  	p0 =	sne.s32 s19, s9;
	[sflag:s13] =	ssyncadd.s32 $0xFFFFF000  }
.Ltmp4:
0x4e: {  	[bflag:$0x0] =	sbarrier.arrive $0xFFFF;
	(pc) =	sbr.rel @p0 .LBB2_1-.Ltmp4, $4  }
0x4f: {  	[hbm:s8], [sflag:s17] =	dma.local [spmem:s18], $0xA00  }
0x50: {  	_ =	swait.ge [sflag:s13], $0xA00  }
0x51: {  	[sflag:s13] =	ssyncset.done $0x0  }
0x52: {  	[sflag:s13] =	ssyncadd.s32 $0xFFFFF600  }
0x53: {  	_ =	sfence.sel $0x180000  }
0x54: {  	[bflag:$0x0] =	sbarrier.arrive $0xFFFF  }
0x55: {  	p0 =	sne.s32 s1, $0x0;
	_ =	strace $0x9000004A  }
0x56: {  	s0 =	sadd.s32 @!p0 $0x100000, s0;
	[bflag:$0x2] =	sbarrier.arrive $0xFFFF  }
0x57: {  	[sflag:s0] =	ssyncadd.tile.s32 @!p0 $0x1;
	_ =	shalt  }
.Lfunc_end2:
_tile_overlayer_lowered:
.L_overlay_start_2:
0x58: {  	(tag) =	ssettag $0x2  }
0x59: {  	s0 =	rddreg [dreg:$0x0];
	s2 =	stileid.u32  }
0x5a: {  	s1 =	rddreg [dreg:$0x1];
	p0 =	sne.s32 s2, $0x0  }
0x5b: {  	s3 =	rddreg [dreg:$0x2];
	[bflag:$0x3] =	sbarrier.arrive $0xFFFF;
	s2 =	simm.s32 @!p0 $0x1C02  }
0x5c: {  	[timem:s3], [sflag:s2] =	dma.local @!p0 [hbm:s0], s1  }
0x5d: {  	s0 =	simm.s32 @!p0 $0x2  }
0x5e: {  	_ =	swait.ge @!p0 [sflag:s0], s1  }
0x5f: {  	s1 =	ssub.s32 @!p0 $0x0, s1;
	[sflag:s0] =	ssyncset.done @!p0 $0x0  }
0x60: {  	[sflag:s0] =	ssyncadd.s32 @!p0 s1  }
0x61: {  	[bflag:$0x3] =	sbarrier.arrive $0xFFFF  }
0x62: {  	_ =	shalt  }

// kernel: kernel.21.cloned.1.call-start
scs
__scs_entry_jumppad:
0x0: {  	(pc) =	sbr.rel $0x88, $3  }
0x1: {  	(tag) =	ssettag $0x0;
	lr =	simm.s32 $0x1  }
0x2: {  	[smem:$0x3F91] =	sst lr;
	_ =	strace $0xD0000000  }
0x3: {  	_ = 	snop  }
0x4: {  	_ = 	snop  }
0x5: {  	_ = 	snop  }
0x6: {  	_ = 	snop  }
0x7: {  	_ = 	snop  }
__scs_overlays_trampoline_lowered:
0x8: {  	[smem:$0x3FA0] =	sst s0  }
0x9: {  	[smem:$0x3FA1] =	sst s1  }
0xa: {  	[smem:$0x3FA2] =	sst s2  }
0xb: {  	[smem:$0x3FA3] =	sst s3  }
0xc: {  	[smem:$0x3FA4] =	sst s4  }
0xd: {  	[smem:$0x3FA5] =	sst s5  }
0xe: {  	[smem:$0x3FA6] =	sst s6  }
0xf: {  	[smem:$0x3FA7] =	sst s7  }
0x10: {  	[smem:$0x3FA8] =	sst s8  }
0x11: {  	[smem:$0x3FA9] =	sst s9;
	s0 =	simm.s32 @!p0 $0x0  }
0x12: {  	s1 =	sld [smem:$0x3F8F];
	s0 =	simm.s32 @p0 $0x1  }
0x13: {  	[smem:$0x3FAA] =	sst s0;
	s0 =	simm.s32 @!p1 $0x0  }
0x14: {  	s2 =	sld [smem:$0x3F8E];
	s0 =	simm.s32 @p1 $0x1  }
0x15: {  	[smem:$0x3FAB] =	sst s0;
	s0 =	simm.s32 @!p2 $0x0  }
0x16: {  	s3 =	sld [smem:$0x3FDB];
	s0 =	simm.s32 @p2 $0x1  }
0x17: {  	s4 =	simm.s32 $0x1BF5;
	[smem:$0x3FAD] =	sst s0  }
0x18: {  	s0 =	sld [smem:$0x3F90];
	_ =	swait.ge [sflag:s4], $0x0  }
0x19: {  	s7 =	sld [smem:$0x3F91]  }
0x1a: {  	s8 =	sadd.s32 $0xFFFFE003, lr  }
0x1b: {  	s9 =	sadd.s32 $0xFFFFFEF7, lr;
	s5 =	simm.s32 $0xFFFFFFFF;
	p2 =	slt.u32 s8, $0xFFFFF086  }
0x1c: {  	p1 =	slt.u32 s9, $0xF7A;
	s5 =	simm.s32 @!p2 $0x0  }
0x1d: {  	s5 =	simm.s32 @p1 $0x1;
	p0 =	seq.s32 s7, s2  }
0x1e: {  	s7 =	smul.u32 @!p0 $0xF7A, s2;
	p2 =	seq.s32 @!p0 s5, $0x0  }
0x1f: {  	s9 =	smul.u32 $0xF7A, s1;
	s8 =	simm.s32 @!p0 $0x1BF5;
	p2 =	por !p2, p0  }
0x20: {  	[sflag:s8] =	ssyncset.s32 @!p0 $0xFFFFF086;
	s6 =	sadd.s32 @!p0 s3, s7;
	s7 =	simm.s32 @!p0 $0x108  }
0x21: {  	s3 =	sadd.s32 s3, s9;
	s6 =	sadd.s32 @!p0 $0x88, s6;
	s7 =	simm.s32 @p2 $0x1082  }
0x22: {  	[simem:s7], [sflag:s8] =	dma.local @!p0 [hbm:s6], $0xF7A  }
0x23: {  	s9 =	sor.u32 $0xD0000000, s2;
	s6 =	simm.s32 $0x108;
	_ =	swait.ge @!p0 [sflag:s8], $0x0  }
0x24: {  	s3 =	sadd.s32 $0x88, s3;
	s6 =	simm.s32 @!p1 $0x1082;
	[sflag:s4] =	ssyncset.s32 $0xFFFFF086  }
0x25: {  	[simem:s6], [sflag:s4] =	dma.local [hbm:s3], $0xF7A  }
0x26: {  	[smem:$0x3F91] =	sst s1;
	(tag) =	ssettag s2;
	_ =	strace s9  }
0x27: {  	s1 =	sld [smem:$0x3FA1]  }
0x28: {  	s2 =	sld [smem:$0x3FA2]  }
0x29: {  	s4 =	sld [smem:$0x3FA4]  }
0x2a: {  	p0 =	seq.s32 s5, $0x0;
	s5 =	sld [smem:$0x3FA5]  }
0x2b: {  	s6 =	sld [smem:$0x3FA6]  }
0x2c: {  	s7 =	sld [smem:$0x3FA7]  }
0x2d: {  	s3 =	simm.s32 $0x108;
	s8 =	sld [smem:$0x3FA8]  }
0x2e: {  	s3 =	simm.s32 @!p0 $0x1082;
	s9 =	sld [smem:$0x3FA9]  }
0x2f: {  	lr =	sadd.s32 s0, s3;
	s0 =	sld [smem:$0x3FA0]  }
0x30: {  	s3 =	sld [smem:$0x3FA3]  }
0x31: {  	[smem:$0x3FAC] =	sst s10  }
0x32: {  	s10 =	sld [smem:$0x3FAA];
	_ =	sdelay $0x3  }
0x33: {  	p0 =	seq.s32 s10, $0x1;
	s10 =	sld [smem:$0x3FAC];
	_ =	sdelay $0x3  }
0x34: {  	[smem:$0x3FAC] =	sst s10  }
0x35: {  	s10 =	sld [smem:$0x3FAB];
	_ =	sdelay $0x3  }
0x36: {  	p1 =	seq.s32 s10, $0x1;
	s10 =	sld [smem:$0x3FAC];
	_ =	sdelay $0x3  }
0x37: {  	[smem:$0x3FAC] =	sst s10  }
0x38: {  	s10 =	sld [smem:$0x3FAD]  }
0x39: {  	_ = 	snop;
	(pc) =	sbr.ind lr, $3  }
0x3a: {  	_ = 	snop  }
0x3b: {  	_ = 	snop  }
0x3c: {  	p2 =	seq.s32 s10, $0x1;
	s10 =	sld [smem:$0x3FAC]  }
0x3d: {  	_ =	shalt  }
0x3e: {  	_ =	shalt  }
0x3f: {  	_ =	shalt  }
0x40: {  	_ =	shalt  }
0x41: {  	_ =	shalt  }
0x42: {  	_ =	shalt  }
0x43: {  	_ =	shalt  }
0x44: {  	_ =	shalt  }
0x45: {  	_ =	shalt  }
0x46: {  	_ =	shalt  }
0x47: {  	_ =	shalt  }
0x48: {  	_ =	shalt  }
0x49: {  	_ =	shalt  }
0x4a: {  	_ =	shalt  }
0x4b: {  	_ =	shalt  }
0x4c: {  	_ =	shalt  }
0x4d: {  	_ =	shalt  }
0x4e: {  	_ =	shalt  }
0x4f: {  	_ =	shalt  }
0x50: {  	_ =	shalt  }
0x51: {  	_ =	shalt  }
0x52: {  	_ =	shalt  }
0x53: {  	_ =	shalt  }
0x54: {  	_ =	shalt  }
0x55: {  	_ =	shalt  }
0x56: {  	_ =	shalt  }
0x57: {  	_ =	shalt  }
0x58: {  	_ =	shalt  }
0x59: {  	_ =	shalt  }
0x5a: {  	_ =	shalt  }
0x5b: {  	_ =	shalt  }
0x5c: {  	_ =	shalt  }
0x5d: {  	_ =	shalt  }
0x5e: {  	_ =	shalt  }
0x5f: {  	_ =	shalt  }
0x60: {  	_ =	shalt  }
0x61: {  	_ =	shalt  }
0x62: {  	_ =	shalt  }
0x63: {  	_ =	shalt  }
0x64: {  	_ =	shalt  }
0x65: {  	_ =	shalt  }
0x66: {  	_ =	shalt  }
0x67: {  	_ =	shalt  }
0x68: {  	_ =	shalt  }
0x69: {  	_ =	shalt  }
0x6a: {  	_ =	shalt  }
0x6b: {  	_ =	shalt  }
0x6c: {  	_ =	shalt  }
0x6d: {  	_ =	shalt  }
0x6e: {  	_ =	shalt  }
0x6f: {  	_ =	shalt  }
0x70: {  	_ =	shalt  }
0x71: {  	_ =	shalt  }
0x72: {  	_ =	shalt  }
0x73: {  	_ =	shalt  }
0x74: {  	_ =	shalt  }
0x75: {  	_ =	shalt  }
0x76: {  	_ =	shalt  }
0x77: {  	_ =	shalt  }
0x78: {  	_ =	shalt  }
0x79: {  	_ =	shalt  }
0x7a: {  	_ =	shalt  }
0x7b: {  	_ =	shalt  }
0x7c: {  	_ =	shalt  }
0x7d: {  	_ =	shalt  }
0x7e: {  	_ =	shalt  }
0x7f: {  	_ =	shalt  }
0x80: {  	_ =	shalt  }
0x81: {  	_ =	shalt  }
0x82: {  	_ =	shalt  }
0x83: {  	_ =	shalt  }
0x84: {  	_ =	shalt  }
0x85: {  	_ =	shalt  }
0x86: {  	_ =	shalt  }
0x87: {  	_ =	shalt  }
.Lfunc_end0:
.L_simem_size_0:
called_computation.2_lowered:
.L_overlay_start_0:
0x88: {  	s2 =	sld [smem:$0x3FD9]  }
0x89: {  	s3 =	sld [smem:$0x3FFE];
	_ =	sdelay $0x1  }
0x8a: {  	s1 =	srdreg.scid  }
0x8b: {  	s0 =	sand.u32 $0x1, s1  }
0x8c: {  	s16 =	sshll.u32 s0, $0xA;
	s2 =	sadd.s32 s3, s2  }
0x8d: {  	s2 =	sadd.s32 s2, s16  }
0x8e: {  	[smem:$0x3FB8] =	sst s2  }
0x8f: {  	_ = 	snop  }
0x90: {  	(tm) =	ssettm $0x1  }
0x91: {  	s17 =	sld [smem:$0x3FFB];
	_ =	sdelay $0x3  }
0x92: {  	_ =	strace s17  }
0x93: {  	s2 =	sld [smem:$0x3FFC];
	_ =	sdelay $0x3  }
0x94: {  	_ =	strace s2  }
0x95: {  	s2 =	sld [smem:$0x3FFD];
	_ =	sdelay $0x3  }
0x96: {  	_ =	strace s2  }
0x97: {  	_ =	strace $0x8FFFFFFF  }
0x98: {  	s18 =	sld [smem:$0x3FDB];
	_ =	sdelay $0x1  }
0x99: {  	s19 =	simm.s32 $_scs_section_size  }
0x9a: {  	s4 =	simm.s32 $_size__tile_overlayer_lowered;
	s5 =	simm.s32 $_tile_overlayer_lowered  }
0x9b: {  	s22 =	simm.s32 $0x1BFF;
	s21 =	sshll.u32 s5, $0x1;
	s2 =	sadd.s32 s19, s18  }
0x9c: {  	s6 =	simm.s32 $0x0;
	s20 =	sshll.u32 s4, $0x1;
	s4 =	sadd.s32 s21, s2  }
0x9d: {  	[timem:s6], [sflag:s22] =	dma.local [hbm:s4], s20  }
0x9e: {  	_ =	swait.ge [sflag:s22], s20  }
0x9f: {  	s3 =	ssub.s32 $0x0, s20;
	[sflag:s22] =	ssyncset.done $0x0  }
0xa0: {  	[sflag:s22] =	ssyncadd.s32 s3;
	_ =	sdelay $0x1  }
0xa1: {  	s23 =	simm.s32 $0x1B8B  }
0xa2: {  	_ =	swait.ge [sflag:s23], $0x1  }
0xa3: {  	[sflag:s23] =	ssyncset.done $0x0  }
0xa4: {  	s25 =	simm.s32 $0x1B8E;
	s24 =	sld [smem:$0x3FFE];
	[sflag:s23] =	ssyncadd.s32 $0xFFFFFFFF  }
0xa5: {  	s26 =	simm.s32 $execute0_lowered;
	[smem:$0x3FD2] =	sst s25  }
0xa6: {  	s4 =	sshll.u32 s26, $0x1;
	_ =	strace $0x8000004C;
	[dreg:$0x1] =	wrdreg $0xFFFFFFFF  }
0xa7: {  	s28 =	simm.s32 $_size_execute0_lowered;
	s2 =	sadd.s32 s2, s4;
	[dreg:$0x0] =	wrdreg $0x0  }
0xa8: {  	s4 =	sshll.u32 s28, $0x1;
	[dreg:$0x2] =	wrdreg s2  }
0xa9: {  	[dreg:$0x3] =	wrdreg s4  }
0xaa: {  	[dreg:$0x4] =	wrdreg $0xC0  }
0xab: {  	_ =	task [dreg:s6], $0x5FFFF  }
0xac: {  	[dreg:$0x1] =	wrdreg $0xFFFFFFFF  }
0xad: {  	[dreg:$0x0] =	wrdreg $0x60  }
0xae: {  	[dreg:$0x2] =	wrdreg s24  }
0xaf: {  	[dreg:$0x3] =	wrdreg $0x61000  }
0xb0: {  	[dreg:$0x4] =	wrdreg $0x9  }
0xb1: {  	_ =	task.clear_ibuf [dreg:s6], $0x5FFFF;
	_ =	strace $0x9000004C  }
0xb2: {  	s29 =	simm.s32 $0x9;
	_ =	strace $0x8000004E  }
0xb3: {  	_ =	swait.ge [sflag:s29], $0x1  }
0xb4: {  	[sflag:s29] =	ssyncadd.s32 $0xFFFFFFFF  }
0xb5: {  	_ =	strace $0x9000004E  }
0xb6: {  	_ =	sfence  }
0xb7: {  	s30 =	sld [smem:$0x0];
	_ =	sdelay $0x2  }
0xb8: {  	s31 =	sshll.u32 s1, $0xD;
	s1 =	sshrl.u32 s1, $0x2  }
0xb9: {  	s3 =	sand.u32 $0x4000, s31;
	s1 =	sadd.s32 s1, s30  }
0xba: {  	s0 =	sor.u32 s3, s0;
	s1 =	sshll.u32 s1, $0x11  }
0xbb: {  	s0 =	sor.u32 s1, s0  }
0xbc: {  	s0 =	sadd.s32 $0x8F2B, s0  }
0xbd: {  	[sflag:s0] =	ssyncadd.remote.s32 $0x1  }
0xbe: {  	_ =	sfence.sel $0xFFFF  }
0xbf: {  	[dreg:$0x0] =	wrdreg $0xFFFFFFFF;
	(pc) =	sbr.abs _section_cstart, $3  }
0xc0: {  	[dreg:$0x1] =	wrdreg $0xFFFFFFFF  }
0xc1: {  	_ =	task.clear_ibuf [dreg:s6], $0x2FFFF;
	_ =	strace $0x9FFFFFFF  }
0xc2: {  	(tm) =	ssettm $0x7FFFFFFF  }
0xc3: {  	_ =	shalt  }
tec
execute0_lowered:
.L_overlay_start_1:
0x0: {  	(tag) =	ssettag $0x1  }
0x1: {  	s7 =	rddreg [dreg:$0x0]  }
0x2: {  	s2 =	rddreg [dreg:$0x1]  }
0x3: {  	s0 =	rddreg [dreg:$0x2]  }
0x4: {  	s4 =	srdreg.scid;
	s1 =	stileid.u32;
	s3 =	simm.s32 $0x0  }
0x5: {  	s14 =	simm.s32 $0x80;
	s15 =	simm.s32 $0x100;
	s16 =	simm.s32 $0x1  }
0x6: {  	s19 =	simm.s32 $0x0;
	s9 =	sand.u32 $0x1, s4;
	s8 =	smul.u32 $0x5000, s1  }
0x7: {  	[smem:$0x7FF] =	sst s3;
	s4 =	sadd.s32 $0x18600, s7;
	s5 =	sadd.s32 $0xE800, s7  }
0x8: {  	s29 =	sshll.u32 s1, $0x1;
	s31 =	sshll.u32 s1, $0x8;
	s17 =	sshll.u32 s1, $0x6  }
0x9: {  	s6 =	smul.u32 $0x50000, s9;
	_ =	strace $0x8000004D;
	s11 =	ssub.s32 $0x2, s9  }
0xa: {  	s30 =	sor.u32 s29, s9;
	s13 =	sshll.u32 s9, $0x7;
	s17 =	sor.u32 $0x1C02, s17  }
0xb: {  	s12 =	sshrl.u32 s11, $0x1;
	s10 =	sadd.s32 s8, s6;
	s6 =	sadd.s32 $0x22600, s7  }
0xc: {  	s11 =	ssub.s32 s11, s12;
	s12 =	simm.s32 $0x1100;
	s10 =	sshrl.u32 s10, $0x3  }
0xd: {  	s9 =	smax.u32 s11, $0x1;
	s11 =	sor.u32 s13, s31;
	s10 =	sadd.s32 s10, s7  }
0xe: {  	s7 =	sadd.s32 s8, s2;
	s8 =	sadd.s32 $0x7B600, s10;
	s10 =	ssub.s32 $0x9E3, s30  }
0xf: {  	v0 =	vimm.f32 $0.0e+00;
	s13 =	simm.s32 $0x2;
	s18 =	sshrl.u32 s7, $0x3;
	s10 =	sshrl.u32 s10, $0x5  }
.LBB2_1:
0x10: {  	s20 =	simm.s32 $0x80;
	s21 =	simm.s32 $0x0  }
.LBB2_2:
0x11: {  	p0 =	sne.s32 s20, $0x13F80;
	[tilespmem:s21+$0x1100] =	vst v0;
	s22 =	smov.u32 s20;
	s20 =	sadd.s32 $0x80, s20  }
.Ltmp0:
0x12: {  	[tilespmem:s21+$0x1110] =	vst v0;
	(pc) =	sbr.rel @p0 .LBB2_2-.Ltmp0, $2  }
0x13: {  	_ =	sdelay $0x2  }
0x14: {  	s21 =	sshra.s32 s22, $0x2  }
0x15: {  	[tilespmem:s21+$0x1100] =	vst v0  }
0x16: {  	[tilespmem:s21+$0x1110] =	vst v0;
	p1 =	sne.s32 s10, $0x1  }
0x17: {  	[spmem:s7] =	stream.linear.scatter [tilespmem:s12], [sflag:$0x2], $0x5000, $0x38;
	[tilespmem:$0xB100] =	vst v63  }
.Ltmp1:
0x18: {  	_ =	swait.ge [sflag:s13], $0x5000;
	(pc) =	sbr.rel @!p1 .LBB2_6-.Ltmp1, $4  }
0x19: {  	[sflag:s13] =	ssyncset.done $0x0  }
0x1a: {  	[sflag:s13] =	ssyncadd.s32 $0xFFFFB000  }
0x1b: {  	[bflag:$0x0] =	sbarrier.arrive $0xFFFF  }
0x1c: {  	s20 =	sadd.s32 $0xFFFFFFFF, s10;
	s22 =	sshrl.u32 s11, $0x3;
	p0 =	por $0x0, $0x0  }
0x1d: {  	s21 =	sadd.s32 s5, s22  }
0x1e: {  	[tilespmem:s3], [sflag:$0x2] =	stream.linear.gather [hbm4b:s21+s3], $0x80, $0x38;
	[tilespmem:$0xB100] =	vst v63  }
0x1f: {  	_ =	swait.ge [sflag:s13], $0x80  }
0x20: {  	[sflag:s13] =	ssyncset.done $0x0  }
0x21: {  	s31 =	sadd.s32 s6, s22;
	[sflag:s13] =	ssyncadd.s32 $0xFFFFFF80  }
0x22: {  	[tilespmem:s14], [sflag:$0x2] =	stream.linear.gather [hbm4b:s31+s3], $0x80, $0x38;
	[tilespmem:$0xB100] =	vst v63  }
0x23: {  	_ =	swait.ge [sflag:s13], $0x80  }
0x24: {  	[sflag:s13] =	ssyncset.done $0x0  }
0x25: {  	[sflag:s13] =	ssyncadd.s32 $0xFFFFFF80  }
0x26: {  	[tilespmem:s15], [sflag:$0x1] =	stream.indirect.gather [hbm4b:s4+s14], $0x20, s3, s14, $0xb8;
	[tilespmem:$0xB100] =	vst v63  }
0x27: {  	p1 =	sne.s32 s20, $0x1;
	_ =	swait.ge [sflag:s16], $0x1000  }
.Ltmp2:
0x28: {  	[sflag:s16] =	ssyncset.done $0x0;
	(pc) =	sbr.rel @!p1 .LBB2_6-.Ltmp2, $4  }
0x29: {  	[sflag:s16] =	ssyncadd.s32 $0xFFFFF000  }
0x2a: {  	[spmem:s2] =	stream.indirect.scatter.add.f32 [tilespmem:s15], [sflag:$0x2], $0x20, s14, s14, $0xb8;
	[tilespmem:$0xB100] =	vst v63  }
0x2b: {  	s20 =	sadd.s32 $0xFFFFFFFF, s20;
	s21 =	sadd.s32 $0x1000, s11;
	_ =	swait.ge [sflag:s13], $0x1000  }
0x2c: {  	p0 =	por $0x1, $0x1;
	s22 =	sshrl.u32 s21, $0x3;
	[sflag:s13] =	ssyncset.done $0x0  }
.LBB2_5:
0x2d: {  	p1 =	sne.s32 s20, $0x1;
	s23 =	sadd.s32 s5, s22;
	[sflag:s13] =	ssyncadd.s32 $0xFFFFF000  }
0x2e: {  	[tilespmem:s3], [sflag:$0x2] =	stream.linear.gather [hbm4b:s23+s3], $0x80, $0x38;
	[tilespmem:$0xB100] =	vst v63  }
0x2f: {  	s20 =	sadd.s32 $0xFFFFFFFF, s20;
	_ =	swait.ge [sflag:s13], $0x80  }
0x30: {  	[sflag:s13] =	ssyncset.done $0x0  }
0x31: {  	s22 =	sadd.s32 s6, s22;
	[sflag:s13] =	ssyncadd.s32 $0xFFFFFF80  }
0x32: {  	[tilespmem:s14], [sflag:$0x2] =	stream.linear.gather [hbm4b:s22+s3], $0x80, $0x38;
	[tilespmem:$0xB100] =	vst v63  }
0x33: {  	_ =	swait.ge [sflag:s13], $0x80  }
0x34: {  	[sflag:s13] =	ssyncset.done $0x0  }
0x35: {  	[sflag:s13] =	ssyncadd.s32 $0xFFFFFF80  }
0x36: {  	[tilespmem:s15], [sflag:$0x1] =	stream.indirect.gather [hbm4b:s4+s14], $0x20, s3, s14, $0xb8;
	[tilespmem:$0xB100] =	vst v63  }
0x37: {  	_ =	swait.ge [sflag:s16], $0x1000  }
.Ltmp3:
0x38: {  	[sflag:s16] =	ssyncset.done $0x0;
	(pc) =	sbr.rel @p1 .LBB2_5-.Ltmp3, $4  }
0x39: {  	[sflag:s16] =	ssyncadd.s32 $0xFFFFF000  }
0x3a: {  	[spmem:s2] =	stream.indirect.scatter.add.f32 [tilespmem:s15], [sflag:$0x2], $0x20, s14, s14, $0xb8;
	[tilespmem:$0xB100] =	vst v63  }
0x3b: {  	s21 =	sadd.s32 $0x1000, s21;
	_ =	swait.ge [sflag:s13], $0x1000  }
0x3c: {  	s22 =	sshrl.u32 s21, $0x3;
	[sflag:s13] =	ssyncset.done $0x0  }
.LBB2_6:
0x3d: {  	s20 =	sadd.s32 s5, s22;
	[sflag:s13] =	ssyncadd.s32 @p0 $0xFFFFF000  }
0x3e: {  	[tilespmem:s3], [sflag:$0x2] =	stream.linear.gather [hbm4b:s20+s3], $0x80, $0x38;
	[tilespmem:$0xB100] =	vst v63  }
0x3f: {  	_ =	swait.ge [sflag:s13], $0x80  }
0x40: {  	[sflag:s13] =	ssyncset.done $0x0  }
0x41: {  	s31 =	sadd.s32 s6, s22;
	[sflag:s13] =	ssyncadd.s32 $0xFFFFFF80  }
0x42: {  	[tilespmem:s14], [sflag:$0x2] =	stream.linear.gather [hbm4b:s31+s3], $0x80, $0x38;
	[tilespmem:$0xB100] =	vst v63  }
0x43: {  	_ =	swait.ge [sflag:s13], $0x80  }
0x44: {  	[sflag:s13] =	ssyncset.done $0x0  }
0x45: {  	[sflag:s13] =	ssyncadd.s32 $0xFFFFFF80  }
0x46: {  	[tilespmem:s15], [sflag:$0x1] =	stream.indirect.gather [hbm4b:s4+s14], $0x20, s3, s14, $0xb8;
	[tilespmem:$0xB100] =	vst v63  }
0x47: {  	_ =	swait.ge [sflag:s16], $0x1000  }
0x48: {  	[sflag:s16] =	ssyncset.done $0x0  }
0x49: {  	[sflag:s16] =	ssyncadd.s32 $0xFFFFF000  }
0x4a: {  	[spmem:s2] =	stream.indirect.scatter.add.f32 [tilespmem:s15], [sflag:$0x2], $0x20, s14, s14, $0xb8;
	[tilespmem:$0xB100] =	vst v63  }
0x4b: {  	_ =	swait.ge [sflag:s13], $0x1000  }
0x4c: {  	s19 =	sadd.s32 $0x1, s19;
	[sflag:s13] =	ssyncset.done $0x0  }
0x4d: {  	p0 =	sne.s32 s19, s9;
	[sflag:s13] =	ssyncadd.s32 $0xFFFFF000  }
.Ltmp4:
0x4e: {  	[bflag:$0x0] =	sbarrier.arrive $0xFFFF;
	(pc) =	sbr.rel @p0 .LBB2_1-.Ltmp4, $4  }
0x4f: {  	[hbm:s8], [sflag:s17] =	dma.local [spmem:s18], $0xA00  }
0x50: {  	_ =	swait.ge [sflag:s13], $0xA00  }
0x51: {  	[sflag:s13] =	ssyncset.done $0x0  }
0x52: {  	[sflag:s13] =	ssyncadd.s32 $0xFFFFF600  }
0x53: {  	_ =	sfence.sel $0x180000  }
0x54: {  	[bflag:$0x0] =	sbarrier.arrive $0xFFFF  }
0x55: {  	p0 =	sne.s32 s1, $0x0;
	_ =	strace $0x9000004D  }
0x56: {  	s0 =	sadd.s32 @!p0 $0x100000, s0;
	[bflag:$0x2] =	sbarrier.arrive $0xFFFF  }
0x57: {  	[sflag:s0] =	ssyncadd.tile.s32 @!p0 $0x1;
	_ =	shalt  }
.Lfunc_end2:
_tile_overlayer_lowered:
.L_overlay_start_2:
0x58: {  	(tag) =	ssettag $0x2  }
0x59: {  	s0 =	rddreg [dreg:$0x0];
	s2 =	stileid.u32  }
0x5a: {  	s1 =	rddreg [dreg:$0x1];
	p0 =	sne.s32 s2, $0x0  }
0x5b: {  	s3 =	rddreg [dreg:$0x2];
	[bflag:$0x3] =	sbarrier.arrive $0xFFFF;
	s2 =	simm.s32 @!p0 $0x1C02  }
0x5c: {  	[timem:s3], [sflag:s2] =	dma.local @!p0 [hbm:s0], s1  }
0x5d: {  	s0 =	simm.s32 @!p0 $0x2  }
0x5e: {  	_ =	swait.ge @!p0 [sflag:s0], s1  }
0x5f: {  	s1 =	ssub.s32 @!p0 $0x0, s1;
	[sflag:s0] =	ssyncset.done @!p0 $0x0  }
0x60: {  	[sflag:s0] =	ssyncadd.s32 @!p0 s1  }
0x61: {  	[bflag:$0x3] =	sbarrier.arrive $0xFFFF  }
0x62: {  	_ =	shalt  }

// kernel: kernel.24.cloned.1.call-start
scs
__scs_entry_jumppad:
0x0: {  	(pc) =	sbr.rel $0x88, $3  }
0x1: {  	(tag) =	ssettag $0x0;
	lr =	simm.s32 $0x1  }
0x2: {  	[smem:$0x3F91] =	sst lr;
	_ =	strace $0xD0000000  }
0x3: {  	_ = 	snop  }
0x4: {  	_ = 	snop  }
0x5: {  	_ = 	snop  }
0x6: {  	_ = 	snop  }
0x7: {  	_ = 	snop  }
__scs_overlays_trampoline_lowered:
0x8: {  	[smem:$0x3FA0] =	sst s0  }
0x9: {  	[smem:$0x3FA1] =	sst s1  }
0xa: {  	[smem:$0x3FA2] =	sst s2  }
0xb: {  	[smem:$0x3FA3] =	sst s3  }
0xc: {  	[smem:$0x3FA4] =	sst s4  }
0xd: {  	[smem:$0x3FA5] =	sst s5  }
0xe: {  	[smem:$0x3FA6] =	sst s6  }
0xf: {  	[smem:$0x3FA7] =	sst s7  }
0x10: {  	[smem:$0x3FA8] =	sst s8  }
0x11: {  	[smem:$0x3FA9] =	sst s9;
	s0 =	simm.s32 @!p0 $0x0  }
0x12: {  	s1 =	sld [smem:$0x3F8F];
	s0 =	simm.s32 @p0 $0x1  }
0x13: {  	[smem:$0x3FAA] =	sst s0;
	s0 =	simm.s32 @!p1 $0x0  }
0x14: {  	s2 =	sld [smem:$0x3F8E];
	s0 =	simm.s32 @p1 $0x1  }
0x15: {  	[smem:$0x3FAB] =	sst s0;
	s0 =	simm.s32 @!p2 $0x0  }
0x16: {  	s3 =	sld [smem:$0x3FDB];
	s0 =	simm.s32 @p2 $0x1  }
0x17: {  	s4 =	simm.s32 $0x1BF5;
	[smem:$0x3FAD] =	sst s0  }
0x18: {  	s0 =	sld [smem:$0x3F90];
	_ =	swait.ge [sflag:s4], $0x0  }
0x19: {  	s7 =	sld [smem:$0x3F91]  }
0x1a: {  	s8 =	sadd.s32 $0xFFFFE003, lr  }
0x1b: {  	s9 =	sadd.s32 $0xFFFFFEF7, lr;
	s5 =	simm.s32 $0xFFFFFFFF;
	p2 =	slt.u32 s8, $0xFFFFF086  }
0x1c: {  	p1 =	slt.u32 s9, $0xF7A;
	s5 =	simm.s32 @!p2 $0x0  }
0x1d: {  	s5 =	simm.s32 @p1 $0x1;
	p0 =	seq.s32 s7, s2  }
0x1e: {  	s7 =	smul.u32 @!p0 $0xF7A, s2;
	p2 =	seq.s32 @!p0 s5, $0x0  }
0x1f: {  	s9 =	smul.u32 $0xF7A, s1;
	s8 =	simm.s32 @!p0 $0x1BF5;
	p2 =	por !p2, p0  }
0x20: {  	[sflag:s8] =	ssyncset.s32 @!p0 $0xFFFFF086;
	s6 =	sadd.s32 @!p0 s3, s7;
	s7 =	simm.s32 @!p0 $0x108  }
0x21: {  	s3 =	sadd.s32 s3, s9;
	s6 =	sadd.s32 @!p0 $0x88, s6;
	s7 =	simm.s32 @p2 $0x1082  }
0x22: {  	[simem:s7], [sflag:s8] =	dma.local @!p0 [hbm:s6], $0xF7A  }
0x23: {  	s9 =	sor.u32 $0xD0000000, s2;
	s6 =	simm.s32 $0x108;
	_ =	swait.ge @!p0 [sflag:s8], $0x0  }
0x24: {  	s3 =	sadd.s32 $0x88, s3;
	s6 =	simm.s32 @!p1 $0x1082;
	[sflag:s4] =	ssyncset.s32 $0xFFFFF086  }
0x25: {  	[simem:s6], [sflag:s4] =	dma.local [hbm:s3], $0xF7A  }
0x26: {  	[smem:$0x3F91] =	sst s1;
	(tag) =	ssettag s2;
	_ =	strace s9  }
0x27: {  	s1 =	sld [smem:$0x3FA1]  }
0x28: {  	s2 =	sld [smem:$0x3FA2]  }
0x29: {  	s4 =	sld [smem:$0x3FA4]  }
0x2a: {  	p0 =	seq.s32 s5, $0x0;
	s5 =	sld [smem:$0x3FA5]  }
0x2b: {  	s6 =	sld [smem:$0x3FA6]  }
0x2c: {  	s7 =	sld [smem:$0x3FA7]  }
0x2d: {  	s3 =	simm.s32 $0x108;
	s8 =	sld [smem:$0x3FA8]  }
0x2e: {  	s3 =	simm.s32 @!p0 $0x1082;
	s9 =	sld [smem:$0x3FA9]  }
0x2f: {  	lr =	sadd.s32 s0, s3;
	s0 =	sld [smem:$0x3FA0]  }
0x30: {  	s3 =	sld [smem:$0x3FA3]  }
0x31: {  	[smem:$0x3FAC] =	sst s10  }
0x32: {  	s10 =	sld [smem:$0x3FAA];
	_ =	sdelay $0x3  }
0x33: {  	p0 =	seq.s32 s10, $0x1;
	s10 =	sld [smem:$0x3FAC];
	_ =	sdelay $0x3  }
0x34: {  	[smem:$0x3FAC] =	sst s10  }
0x35: {  	s10 =	sld [smem:$0x3FAB];
	_ =	sdelay $0x3  }
0x36: {  	p1 =	seq.s32 s10, $0x1;
	s10 =	sld [smem:$0x3FAC];
	_ =	sdelay $0x3  }
0x37: {  	[smem:$0x3FAC] =	sst s10  }
0x38: {  	s10 =	sld [smem:$0x3FAD]  }
0x39: {  	_ = 	snop;
	(pc) =	sbr.ind lr, $3  }
0x3a: {  	_ = 	snop  }
0x3b: {  	_ = 	snop  }
0x3c: {  	p2 =	seq.s32 s10, $0x1;
	s10 =	sld [smem:$0x3FAC]  }
0x3d: {  	_ =	shalt  }
0x3e: {  	_ =	shalt  }
0x3f: {  	_ =	shalt  }
0x40: {  	_ =	shalt  }
0x41: {  	_ =	shalt  }
0x42: {  	_ =	shalt  }
0x43: {  	_ =	shalt  }
0x44: {  	_ =	shalt  }
0x45: {  	_ =	shalt  }
0x46: {  	_ =	shalt  }
0x47: {  	_ =	shalt  }
0x48: {  	_ =	shalt  }
0x49: {  	_ =	shalt  }
0x4a: {  	_ =	shalt  }
0x4b: {  	_ =	shalt  }
0x4c: {  	_ =	shalt  }
0x4d: {  	_ =	shalt  }
0x4e: {  	_ =	shalt  }
0x4f: {  	_ =	shalt  }
0x50: {  	_ =	shalt  }
0x51: {  	_ =	shalt  }
0x52: {  	_ =	shalt  }
0x53: {  	_ =	shalt  }
0x54: {  	_ =	shalt  }
0x55: {  	_ =	shalt  }
0x56: {  	_ =	shalt  }
0x57: {  	_ =	shalt  }
0x58: {  	_ =	shalt  }
0x59: {  	_ =	shalt  }
0x5a: {  	_ =	shalt  }
0x5b: {  	_ =	shalt  }
0x5c: {  	_ =	shalt  }
0x5d: {  	_ =	shalt  }
0x5e: {  	_ =	shalt  }
0x5f: {  	_ =	shalt  }
0x60: {  	_ =	shalt  }
0x61: {  	_ =	shalt  }
0x62: {  	_ =	shalt  }
0x63: {  	_ =	shalt  }
0x64: {  	_ =	shalt  }
0x65: {  	_ =	shalt  }
0x66: {  	_ =	shalt  }
0x67: {  	_ =	shalt  }
0x68: {  	_ =	shalt  }
0x69: {  	_ =	shalt  }
0x6a: {  	_ =	shalt  }
0x6b: {  	_ =	shalt  }
0x6c: {  	_ =	shalt  }
0x6d: {  	_ =	shalt  }
0x6e: {  	_ =	shalt  }
0x6f: {  	_ =	shalt  }
0x70: {  	_ =	shalt  }
0x71: {  	_ =	shalt  }
0x72: {  	_ =	shalt  }
0x73: {  	_ =	shalt  }
0x74: {  	_ =	shalt  }
0x75: {  	_ =	shalt  }
0x76: {  	_ =	shalt  }
0x77: {  	_ =	shalt  }
0x78: {  	_ =	shalt  }
0x79: {  	_ =	shalt  }
0x7a: {  	_ =	shalt  }
0x7b: {  	_ =	shalt  }
0x7c: {  	_ =	shalt  }
0x7d: {  	_ =	shalt  }
0x7e: {  	_ =	shalt  }
0x7f: {  	_ =	shalt  }
0x80: {  	_ =	shalt  }
0x81: {  	_ =	shalt  }
0x82: {  	_ =	shalt  }
0x83: {  	_ =	shalt  }
0x84: {  	_ =	shalt  }
0x85: {  	_ =	shalt  }
0x86: {  	_ =	shalt  }
0x87: {  	_ =	shalt  }
.Lfunc_end0:
.L_simem_size_0:
called_computation.3_lowered:
.L_overlay_start_0:
0x88: {  	s2 =	sld [smem:$0x3FD9]  }
0x89: {  	s3 =	sld [smem:$0x3FFE];
	_ =	sdelay $0x1  }
0x8a: {  	s1 =	srdreg.scid  }
0x8b: {  	s0 =	sand.u32 $0x1, s1  }
0x8c: {  	s16 =	sshll.u32 s0, $0xA;
	s2 =	sadd.s32 s3, s2  }
0x8d: {  	s2 =	sadd.s32 s2, s16  }
0x8e: {  	[smem:$0x3FB8] =	sst s2  }
0x8f: {  	_ = 	snop  }
0x90: {  	(tm) =	ssettm $0x1  }
0x91: {  	s17 =	sld [smem:$0x3FFB];
	_ =	sdelay $0x3  }
0x92: {  	_ =	strace s17  }
0x93: {  	s2 =	sld [smem:$0x3FFC];
	_ =	sdelay $0x3  }
0x94: {  	_ =	strace s2  }
0x95: {  	s2 =	sld [smem:$0x3FFD];
	_ =	sdelay $0x3  }
0x96: {  	_ =	strace s2  }
0x97: {  	_ =	strace $0x8FFFFFFF  }
0x98: {  	s18 =	sld [smem:$0x3FDB];
	_ =	sdelay $0x1  }
0x99: {  	s19 =	simm.s32 $_scs_section_size  }
0x9a: {  	s4 =	simm.s32 $_size__tile_overlayer_lowered;
	s5 =	simm.s32 $_tile_overlayer_lowered  }
0x9b: {  	s22 =	simm.s32 $0x1BFF;
	s21 =	sshll.u32 s5, $0x1;
	s2 =	sadd.s32 s19, s18  }
0x9c: {  	s6 =	simm.s32 $0x0;
	s20 =	sshll.u32 s4, $0x1;
	s4 =	sadd.s32 s21, s2  }
0x9d: {  	[timem:s6], [sflag:s22] =	dma.local [hbm:s4], s20  }
0x9e: {  	_ =	swait.ge [sflag:s22], s20  }
0x9f: {  	s3 =	ssub.s32 $0x0, s20;
	[sflag:s22] =	ssyncset.done $0x0  }
0xa0: {  	[sflag:s22] =	ssyncadd.s32 s3;
	_ =	sdelay $0x1  }
0xa1: {  	s23 =	simm.s32 $0x1B8B  }
0xa2: {  	_ =	swait.ge [sflag:s23], $0x1  }
0xa3: {  	[sflag:s23] =	ssyncset.done $0x0  }
0xa4: {  	s25 =	simm.s32 $0x1B8E;
	s24 =	sld [smem:$0x3FFE];
	[sflag:s23] =	ssyncadd.s32 $0xFFFFFFFF  }
0xa5: {  	s26 =	simm.s32 $execute0_lowered;
	[smem:$0x3FD2] =	sst s25  }
0xa6: {  	s4 =	sshll.u32 s26, $0x1;
	_ =	strace $0x8000004F;
	[dreg:$0x1] =	wrdreg $0xFFFFFFFF  }
0xa7: {  	s28 =	simm.s32 $_size_execute0_lowered;
	s2 =	sadd.s32 s2, s4;
	[dreg:$0x0] =	wrdreg $0x0  }
0xa8: {  	s4 =	sshll.u32 s28, $0x1;
	[dreg:$0x2] =	wrdreg s2  }
0xa9: {  	[dreg:$0x3] =	wrdreg s4  }
0xaa: {  	[dreg:$0x4] =	wrdreg $0xC0  }
0xab: {  	_ =	task [dreg:s6], $0x5FFFF  }
0xac: {  	[dreg:$0x1] =	wrdreg $0xFFFFFFFF  }
0xad: {  	[dreg:$0x0] =	wrdreg $0x60  }
0xae: {  	[dreg:$0x2] =	wrdreg s24  }
0xaf: {  	[dreg:$0x3] =	wrdreg $0x61000  }
0xb0: {  	[dreg:$0x4] =	wrdreg $0x9  }
0xb1: {  	_ =	task.clear_ibuf [dreg:s6], $0x5FFFF;
	_ =	strace $0x9000004F  }
0xb2: {  	s29 =	simm.s32 $0x9;
	_ =	strace $0x80000051  }
0xb3: {  	_ =	swait.ge [sflag:s29], $0x1  }
0xb4: {  	[sflag:s29] =	ssyncadd.s32 $0xFFFFFFFF  }
0xb5: {  	_ =	strace $0x90000051  }
0xb6: {  	_ =	sfence  }
0xb7: {  	s30 =	sld [smem:$0x0];
	_ =	sdelay $0x2  }
0xb8: {  	s31 =	sshll.u32 s1, $0xD;
	s1 =	sshrl.u32 s1, $0x2  }
0xb9: {  	s3 =	sand.u32 $0x4000, s31;
	s1 =	sadd.s32 s1, s30  }
0xba: {  	s0 =	sor.u32 s3, s0;
	s1 =	sshll.u32 s1, $0x11  }
0xbb: {  	s0 =	sor.u32 s1, s0  }
0xbc: {  	s0 =	sadd.s32 $0x8F2B, s0  }
0xbd: {  	[sflag:s0] =	ssyncadd.remote.s32 $0x1  }
0xbe: {  	_ =	sfence.sel $0xFFFF  }
0xbf: {  	[dreg:$0x0] =	wrdreg $0xFFFFFFFF;
	(pc) =	sbr.abs _section_cstart, $3  }
0xc0: {  	[dreg:$0x1] =	wrdreg $0xFFFFFFFF  }
0xc1: {  	_ =	task.clear_ibuf [dreg:s6], $0x2FFFF;
	_ =	strace $0x9FFFFFFF  }
0xc2: {  	(tm) =	ssettm $0x7FFFFFFF  }
0xc3: {  	_ =	shalt  }
tec
execute0_lowered:
.L_overlay_start_1:
0x0: {  	(tag) =	ssettag $0x1  }
0x1: {  	s7 =	rddreg [dreg:$0x0]  }
0x2: {  	s2 =	rddreg [dreg:$0x1]  }
0x3: {  	s0 =	rddreg [dreg:$0x2]  }
0x4: {  	s4 =	srdreg.scid;
	s1 =	stileid.u32;
	s3 =	simm.s32 $0x0  }
0x5: {  	s14 =	simm.s32 $0x80;
	s15 =	simm.s32 $0x100;
	s16 =	simm.s32 $0x1  }
0x6: {  	s19 =	simm.s32 $0x0;
	s9 =	sand.u32 $0x1, s4;
	s8 =	smul.u32 $0x5000, s1  }
0x7: {  	[smem:$0x7FF] =	sst s3;
	s4 =	sadd.s32 $0x18600, s7;
	s5 =	sadd.s32 $0xE800, s7  }
0x8: {  	s29 =	sshll.u32 s1, $0x1;
	s31 =	sshll.u32 s1, $0x8;
	s17 =	sshll.u32 s1, $0x6  }
0x9: {  	s6 =	smul.u32 $0x50000, s9;
	_ =	strace $0x80000050;
	s11 =	ssub.s32 $0x2, s9  }
0xa: {  	s30 =	sor.u32 s29, s9;
	s13 =	sshll.u32 s9, $0x7;
	s17 =	sor.u32 $0x1C02, s17  }
0xb: {  	s12 =	sshrl.u32 s11, $0x1;
	s10 =	sadd.s32 s8, s6;
	s6 =	sadd.s32 $0x22600, s7  }
0xc: {  	s11 =	ssub.s32 s11, s12;
	s12 =	simm.s32 $0x1100;
	s10 =	sshrl.u32 s10, $0x3  }
0xd: {  	s9 =	smax.u32 s11, $0x1;
	s11 =	sor.u32 s13, s31;
	s10 =	sadd.s32 s10, s7  }
0xe: {  	s7 =	sadd.s32 s8, s2;
	s8 =	sadd.s32 $0x2C400, s10;
	s10 =	ssub.s32 $0x9E3, s30  }
0xf: {  	v0 =	vimm.f32 $0.0e+00;
	s13 =	simm.s32 $0x2;
	s18 =	sshrl.u32 s7, $0x3;
	s10 =	sshrl.u32 s10, $0x5  }
.LBB2_1:
0x10: {  	s20 =	simm.s32 $0x80;
	s21 =	simm.s32 $0x0  }
.LBB2_2:
0x11: {  	p0 =	sne.s32 s20, $0x13F80;
	[tilespmem:s21+$0x1100] =	vst v0;
	s22 =	smov.u32 s20;
	s20 =	sadd.s32 $0x80, s20  }
.Ltmp0:
0x12: {  	[tilespmem:s21+$0x1110] =	vst v0;
	(pc) =	sbr.rel @p0 .LBB2_2-.Ltmp0, $2  }
0x13: {  	_ =	sdelay $0x2  }
0x14: {  	s21 =	sshra.s32 s22, $0x2  }
0x15: {  	[tilespmem:s21+$0x1100] =	vst v0  }
0x16: {  	[tilespmem:s21+$0x1110] =	vst v0;
	p1 =	sne.s32 s10, $0x1  }
0x17: {  	[spmem:s7] =	stream.linear.scatter [tilespmem:s12], [sflag:$0x2], $0x5000, $0x38;
	[tilespmem:$0xB100] =	vst v63  }
.Ltmp1:
0x18: {  	_ =	swait.ge [sflag:s13], $0x5000;
	(pc) =	sbr.rel @!p1 .LBB2_6-.Ltmp1, $4  }
0x19: {  	[sflag:s13] =	ssyncset.done $0x0  }
0x1a: {  	[sflag:s13] =	ssyncadd.s32 $0xFFFFB000  }
0x1b: {  	[bflag:$0x0] =	sbarrier.arrive $0xFFFF  }
0x1c: {  	s20 =	sadd.s32 $0xFFFFFFFF, s10;
	s22 =	sshrl.u32 s11, $0x3;
	p0 =	por $0x0, $0x0  }
0x1d: {  	s21 =	sadd.s32 s5, s22  }
0x1e: {  	[tilespmem:s3], [sflag:$0x2] =	stream.linear.gather [hbm4b:s21+s3], $0x80, $0x38;
	[tilespmem:$0xB100] =	vst v63  }
0x1f: {  	_ =	swait.ge [sflag:s13], $0x80  }
0x20: {  	[sflag:s13] =	ssyncset.done $0x0  }
0x21: {  	s31 =	sadd.s32 s6, s22;
	[sflag:s13] =	ssyncadd.s32 $0xFFFFFF80  }
0x22: {  	[tilespmem:s14], [sflag:$0x2] =	stream.linear.gather [hbm4b:s31+s3], $0x80, $0x38;
	[tilespmem:$0xB100] =	vst v63  }
0x23: {  	_ =	swait.ge [sflag:s13], $0x80  }
0x24: {  	[sflag:s13] =	ssyncset.done $0x0  }
0x25: {  	[sflag:s13] =	ssyncadd.s32 $0xFFFFFF80  }
0x26: {  	[tilespmem:s15], [sflag:$0x1] =	stream.indirect.gather [hbm4b:s4+s14], $0x20, s3, s14, $0xb8;
	[tilespmem:$0xB100] =	vst v63  }
0x27: {  	p1 =	sne.s32 s20, $0x1;
	_ =	swait.ge [sflag:s16], $0x1000  }
.Ltmp2:
0x28: {  	[sflag:s16] =	ssyncset.done $0x0;
	(pc) =	sbr.rel @!p1 .LBB2_6-.Ltmp2, $4  }
0x29: {  	[sflag:s16] =	ssyncadd.s32 $0xFFFFF000  }
0x2a: {  	[spmem:s2] =	stream.indirect.scatter.add.f32 [tilespmem:s15], [sflag:$0x2], $0x20, s14, s14, $0xb8;
	[tilespmem:$0xB100] =	vst v63  }
0x2b: {  	s20 =	sadd.s32 $0xFFFFFFFF, s20;
	s21 =	sadd.s32 $0x1000, s11;
	_ =	swait.ge [sflag:s13], $0x1000  }
0x2c: {  	p0 =	por $0x1, $0x1;
	s22 =	sshrl.u32 s21, $0x3;
	[sflag:s13] =	ssyncset.done $0x0  }
.LBB2_5:
0x2d: {  	p1 =	sne.s32 s20, $0x1;
	s23 =	sadd.s32 s5, s22;
	[sflag:s13] =	ssyncadd.s32 $0xFFFFF000  }
0x2e: {  	[tilespmem:s3], [sflag:$0x2] =	stream.linear.gather [hbm4b:s23+s3], $0x80, $0x38;
	[tilespmem:$0xB100] =	vst v63  }
0x2f: {  	s20 =	sadd.s32 $0xFFFFFFFF, s20;
	_ =	swait.ge [sflag:s13], $0x80  }
0x30: {  	[sflag:s13] =	ssyncset.done $0x0  }
0x31: {  	s22 =	sadd.s32 s6, s22;
	[sflag:s13] =	ssyncadd.s32 $0xFFFFFF80  }
0x32: {  	[tilespmem:s14], [sflag:$0x2] =	stream.linear.gather [hbm4b:s22+s3], $0x80, $0x38;
	[tilespmem:$0xB100] =	vst v63  }
0x33: {  	_ =	swait.ge [sflag:s13], $0x80  }
0x34: {  	[sflag:s13] =	ssyncset.done $0x0  }
0x35: {  	[sflag:s13] =	ssyncadd.s32 $0xFFFFFF80  }
0x36: {  	[tilespmem:s15], [sflag:$0x1] =	stream.indirect.gather [hbm4b:s4+s14], $0x20, s3, s14, $0xb8;
	[tilespmem:$0xB100] =	vst v63  }
0x37: {  	_ =	swait.ge [sflag:s16], $0x1000  }
.Ltmp3:
0x38: {  	[sflag:s16] =	ssyncset.done $0x0;
	(pc) =	sbr.rel @p1 .LBB2_5-.Ltmp3, $4  }
0x39: {  	[sflag:s16] =	ssyncadd.s32 $0xFFFFF000  }
0x3a: {  	[spmem:s2] =	stream.indirect.scatter.add.f32 [tilespmem:s15], [sflag:$0x2], $0x20, s14, s14, $0xb8;
	[tilespmem:$0xB100] =	vst v63  }
0x3b: {  	s21 =	sadd.s32 $0x1000, s21;
	_ =	swait.ge [sflag:s13], $0x1000  }
0x3c: {  	s22 =	sshrl.u32 s21, $0x3;
	[sflag:s13] =	ssyncset.done $0x0  }
.LBB2_6:
0x3d: {  	s20 =	sadd.s32 s5, s22;
	[sflag:s13] =	ssyncadd.s32 @p0 $0xFFFFF000  }
0x3e: {  	[tilespmem:s3], [sflag:$0x2] =	stream.linear.gather [hbm4b:s20+s3], $0x80, $0x38;
	[tilespmem:$0xB100] =	vst v63  }
0x3f: {  	_ =	swait.ge [sflag:s13], $0x80  }
0x40: {  	[sflag:s13] =	ssyncset.done $0x0  }
0x41: {  	s31 =	sadd.s32 s6, s22;
	[sflag:s13] =	ssyncadd.s32 $0xFFFFFF80  }
0x42: {  	[tilespmem:s14], [sflag:$0x2] =	stream.linear.gather [hbm4b:s31+s3], $0x80, $0x38;
	[tilespmem:$0xB100] =	vst v63  }
0x43: {  	_ =	swait.ge [sflag:s13], $0x80  }
0x44: {  	[sflag:s13] =	ssyncset.done $0x0  }
0x45: {  	[sflag:s13] =	ssyncadd.s32 $0xFFFFFF80  }
0x46: {  	[tilespmem:s15], [sflag:$0x1] =	stream.indirect.gather [hbm4b:s4+s14], $0x20, s3, s14, $0xb8;
	[tilespmem:$0xB100] =	vst v63  }
0x47: {  	_ =	swait.ge [sflag:s16], $0x1000  }
0x48: {  	[sflag:s16] =	ssyncset.done $0x0  }
0x49: {  	[sflag:s16] =	ssyncadd.s32 $0xFFFFF000  }
0x4a: {  	[spmem:s2] =	stream.indirect.scatter.add.f32 [tilespmem:s15], [sflag:$0x2], $0x20, s14, s14, $0xb8;
	[tilespmem:$0xB100] =	vst v63  }
0x4b: {  	_ =	swait.ge [sflag:s13], $0x1000  }
0x4c: {  	s19 =	sadd.s32 $0x1, s19;
	[sflag:s13] =	ssyncset.done $0x0  }
0x4d: {  	p0 =	sne.s32 s19, s9;
	[sflag:s13] =	ssyncadd.s32 $0xFFFFF000  }
.Ltmp4:
0x4e: {  	[bflag:$0x0] =	sbarrier.arrive $0xFFFF;
	(pc) =	sbr.rel @p0 .LBB2_1-.Ltmp4, $4  }
0x4f: {  	[hbm:s8], [sflag:s17] =	dma.local [spmem:s18], $0xA00  }
0x50: {  	_ =	swait.ge [sflag:s13], $0xA00  }
0x51: {  	[sflag:s13] =	ssyncset.done $0x0  }
0x52: {  	[sflag:s13] =	ssyncadd.s32 $0xFFFFF600  }
0x53: {  	_ =	sfence.sel $0x180000  }
0x54: {  	[bflag:$0x0] =	sbarrier.arrive $0xFFFF  }
0x55: {  	p0 =	sne.s32 s1, $0x0;
	_ =	strace $0x90000050  }
0x56: {  	s0 =	sadd.s32 @!p0 $0x100000, s0;
	[bflag:$0x2] =	sbarrier.arrive $0xFFFF  }
0x57: {  	[sflag:s0] =	ssyncadd.tile.s32 @!p0 $0x1;
	_ =	shalt  }
.Lfunc_end2:
_tile_overlayer_lowered:
.L_overlay_start_2:
0x58: {  	(tag) =	ssettag $0x2  }
0x59: {  	s0 =	rddreg [dreg:$0x0];
	s2 =	stileid.u32  }
0x5a: {  	s1 =	rddreg [dreg:$0x1];
	p0 =	sne.s32 s2, $0x0  }
0x5b: {  	s3 =	rddreg [dreg:$0x2];
	[bflag:$0x3] =	sbarrier.arrive $0xFFFF;
	s2 =	simm.s32 @!p0 $0x1C02  }
0x5c: {  	[timem:s3], [sflag:s2] =	dma.local @!p0 [hbm:s0], s1  }
0x5d: {  	s0 =	simm.s32 @!p0 $0x2  }
0x5e: {  	_ =	swait.ge @!p0 [sflag:s0], s1  }
0x5f: {  	s1 =	ssub.s32 @!p0 $0x0, s1;
	[sflag:s0] =	ssyncset.done @!p0 $0x0  }
0x60: {  	[sflag:s0] =	ssyncadd.s32 @!p0 s1  }
0x61: {  	[bflag:$0x3] =	sbarrier.arrive $0xFFFF  }
0x62: {  	_ =	shalt  }

// kernel: kernel.27.cloned.1.call-start
scs
__scs_entry_jumppad:
0x0: {  	(pc) =	sbr.rel $0x88, $3  }
0x1: {  	(tag) =	ssettag $0x0;
	lr =	simm.s32 $0x1  }
0x2: {  	[smem:$0x3F91] =	sst lr;
	_ =	strace $0xD0000000  }
0x3: {  	_ = 	snop  }
0x4: {  	_ = 	snop  }
0x5: {  	_ = 	snop  }
0x6: {  	_ = 	snop  }
0x7: {  	_ = 	snop  }
__scs_overlays_trampoline_lowered:
0x8: {  	[smem:$0x3FA0] =	sst s0  }
0x9: {  	[smem:$0x3FA1] =	sst s1  }
0xa: {  	[smem:$0x3FA2] =	sst s2  }
0xb: {  	[smem:$0x3FA3] =	sst s3  }
0xc: {  	[smem:$0x3FA4] =	sst s4  }
0xd: {  	[smem:$0x3FA5] =	sst s5  }
0xe: {  	[smem:$0x3FA6] =	sst s6  }
0xf: {  	[smem:$0x3FA7] =	sst s7  }
0x10: {  	[smem:$0x3FA8] =	sst s8  }
0x11: {  	[smem:$0x3FA9] =	sst s9;
	s0 =	simm.s32 @!p0 $0x0  }
0x12: {  	s1 =	sld [smem:$0x3F8F];
	s0 =	simm.s32 @p0 $0x1  }
0x13: {  	[smem:$0x3FAA] =	sst s0;
	s0 =	simm.s32 @!p1 $0x0  }
0x14: {  	s2 =	sld [smem:$0x3F8E];
	s0 =	simm.s32 @p1 $0x1  }
0x15: {  	[smem:$0x3FAB] =	sst s0;
	s0 =	simm.s32 @!p2 $0x0  }
0x16: {  	s3 =	sld [smem:$0x3FDB];
	s0 =	simm.s32 @p2 $0x1  }
0x17: {  	s4 =	simm.s32 $0x1BF5;
	[smem:$0x3FAD] =	sst s0  }
0x18: {  	s0 =	sld [smem:$0x3F90];
	_ =	swait.ge [sflag:s4], $0x0  }
0x19: {  	s7 =	sld [smem:$0x3F91]  }
0x1a: {  	s8 =	sadd.s32 $0xFFFFE003, lr  }
0x1b: {  	s9 =	sadd.s32 $0xFFFFFEF7, lr;
	s5 =	simm.s32 $0xFFFFFFFF;
	p2 =	slt.u32 s8, $0xFFFFF086  }
0x1c: {  	p1 =	slt.u32 s9, $0xF7A;
	s5 =	simm.s32 @!p2 $0x0  }
0x1d: {  	s5 =	simm.s32 @p1 $0x1;
	p0 =	seq.s32 s7, s2  }
0x1e: {  	s7 =	smul.u32 @!p0 $0xF7A, s2;
	p2 =	seq.s32 @!p0 s5, $0x0  }
0x1f: {  	s9 =	smul.u32 $0xF7A, s1;
	s8 =	simm.s32 @!p0 $0x1BF5;
	p2 =	por !p2, p0  }
0x20: {  	[sflag:s8] =	ssyncset.s32 @!p0 $0xFFFFF086;
	s6 =	sadd.s32 @!p0 s3, s7;
	s7 =	simm.s32 @!p0 $0x108  }
0x21: {  	s3 =	sadd.s32 s3, s9;
	s6 =	sadd.s32 @!p0 $0x88, s6;
	s7 =	simm.s32 @p2 $0x1082  }
0x22: {  	[simem:s7], [sflag:s8] =	dma.local @!p0 [hbm:s6], $0xF7A  }
0x23: {  	s9 =	sor.u32 $0xD0000000, s2;
	s6 =	simm.s32 $0x108;
	_ =	swait.ge @!p0 [sflag:s8], $0x0  }
0x24: {  	s3 =	sadd.s32 $0x88, s3;
	s6 =	simm.s32 @!p1 $0x1082;
	[sflag:s4] =	ssyncset.s32 $0xFFFFF086  }
0x25: {  	[simem:s6], [sflag:s4] =	dma.local [hbm:s3], $0xF7A  }
0x26: {  	[smem:$0x3F91] =	sst s1;
	(tag) =	ssettag s2;
	_ =	strace s9  }
0x27: {  	s1 =	sld [smem:$0x3FA1]  }
0x28: {  	s2 =	sld [smem:$0x3FA2]  }
0x29: {  	s4 =	sld [smem:$0x3FA4]  }
0x2a: {  	p0 =	seq.s32 s5, $0x0;
	s5 =	sld [smem:$0x3FA5]  }
0x2b: {  	s6 =	sld [smem:$0x3FA6]  }
0x2c: {  	s7 =	sld [smem:$0x3FA7]  }
0x2d: {  	s3 =	simm.s32 $0x108;
	s8 =	sld [smem:$0x3FA8]  }
0x2e: {  	s3 =	simm.s32 @!p0 $0x1082;
	s9 =	sld [smem:$0x3FA9]  }
0x2f: {  	lr =	sadd.s32 s0, s3;
	s0 =	sld [smem:$0x3FA0]  }
0x30: {  	s3 =	sld [smem:$0x3FA3]  }
0x31: {  	[smem:$0x3FAC] =	sst s10  }
0x32: {  	s10 =	sld [smem:$0x3FAA];
	_ =	sdelay $0x3  }
0x33: {  	p0 =	seq.s32 s10, $0x1;
	s10 =	sld [smem:$0x3FAC];
	_ =	sdelay $0x3  }
0x34: {  	[smem:$0x3FAC] =	sst s10  }
0x35: {  	s10 =	sld [smem:$0x3FAB];
	_ =	sdelay $0x3  }
0x36: {  	p1 =	seq.s32 s10, $0x1;
	s10 =	sld [smem:$0x3FAC];
	_ =	sdelay $0x3  }
0x37: {  	[smem:$0x3FAC] =	sst s10  }
0x38: {  	s10 =	sld [smem:$0x3FAD]  }
0x39: {  	_ = 	snop;
	(pc) =	sbr.ind lr, $3  }
0x3a: {  	_ = 	snop  }
0x3b: {  	_ = 	snop  }
0x3c: {  	p2 =	seq.s32 s10, $0x1;
	s10 =	sld [smem:$0x3FAC]  }
0x3d: {  	_ =	shalt  }
0x3e: {  	_ =	shalt  }
0x3f: {  	_ =	shalt  }
0x40: {  	_ =	shalt  }
0x41: {  	_ =	shalt  }
0x42: {  	_ =	shalt  }
0x43: {  	_ =	shalt  }
0x44: {  	_ =	shalt  }
0x45: {  	_ =	shalt  }
0x46: {  	_ =	shalt  }
0x47: {  	_ =	shalt  }
0x48: {  	_ =	shalt  }
0x49: {  	_ =	shalt  }
0x4a: {  	_ =	shalt  }
0x4b: {  	_ =	shalt  }
0x4c: {  	_ =	shalt  }
0x4d: {  	_ =	shalt  }
0x4e: {  	_ =	shalt  }
0x4f: {  	_ =	shalt  }
0x50: {  	_ =	shalt  }
0x51: {  	_ =	shalt  }
0x52: {  	_ =	shalt  }
0x53: {  	_ =	shalt  }
0x54: {  	_ =	shalt  }
0x55: {  	_ =	shalt  }
0x56: {  	_ =	shalt  }
0x57: {  	_ =	shalt  }
0x58: {  	_ =	shalt  }
0x59: {  	_ =	shalt  }
0x5a: {  	_ =	shalt  }
0x5b: {  	_ =	shalt  }
0x5c: {  	_ =	shalt  }
0x5d: {  	_ =	shalt  }
0x5e: {  	_ =	shalt  }
0x5f: {  	_ =	shalt  }
0x60: {  	_ =	shalt  }
0x61: {  	_ =	shalt  }
0x62: {  	_ =	shalt  }
0x63: {  	_ =	shalt  }
0x64: {  	_ =	shalt  }
0x65: {  	_ =	shalt  }
0x66: {  	_ =	shalt  }
0x67: {  	_ =	shalt  }
0x68: {  	_ =	shalt  }
0x69: {  	_ =	shalt  }
0x6a: {  	_ =	shalt  }
0x6b: {  	_ =	shalt  }
0x6c: {  	_ =	shalt  }
0x6d: {  	_ =	shalt  }
0x6e: {  	_ =	shalt  }
0x6f: {  	_ =	shalt  }
0x70: {  	_ =	shalt  }
0x71: {  	_ =	shalt  }
0x72: {  	_ =	shalt  }
0x73: {  	_ =	shalt  }
0x74: {  	_ =	shalt  }
0x75: {  	_ =	shalt  }
0x76: {  	_ =	shalt  }
0x77: {  	_ =	shalt  }
0x78: {  	_ =	shalt  }
0x79: {  	_ =	shalt  }
0x7a: {  	_ =	shalt  }
0x7b: {  	_ =	shalt  }
0x7c: {  	_ =	shalt  }
0x7d: {  	_ =	shalt  }
0x7e: {  	_ =	shalt  }
0x7f: {  	_ =	shalt  }
0x80: {  	_ =	shalt  }
0x81: {  	_ =	shalt  }
0x82: {  	_ =	shalt  }
0x83: {  	_ =	shalt  }
0x84: {  	_ =	shalt  }
0x85: {  	_ =	shalt  }
0x86: {  	_ =	shalt  }
0x87: {  	_ =	shalt  }
.Lfunc_end0:
.L_simem_size_0:
called_computation.4_lowered:
.L_overlay_start_0:
0x88: {  	s2 =	sld [smem:$0x3FD9]  }
0x89: {  	s3 =	sld [smem:$0x3FFE];
	_ =	sdelay $0x1  }
0x8a: {  	s1 =	srdreg.scid  }
0x8b: {  	s0 =	sand.u32 $0x1, s1  }
0x8c: {  	s16 =	sshll.u32 s0, $0xA;
	s2 =	sadd.s32 s3, s2  }
0x8d: {  	s2 =	sadd.s32 s2, s16  }
0x8e: {  	[smem:$0x3FB8] =	sst s2  }
0x8f: {  	_ = 	snop  }
0x90: {  	(tm) =	ssettm $0x1  }
0x91: {  	s17 =	sld [smem:$0x3FFB];
	_ =	sdelay $0x3  }
0x92: {  	_ =	strace s17  }
0x93: {  	s2 =	sld [smem:$0x3FFC];
	_ =	sdelay $0x3  }
0x94: {  	_ =	strace s2  }
0x95: {  	s2 =	sld [smem:$0x3FFD];
	_ =	sdelay $0x3  }
0x96: {  	_ =	strace s2  }
0x97: {  	_ =	strace $0x8FFFFFFF  }
0x98: {  	s18 =	sld [smem:$0x3FDB];
	_ =	sdelay $0x1  }
0x99: {  	s19 =	simm.s32 $_scs_section_size  }
0x9a: {  	s4 =	simm.s32 $_size__tile_overlayer_lowered;
	s5 =	simm.s32 $_tile_overlayer_lowered  }
0x9b: {  	s22 =	simm.s32 $0x1BFF;
	s21 =	sshll.u32 s5, $0x1;
	s2 =	sadd.s32 s19, s18  }
0x9c: {  	s6 =	simm.s32 $0x0;
	s20 =	sshll.u32 s4, $0x1;
	s4 =	sadd.s32 s21, s2  }
0x9d: {  	[timem:s6], [sflag:s22] =	dma.local [hbm:s4], s20  }
0x9e: {  	_ =	swait.ge [sflag:s22], s20  }
0x9f: {  	s3 =	ssub.s32 $0x0, s20;
	[sflag:s22] =	ssyncset.done $0x0  }
0xa0: {  	[sflag:s22] =	ssyncadd.s32 s3;
	_ =	sdelay $0x1  }
0xa1: {  	s23 =	simm.s32 $0x1B8B  }
0xa2: {  	_ =	swait.ge [sflag:s23], $0x1  }
0xa3: {  	[sflag:s23] =	ssyncset.done $0x0  }
0xa4: {  	s25 =	simm.s32 $0x1B8E;
	s24 =	sld [smem:$0x3FFE];
	[sflag:s23] =	ssyncadd.s32 $0xFFFFFFFF  }
0xa5: {  	s26 =	simm.s32 $execute0_lowered;
	[smem:$0x3FD2] =	sst s25  }
0xa6: {  	s4 =	sshll.u32 s26, $0x1;
	_ =	strace $0x80000052;
	[dreg:$0x1] =	wrdreg $0xFFFFFFFF  }
0xa7: {  	s28 =	simm.s32 $_size_execute0_lowered;
	s2 =	sadd.s32 s2, s4;
	[dreg:$0x0] =	wrdreg $0x0  }
0xa8: {  	s4 =	sshll.u32 s28, $0x1;
	[dreg:$0x2] =	wrdreg s2  }
0xa9: {  	[dreg:$0x3] =	wrdreg s4  }
0xaa: {  	[dreg:$0x4] =	wrdreg $0xC0  }
0xab: {  	_ =	task [dreg:s6], $0x5FFFF  }
0xac: {  	[dreg:$0x1] =	wrdreg $0xFFFFFFFF  }
0xad: {  	[dreg:$0x0] =	wrdreg $0x60  }
0xae: {  	[dreg:$0x2] =	wrdreg s24  }
0xaf: {  	[dreg:$0x3] =	wrdreg $0x31000  }
0xb0: {  	[dreg:$0x4] =	wrdreg $0x9  }
0xb1: {  	_ =	task.clear_ibuf [dreg:s6], $0x5FFFF;
	_ =	strace $0x90000052  }
0xb2: {  	s29 =	simm.s32 $0x9;
	_ =	strace $0x80000054  }
0xb3: {  	_ =	swait.ge [sflag:s29], $0x1  }
0xb4: {  	[sflag:s29] =	ssyncadd.s32 $0xFFFFFFFF  }
0xb5: {  	_ =	strace $0x90000054  }
0xb6: {  	_ =	sfence  }
0xb7: {  	s30 =	sld [smem:$0x0];
	_ =	sdelay $0x2  }
0xb8: {  	s31 =	sshll.u32 s1, $0xD;
	s1 =	sshrl.u32 s1, $0x2  }
0xb9: {  	s3 =	sand.u32 $0x4000, s31;
	s1 =	sadd.s32 s1, s30  }
0xba: {  	s0 =	sor.u32 s3, s0;
	s1 =	sshll.u32 s1, $0x11  }
0xbb: {  	s0 =	sor.u32 s1, s0  }
0xbc: {  	s0 =	sadd.s32 $0x8F2B, s0  }
0xbd: {  	[sflag:s0] =	ssyncadd.remote.s32 $0x1  }
0xbe: {  	_ =	sfence.sel $0xFFFF  }
0xbf: {  	[dreg:$0x0] =	wrdreg $0xFFFFFFFF;
	(pc) =	sbr.abs _section_cstart, $3  }
0xc0: {  	[dreg:$0x1] =	wrdreg $0xFFFFFFFF  }
0xc1: {  	_ =	task.clear_ibuf [dreg:s6], $0x2FFFF;
	_ =	strace $0x9FFFFFFF  }
0xc2: {  	(tm) =	ssettm $0x7FFFFFFF  }
0xc3: {  	_ =	shalt  }
tec
execute0_lowered:
.L_overlay_start_1:
0x0: {  	(tag) =	ssettag $0x1  }
0x1: {  	s7 =	rddreg [dreg:$0x0]  }
0x2: {  	s2 =	rddreg [dreg:$0x1]  }
0x3: {  	s0 =	rddreg [dreg:$0x2]  }
0x4: {  	s4 =	srdreg.scid;
	s1 =	stileid.u32;
	s3 =	simm.s32 $0x0  }
0x5: {  	s14 =	simm.s32 $0x80;
	s15 =	simm.s32 $0x100;
	s16 =	simm.s32 $0x1  }
0x6: {  	s19 =	simm.s32 $0x0;
	s9 =	sand.u32 $0x1, s4;
	s8 =	smul.u32 $0x2800, s1  }
0x7: {  	[smem:$0x7FF] =	sst s3;
	s4 =	sadd.s32 $0x4A00, s7;
	s5 =	sadd.s32 $0xE800, s7  }
0x8: {  	s29 =	sshll.u32 s1, $0x1;
	s31 =	sshll.u32 s1, $0x8;
	s17 =	sshll.u32 s1, $0x6  }
0x9: {  	s6 =	smul.u32 $0x28000, s9;
	_ =	strace $0x80000053;
	s11 =	ssub.s32 $0x2, s9  }
0xa: {  	s30 =	sor.u32 s29, s9;
	s13 =	sshll.u32 s9, $0x7;
	s17 =	sor.u32 $0x1C02, s17  }
0xb: {  	s12 =	sshrl.u32 s11, $0x1;
	s10 =	sadd.s32 s8, s6;
	s6 =	sadd.s32 $0x22600, s7  }
0xc: {  	s11 =	ssub.s32 s11, s12;
	s12 =	simm.s32 $0x900;
	s10 =	sshrl.u32 s10, $0x3  }
0xd: {  	s9 =	smax.u32 s11, $0x1;
	s11 =	sor.u32 s13, s31;
	s10 =	sadd.s32 s10, s7  }
0xe: {  	s7 =	sadd.s32 s8, s2;
	s8 =	sadd.s32 $0x18600, s10;
	s10 =	ssub.s32 $0x9E3, s30  }
0xf: {  	v0 =	vimm.f32 $0.0e+00;
	s13 =	simm.s32 $0x2;
	s18 =	sshrl.u32 s7, $0x3;
	s10 =	sshrl.u32 s10, $0x5  }
.LBB2_1:
0x10: {  	s20 =	simm.s32 $0x40;
	s21 =	simm.s32 $0x0  }
.LBB2_2:
0x11: {  	p0 =	sne.s32 s20, $0x9FC0;
	[tilespmem:s21+$0x900] =	vst v0;
	s21 =	smov.u32 s20;
	s20 =	sadd.s32 $0x40, s20  }
.Ltmp0:
0x12: {  	(pc) =	sbr.rel @p0 .LBB2_2-.Ltmp0, $2  }
0x13: {  	_ =	sdelay $0x2  }
0x14: {  	s21 =	sshra.s32 s21, $0x2  }
0x15: {  	[tilespmem:s21+$0x900] =	vst v0;
	p1 =	sne.s32 s10, $0x1  }
0x16: {  	[spmem:s7] =	stream.linear.scatter [tilespmem:s12], [sflag:$0x2], $0x2800, $0x38;
	[tilespmem:$0x5900] =	vst v63  }
.Ltmp1:
0x17: {  	_ =	swait.ge [sflag:s13], $0x2800;
	(pc) =	sbr.rel @!p1 .LBB2_6-.Ltmp1, $4  }
0x18: {  	[sflag:s13] =	ssyncset.done $0x0  }
0x19: {  	[sflag:s13] =	ssyncadd.s32 $0xFFFFD800  }
0x1a: {  	[bflag:$0x0] =	sbarrier.arrive $0xFFFF  }
0x1b: {  	s20 =	sadd.s32 $0xFFFFFFFF, s10;
	s22 =	sshrl.u32 s11, $0x3;
	p0 =	por $0x0, $0x0  }
0x1c: {  	s21 =	sadd.s32 s5, s22  }
0x1d: {  	[tilespmem:s3], [sflag:$0x2] =	stream.linear.gather [hbm4b:s21+s3], $0x80, $0x38;
	[tilespmem:$0x5900] =	vst v63  }
0x1e: {  	_ =	swait.ge [sflag:s13], $0x80  }
0x1f: {  	[sflag:s13] =	ssyncset.done $0x0  }
0x20: {  	s31 =	sadd.s32 s6, s22;
	[sflag:s13] =	ssyncadd.s32 $0xFFFFFF80  }
0x21: {  	[tilespmem:s14], [sflag:$0x2] =	stream.linear.gather [hbm4b:s31+s3], $0x80, $0x38;
	[tilespmem:$0x5900] =	vst v63  }
0x22: {  	_ =	swait.ge [sflag:s13], $0x80  }
0x23: {  	[sflag:s13] =	ssyncset.done $0x0  }
0x24: {  	[sflag:s13] =	ssyncadd.s32 $0xFFFFFF80  }
0x25: {  	[tilespmem:s15], [sflag:$0x1] =	stream.indirect.gather [hbm4b:s4+s14], $0x10, s3, s14, $0xb8;
	[tilespmem:$0x5900] =	vst v63  }
0x26: {  	p1 =	sne.s32 s20, $0x1;
	_ =	swait.ge [sflag:s16], $0x800  }
.Ltmp2:
0x27: {  	[sflag:s16] =	ssyncset.done $0x0;
	(pc) =	sbr.rel @!p1 .LBB2_6-.Ltmp2, $4  }
0x28: {  	[sflag:s16] =	ssyncadd.s32 $0xFFFFF800  }
0x29: {  	[spmem:s2] =	stream.indirect.scatter.add.f32 [tilespmem:s15], [sflag:$0x2], $0x10, s14, s14, $0xb8;
	[tilespmem:$0x5900] =	vst v63  }
0x2a: {  	s20 =	sadd.s32 $0xFFFFFFFF, s20;
	s21 =	sadd.s32 $0x1000, s11;
	_ =	swait.ge [sflag:s13], $0x800  }
0x2b: {  	p0 =	por $0x1, $0x1;
	s22 =	sshrl.u32 s21, $0x3;
	[sflag:s13] =	ssyncset.done $0x0  }
.LBB2_5:
0x2c: {  	p1 =	sne.s32 s20, $0x1;
	s23 =	sadd.s32 s5, s22;
	[sflag:s13] =	ssyncadd.s32 $0xFFFFF800  }
0x2d: {  	[tilespmem:s3], [sflag:$0x2] =	stream.linear.gather [hbm4b:s23+s3], $0x80, $0x38;
	[tilespmem:$0x5900] =	vst v63  }
0x2e: {  	s20 =	sadd.s32 $0xFFFFFFFF, s20;
	_ =	swait.ge [sflag:s13], $0x80  }
0x2f: {  	[sflag:s13] =	ssyncset.done $0x0  }
0x30: {  	s22 =	sadd.s32 s6, s22;
	[sflag:s13] =	ssyncadd.s32 $0xFFFFFF80  }
0x31: {  	[tilespmem:s14], [sflag:$0x2] =	stream.linear.gather [hbm4b:s22+s3], $0x80, $0x38;
	[tilespmem:$0x5900] =	vst v63  }
0x32: {  	_ =	swait.ge [sflag:s13], $0x80  }
0x33: {  	[sflag:s13] =	ssyncset.done $0x0  }
0x34: {  	[sflag:s13] =	ssyncadd.s32 $0xFFFFFF80  }
0x35: {  	[tilespmem:s15], [sflag:$0x1] =	stream.indirect.gather [hbm4b:s4+s14], $0x10, s3, s14, $0xb8;
	[tilespmem:$0x5900] =	vst v63  }
0x36: {  	_ =	swait.ge [sflag:s16], $0x800  }
.Ltmp3:
0x37: {  	[sflag:s16] =	ssyncset.done $0x0;
	(pc) =	sbr.rel @p1 .LBB2_5-.Ltmp3, $4  }
0x38: {  	[sflag:s16] =	ssyncadd.s32 $0xFFFFF800  }
0x39: {  	[spmem:s2] =	stream.indirect.scatter.add.f32 [tilespmem:s15], [sflag:$0x2], $0x10, s14, s14, $0xb8;
	[tilespmem:$0x5900] =	vst v63  }
0x3a: {  	s21 =	sadd.s32 $0x1000, s21;
	_ =	swait.ge [sflag:s13], $0x800  }
0x3b: {  	s22 =	sshrl.u32 s21, $0x3;
	[sflag:s13] =	ssyncset.done $0x0  }
.LBB2_6:
0x3c: {  	s20 =	sadd.s32 s5, s22;
	[sflag:s13] =	ssyncadd.s32 @p0 $0xFFFFF800  }
0x3d: {  	[tilespmem:s3], [sflag:$0x2] =	stream.linear.gather [hbm4b:s20+s3], $0x80, $0x38;
	[tilespmem:$0x5900] =	vst v63  }
0x3e: {  	_ =	swait.ge [sflag:s13], $0x80  }
0x3f: {  	[sflag:s13] =	ssyncset.done $0x0  }
0x40: {  	s31 =	sadd.s32 s6, s22;
	[sflag:s13] =	ssyncadd.s32 $0xFFFFFF80  }
0x41: {  	[tilespmem:s14], [sflag:$0x2] =	stream.linear.gather [hbm4b:s31+s3], $0x80, $0x38;
	[tilespmem:$0x5900] =	vst v63  }
0x42: {  	_ =	swait.ge [sflag:s13], $0x80  }
0x43: {  	[sflag:s13] =	ssyncset.done $0x0  }
0x44: {  	[sflag:s13] =	ssyncadd.s32 $0xFFFFFF80  }
0x45: {  	[tilespmem:s15], [sflag:$0x1] =	stream.indirect.gather [hbm4b:s4+s14], $0x10, s3, s14, $0xb8;
	[tilespmem:$0x5900] =	vst v63  }
0x46: {  	_ =	swait.ge [sflag:s16], $0x800  }
0x47: {  	[sflag:s16] =	ssyncset.done $0x0  }
0x48: {  	[sflag:s16] =	ssyncadd.s32 $0xFFFFF800  }
0x49: {  	[spmem:s2] =	stream.indirect.scatter.add.f32 [tilespmem:s15], [sflag:$0x2], $0x10, s14, s14, $0xb8;
	[tilespmem:$0x5900] =	vst v63  }
0x4a: {  	_ =	swait.ge [sflag:s13], $0x800  }
0x4b: {  	s19 =	sadd.s32 $0x1, s19;
	[sflag:s13] =	ssyncset.done $0x0  }
0x4c: {  	p0 =	sne.s32 s19, s9;
	[sflag:s13] =	ssyncadd.s32 $0xFFFFF800  }
.Ltmp4:
0x4d: {  	[bflag:$0x0] =	sbarrier.arrive $0xFFFF;
	(pc) =	sbr.rel @p0 .LBB2_1-.Ltmp4, $4  }
0x4e: {  	[hbm:s8], [sflag:s17] =	dma.local [spmem:s18], $0x500  }
0x4f: {  	_ =	swait.ge [sflag:s13], $0x500  }
0x50: {  	[sflag:s13] =	ssyncset.done $0x0  }
0x51: {  	[sflag:s13] =	ssyncadd.s32 $0xFFFFFB00  }
0x52: {  	_ =	sfence.sel $0x180000  }
0x53: {  	[bflag:$0x0] =	sbarrier.arrive $0xFFFF  }
0x54: {  	p0 =	sne.s32 s1, $0x0;
	_ =	strace $0x90000053  }
0x55: {  	s0 =	sadd.s32 @!p0 $0x100000, s0;
	[bflag:$0x2] =	sbarrier.arrive $0xFFFF  }
0x56: {  	[sflag:s0] =	ssyncadd.tile.s32 @!p0 $0x1;
	_ =	shalt  }
.Lfunc_end2:
_tile_overlayer_lowered:
.L_overlay_start_2:
0x57: {  	(tag) =	ssettag $0x2  }
0x58: {  	s0 =	rddreg [dreg:$0x0];
	s2 =	stileid.u32  }
0x59: {  	s1 =	rddreg [dreg:$0x1];
	p0 =	sne.s32 s2, $0x0  }
0x5a: {  	s3 =	rddreg [dreg:$0x2];
	[bflag:$0x3] =	sbarrier.arrive $0xFFFF;
	s2 =	simm.s32 @!p0 $0x1C02  }
0x5b: {  	[timem:s3], [sflag:s2] =	dma.local @!p0 [hbm:s0], s1  }
0x5c: {  	s0 =	simm.s32 @!p0 $0x2  }
0x5d: {  	_ =	swait.ge @!p0 [sflag:s0], s1  }
0x5e: {  	s1 =	ssub.s32 @!p0 $0x0, s1;
	[sflag:s0] =	ssyncset.done @!p0 $0x0  }
0x5f: {  	[sflag:s0] =	ssyncadd.s32 @!p0 s1  }
0x60: {  	[bflag:$0x3] =	sbarrier.arrive $0xFFFF  }
0x61: {  	_ =	shalt  }

// kernel: kernel.30.cloned.1.call-start
scs
__scs_entry_jumppad:
0x0: {  	(pc) =	sbr.rel $0x88, $3  }
0x1: {  	(tag) =	ssettag $0x0;
	lr =	simm.s32 $0x1  }
0x2: {  	[smem:$0x3F91] =	sst lr;
	_ =	strace $0xD0000000  }
0x3: {  	_ = 	snop  }
0x4: {  	_ = 	snop  }
0x5: {  	_ = 	snop  }
0x6: {  	_ = 	snop  }
0x7: {  	_ = 	snop  }
__scs_overlays_trampoline_lowered:
0x8: {  	[smem:$0x3FA0] =	sst s0  }
0x9: {  	[smem:$0x3FA1] =	sst s1  }
0xa: {  	[smem:$0x3FA2] =	sst s2  }
0xb: {  	[smem:$0x3FA3] =	sst s3  }
0xc: {  	[smem:$0x3FA4] =	sst s4  }
0xd: {  	[smem:$0x3FA5] =	sst s5  }
0xe: {  	[smem:$0x3FA6] =	sst s6  }
0xf: {  	[smem:$0x3FA7] =	sst s7  }
0x10: {  	[smem:$0x3FA8] =	sst s8  }
0x11: {  	[smem:$0x3FA9] =	sst s9;
	s0 =	simm.s32 @!p0 $0x0  }
0x12: {  	s1 =	sld [smem:$0x3F8F];
	s0 =	simm.s32 @p0 $0x1  }
0x13: {  	[smem:$0x3FAA] =	sst s0;
	s0 =	simm.s32 @!p1 $0x0  }
0x14: {  	s2 =	sld [smem:$0x3F8E];
	s0 =	simm.s32 @p1 $0x1  }
0x15: {  	[smem:$0x3FAB] =	sst s0;
	s0 =	simm.s32 @!p2 $0x0  }
0x16: {  	s3 =	sld [smem:$0x3FDB];
	s0 =	simm.s32 @p2 $0x1  }
0x17: {  	s4 =	simm.s32 $0x1BF5;
	[smem:$0x3FAD] =	sst s0  }
0x18: {  	s0 =	sld [smem:$0x3F90];
	_ =	swait.ge [sflag:s4], $0x0  }
0x19: {  	s7 =	sld [smem:$0x3F91]  }
0x1a: {  	s8 =	sadd.s32 $0xFFFFE003, lr  }
0x1b: {  	s9 =	sadd.s32 $0xFFFFFEF7, lr;
	s5 =	simm.s32 $0xFFFFFFFF;
	p2 =	slt.u32 s8, $0xFFFFF086  }
0x1c: {  	p1 =	slt.u32 s9, $0xF7A;
	s5 =	simm.s32 @!p2 $0x0  }
0x1d: {  	s5 =	simm.s32 @p1 $0x1;
	p0 =	seq.s32 s7, s2  }
0x1e: {  	s7 =	smul.u32 @!p0 $0xF7A, s2;
	p2 =	seq.s32 @!p0 s5, $0x0  }
0x1f: {  	s9 =	smul.u32 $0xF7A, s1;
	s8 =	simm.s32 @!p0 $0x1BF5;
	p2 =	por !p2, p0  }
0x20: {  	[sflag:s8] =	ssyncset.s32 @!p0 $0xFFFFF086;
	s6 =	sadd.s32 @!p0 s3, s7;
	s7 =	simm.s32 @!p0 $0x108  }
0x21: {  	s3 =	sadd.s32 s3, s9;
	s6 =	sadd.s32 @!p0 $0x88, s6;
	s7 =	simm.s32 @p2 $0x1082  }
0x22: {  	[simem:s7], [sflag:s8] =	dma.local @!p0 [hbm:s6], $0xF7A  }
0x23: {  	s9 =	sor.u32 $0xD0000000, s2;
	s6 =	simm.s32 $0x108;
	_ =	swait.ge @!p0 [sflag:s8], $0x0  }
0x24: {  	s3 =	sadd.s32 $0x88, s3;
	s6 =	simm.s32 @!p1 $0x1082;
	[sflag:s4] =	ssyncset.s32 $0xFFFFF086  }
0x25: {  	[simem:s6], [sflag:s4] =	dma.local [hbm:s3], $0xF7A  }
0x26: {  	[smem:$0x3F91] =	sst s1;
	(tag) =	ssettag s2;
	_ =	strace s9  }
0x27: {  	s1 =	sld [smem:$0x3FA1]  }
0x28: {  	s2 =	sld [smem:$0x3FA2]  }
0x29: {  	s4 =	sld [smem:$0x3FA4]  }
0x2a: {  	p0 =	seq.s32 s5, $0x0;
	s5 =	sld [smem:$0x3FA5]  }
0x2b: {  	s6 =	sld [smem:$0x3FA6]  }
0x2c: {  	s7 =	sld [smem:$0x3FA7]  }
0x2d: {  	s3 =	simm.s32 $0x108;
	s8 =	sld [smem:$0x3FA8]  }
0x2e: {  	s3 =	simm.s32 @!p0 $0x1082;
	s9 =	sld [smem:$0x3FA9]  }
0x2f: {  	lr =	sadd.s32 s0, s3;
	s0 =	sld [smem:$0x3FA0]  }
0x30: {  	s3 =	sld [smem:$0x3FA3]  }
0x31: {  	[smem:$0x3FAC] =	sst s10  }
0x32: {  	s10 =	sld [smem:$0x3FAA];
	_ =	sdelay $0x3  }
0x33: {  	p0 =	seq.s32 s10, $0x1;
	s10 =	sld [smem:$0x3FAC];
	_ =	sdelay $0x3  }
0x34: {  	[smem:$0x3FAC] =	sst s10  }
0x35: {  	s10 =	sld [smem:$0x3FAB];
	_ =	sdelay $0x3  }
0x36: {  	p1 =	seq.s32 s10, $0x1;
	s10 =	sld [smem:$0x3FAC];
	_ =	sdelay $0x3  }
0x37: {  	[smem:$0x3FAC] =	sst s10  }
0x38: {  	s10 =	sld [smem:$0x3FAD]  }
0x39: {  	_ = 	snop;
	(pc) =	sbr.ind lr, $3  }
0x3a: {  	_ = 	snop  }
0x3b: {  	_ = 	snop  }
0x3c: {  	p2 =	seq.s32 s10, $0x1;
	s10 =	sld [smem:$0x3FAC]  }
0x3d: {  	_ =	shalt  }
0x3e: {  	_ =	shalt  }
0x3f: {  	_ =	shalt  }
0x40: {  	_ =	shalt  }
0x41: {  	_ =	shalt  }
0x42: {  	_ =	shalt  }
0x43: {  	_ =	shalt  }
0x44: {  	_ =	shalt  }
0x45: {  	_ =	shalt  }
0x46: {  	_ =	shalt  }
0x47: {  	_ =	shalt  }
0x48: {  	_ =	shalt  }
0x49: {  	_ =	shalt  }
0x4a: {  	_ =	shalt  }
0x4b: {  	_ =	shalt  }
0x4c: {  	_ =	shalt  }
0x4d: {  	_ =	shalt  }
0x4e: {  	_ =	shalt  }
0x4f: {  	_ =	shalt  }
0x50: {  	_ =	shalt  }
0x51: {  	_ =	shalt  }
0x52: {  	_ =	shalt  }
0x53: {  	_ =	shalt  }
0x54: {  	_ =	shalt  }
0x55: {  	_ =	shalt  }
0x56: {  	_ =	shalt  }
0x57: {  	_ =	shalt  }
0x58: {  	_ =	shalt  }
0x59: {  	_ =	shalt  }
0x5a: {  	_ =	shalt  }
0x5b: {  	_ =	shalt  }
0x5c: {  	_ =	shalt  }
0x5d: {  	_ =	shalt  }
0x5e: {  	_ =	shalt  }
0x5f: {  	_ =	shalt  }
0x60: {  	_ =	shalt  }
0x61: {  	_ =	shalt  }
0x62: {  	_ =	shalt  }
0x63: {  	_ =	shalt  }
0x64: {  	_ =	shalt  }
0x65: {  	_ =	shalt  }
0x66: {  	_ =	shalt  }
0x67: {  	_ =	shalt  }
0x68: {  	_ =	shalt  }
0x69: {  	_ =	shalt  }
0x6a: {  	_ =	shalt  }
0x6b: {  	_ =	shalt  }
0x6c: {  	_ =	shalt  }
0x6d: {  	_ =	shalt  }
0x6e: {  	_ =	shalt  }
0x6f: {  	_ =	shalt  }
0x70: {  	_ =	shalt  }
0x71: {  	_ =	shalt  }
0x72: {  	_ =	shalt  }
0x73: {  	_ =	shalt  }
0x74: {  	_ =	shalt  }
0x75: {  	_ =	shalt  }
0x76: {  	_ =	shalt  }
0x77: {  	_ =	shalt  }
0x78: {  	_ =	shalt  }
0x79: {  	_ =	shalt  }
0x7a: {  	_ =	shalt  }
0x7b: {  	_ =	shalt  }
0x7c: {  	_ =	shalt  }
0x7d: {  	_ =	shalt  }
0x7e: {  	_ =	shalt  }
0x7f: {  	_ =	shalt  }
0x80: {  	_ =	shalt  }
0x81: {  	_ =	shalt  }
0x82: {  	_ =	shalt  }
0x83: {  	_ =	shalt  }
0x84: {  	_ =	shalt  }
0x85: {  	_ =	shalt  }
0x86: {  	_ =	shalt  }
0x87: {  	_ =	shalt  }
.Lfunc_end0:
.L_simem_size_0:
called_computation.5_lowered:
.L_overlay_start_0:
0x88: {  	s2 =	sld [smem:$0x3FD9]  }
0x89: {  	s3 =	sld [smem:$0x3FFE];
	_ =	sdelay $0x1  }
0x8a: {  	s1 =	srdreg.scid  }
0x8b: {  	s0 =	sand.u32 $0x1, s1  }
0x8c: {  	s17 =	sshll.u32 s0, $0xA;
	s2 =	sadd.s32 s3, s2  }
0x8d: {  	s2 =	sadd.s32 s2, s17  }
0x8e: {  	[smem:$0x3FB8] =	sst s2  }
0x8f: {  	_ = 	snop  }
0x90: {  	s2 =	sld [smem:$0x3FD0];
	(tm) =	ssettm $0x1  }
0x91: {  	s18 =	sld [smem:$0x3FFB];
	_ =	sdelay $0x3  }
0x92: {  	_ =	strace s18  }
0x93: {  	s3 =	sld [smem:$0x3FFC];
	_ =	sdelay $0x3  }
0x94: {  	_ =	strace s3  }
0x95: {  	s3 =	sld [smem:$0x3FFD];
	_ =	sdelay $0x3  }
0x96: {  	_ =	strace s3  }
0x97: {  	_ =	strace $0x8FFFFFFF  }
0x98: {  	s19 =	sld [smem:$0x3FDB];
	_ =	sdelay $0x1  }
0x99: {  	s4 =	simm.s32 $_scs_section_size  }
0x9a: {  	s5 =	simm.s32 $_size__tile_overlayer_lowered;
	s6 =	simm.s32 $_tile_overlayer_lowered  }
0x9b: {  	s22 =	simm.s32 $0x1BFF;
	s21 =	sshll.u32 s6, $0x1;
	s3 =	sadd.s32 s4, s19  }
0x9c: {  	s7 =	simm.s32 $0x0;
	s20 =	sshll.u32 s5, $0x1;
	s5 =	sadd.s32 s21, s3  }
0x9d: {  	[timem:s7], [sflag:s22] =	dma.local [hbm:s5], s20  }
0x9e: {  	_ =	swait.ge [sflag:s22], s20  }
0x9f: {  	s4 =	ssub.s32 $0x0, s20;
	[sflag:s22] =	ssyncset.done $0x0  }
0xa0: {  	[sflag:s22] =	ssyncadd.s32 s4;
	_ =	sdelay $0x1  }
0xa1: {  	s23 =	simm.s32 $0x1B8B  }
0xa2: {  	_ =	swait.ge [sflag:s23], $0x1  }
0xa3: {  	[sflag:s23] =	ssyncset.done $0x0  }
0xa4: {  	s25 =	simm.s32 $0x1B8E;
	s24 =	sld [smem:$0x3FFE];
	[sflag:s23] =	ssyncadd.s32 $0xFFFFFFFF  }
0xa5: {  	s26 =	simm.s32 $execute0_lowered;
	[smem:$0x3FD2] =	sst s25  }
0xa6: {  	s5 =	sshll.u32 s26, $0x1;
	_ =	strace $0x80000055;
	[dreg:$0x1] =	wrdreg $0xFFFFFFFF  }
0xa7: {  	s28 =	simm.s32 $_size_execute0_lowered;
	s3 =	sadd.s32 s3, s5;
	[dreg:$0x0] =	wrdreg $0x0  }
0xa8: {  	s5 =	sshll.u32 s28, $0x1;
	[dreg:$0x2] =	wrdreg s3  }
0xa9: {  	[dreg:$0x3] =	wrdreg s5  }
0xaa: {  	[dreg:$0x4] =	wrdreg $0xC0  }
0xab: {  	_ =	task [dreg:s7], $0x5FFFF  }
0xac: {  	[dreg:$0x1] =	wrdreg $0xFFFFFFFF  }
0xad: {  	[dreg:$0x0] =	wrdreg $0x60  }
0xae: {  	[dreg:$0x2] =	wrdreg s24  }
0xaf: {  	[dreg:$0x3] =	wrdreg s2  }
0xb0: {  	[dreg:$0x4] =	wrdreg $0x9  }
0xb1: {  	_ =	task.clear_ibuf [dreg:s7], $0x5FFFF;
	_ =	strace $0x90000055  }
0xb2: {  	s29 =	simm.s32 $0x9;
	_ =	strace $0x80000057  }
0xb3: {  	_ =	swait.ge [sflag:s29], $0x1  }
0xb4: {  	[sflag:s29] =	ssyncadd.s32 $0xFFFFFFFF  }
0xb5: {  	_ =	strace $0x90000057  }
0xb6: {  	_ =	sfence  }
0xb7: {  	s30 =	sld [smem:$0x0];
	_ =	sdelay $0x2  }
0xb8: {  	s31 =	sshll.u32 s1, $0xD;
	s1 =	sshrl.u32 s1, $0x2  }
0xb9: {  	s3 =	sand.u32 $0x4000, s31;
	s1 =	sadd.s32 s1, s30  }
0xba: {  	s0 =	sor.u32 s3, s0;
	s1 =	sshll.u32 s1, $0x11  }
0xbb: {  	s0 =	sor.u32 s1, s0  }
0xbc: {  	s0 =	sadd.s32 $0x8F2B, s0  }
0xbd: {  	[sflag:s0] =	ssyncadd.remote.s32 $0x1  }
0xbe: {  	_ =	sfence.sel $0xFFFF  }
0xbf: {  	[dreg:$0x0] =	wrdreg $0xFFFFFFFF;
	(pc) =	sbr.abs _section_cstart, $3  }
0xc0: {  	[dreg:$0x1] =	wrdreg $0xFFFFFFFF  }
0xc1: {  	_ =	task.clear_ibuf [dreg:s7], $0x2FFFF;
	_ =	strace $0x9FFFFFFF  }
0xc2: {  	(tm) =	ssettm $0x7FFFFFFF  }
0xc3: {  	_ =	shalt  }
tec
execute0_lowered:
.L_overlay_start_1:
0x0: {  	(tag) =	ssettag $0x1  }
0x1: {  	s1 =	srdreg.scid  }
0x2: {  	s8 =	rddreg [dreg:$0x0];
	s0 =	stileid.u32  }
0x3: {  	s3 =	rddreg [dreg:$0x1];
	s2 =	simm.s32 $0x0;
	s6 =	sand.u32 $0x1, s1  }
0x4: {  	s4 =	sshll.u32 s0, $0x7;
	s1 =	rddreg [dreg:$0x2];
	s5 =	sshll.u32 s6, $0x6  }
0x5: {  	s7 =	simm.s32 $0x1;
	[smem:$0x7FF] =	sst s2;
	s9 =	sor.u32 s5, s4  }
0x6: {  	_ =	strace $0x80000056;
	s10 =	ssub.s32 $0x2, s6;
	s4 =	sshrl.u32 s9, $0x3  }
0x7: {  	s6 =	simm.s32 $0x40;
	s4 =	sadd.s32 s3, s4;
	s3 =	simm.s32 $0x2  }
0x8: {  	[tilespmem:s2], [sflag:$0x2] =	stream.linear.gather [hbm4b:s4+s2], $0x40, $0x38;
	[tilespmem:$0x2040] =	vst v63  }
0x9: {  	s5 =	sadd.s32 $0xCB600, s8;
	s11 =	sshrl.u32 s10, $0x1;
	_ =	swait.ge [sflag:s3], $0x40  }
0xa: {  	s9 =	sshll.u32 s9, $0x4;
	s31 =	ssub.s32 s10, s11;
	[sflag:s3] =	ssyncset.done $0x0  }
0xb: {  	s8 =	sadd.s32 s9, s8;
	s9 =	smax.u32 s31, $0x1;
	[sflag:s3] =	ssyncadd.s32 $0xFFFFFFC0  }
0xc: {  	[tilespmem:s6], [sflag:$0x1] =	stream.indirect.gather [hbm4b:s5+s6], $0x80, s2, s6, $0xb8;
	[tilespmem:$0x2040] =	vst v63  }
0xd: {  	p0 =	sne.s32 s9, $0x1;
	_ =	swait.ge [sflag:s7], $0x2000  }
.Ltmp0:
0xe: {  	[sflag:s7] =	ssyncset.done $0x0;
	(pc) =	sbr.rel @!p0 .LBB2_2-.Ltmp0, $4  }
0xf: {  	s8 =	sadd.s32 $0x4A00, s8;
	[sflag:s7] =	ssyncadd.s32 $0xFFFFE000  }
0x10: {  	[hbm4b:s8+s2] =	stream.linear.scatter [tilespmem:s6], [sflag:$0x2], $0x2000, $0x38;
	[tilespmem:$0x2040] =	vst v63  }
0x11: {  	_ =	swait.ge [sflag:s3], $0x2000  }
0x12: {  	s9 =	sadd.s32 $0xFFFFFFFF, s9;
	[sflag:s3] =	ssyncset.done $0x0  }
.LBB2_1:
0x13: {  	p0 =	sne.s32 s9, $0x1;
	s9 =	sadd.s32 $0xFFFFFFFF, s9;
	[sflag:s3] =	ssyncadd.s32 $0xFFFFE000  }
0x14: {  	[tilespmem:s2], [sflag:$0x2] =	stream.linear.gather [hbm4b:s4+s2], $0x40, $0x38;
	[tilespmem:$0x2040] =	vst v63  }
0x15: {  	_ =	swait.ge [sflag:s3], $0x40  }
0x16: {  	[sflag:s3] =	ssyncset.done $0x0  }
0x17: {  	[sflag:s3] =	ssyncadd.s32 $0xFFFFFFC0  }
0x18: {  	[tilespmem:s6], [sflag:$0x1] =	stream.indirect.gather [hbm4b:s5+s6], $0x80, s2, s6, $0xb8;
	[tilespmem:$0x2040] =	vst v63  }
0x19: {  	_ =	swait.ge [sflag:s7], $0x2000  }
.Ltmp1:
0x1a: {  	[sflag:s7] =	ssyncset.done $0x0;
	(pc) =	sbr.rel @p0 .LBB2_1-.Ltmp1, $4  }
0x1b: {  	[sflag:s7] =	ssyncadd.s32 $0xFFFFE000  }
0x1c: {  	[hbm4b:s8+s2] =	stream.linear.scatter [tilespmem:s6], [sflag:$0x2], $0x2000, $0x38;
	[tilespmem:$0x2040] =	vst v63  }
0x1d: {  	_ =	swait.ge [sflag:s3], $0x2000  }
0x1e: {  	[sflag:s3] =	ssyncset.done $0x0  }
.LBB2_2:
0x1f: {  	[sflag:s3] =	ssyncadd.s32 $0xFFFFE000  }
0x20: {  	_ =	sfence.sel $0x180000  }
0x21: {  	[bflag:$0x0] =	sbarrier.arrive $0xFFFF  }
0x22: {  	p0 =	sne.s32 s0, $0x0;
	_ =	strace $0x90000056  }
0x23: {  	s0 =	sadd.s32 @!p0 $0x100000, s1;
	[bflag:$0x2] =	sbarrier.arrive $0xFFFF  }
0x24: {  	[sflag:s0] =	ssyncadd.tile.s32 @!p0 $0x1;
	_ =	shalt  }
.Lfunc_end2:
_tile_overlayer_lowered:
.L_overlay_start_2:
0x25: {  	(tag) =	ssettag $0x2  }
0x26: {  	s0 =	rddreg [dreg:$0x0];
	s2 =	stileid.u32  }
0x27: {  	s1 =	rddreg [dreg:$0x1];
	p0 =	sne.s32 s2, $0x0  }
0x28: {  	s3 =	rddreg [dreg:$0x2];
	[bflag:$0x3] =	sbarrier.arrive $0xFFFF;
	s2 =	simm.s32 @!p0 $0x1C02  }
0x29: {  	[timem:s3], [sflag:s2] =	dma.local @!p0 [hbm:s0], s1  }
0x2a: {  	s0 =	simm.s32 @!p0 $0x2  }
0x2b: {  	_ =	swait.ge @!p0 [sflag:s0], s1  }
0x2c: {  	s1 =	ssub.s32 @!p0 $0x0, s1;
	[sflag:s0] =	ssyncset.done @!p0 $0x0  }
0x2d: {  	[sflag:s0] =	ssyncadd.s32 @!p0 s1  }
0x2e: {  	[bflag:$0x3] =	sbarrier.arrive $0xFFFF  }
0x2f: {  	_ =	shalt  }

</sc_bundles>
